<compile_context>
chip_gen: v7x
topology: tpu7x:2x2x1
jax: 0.10.2.dev20260603
libtpu: 0.0.44.dev20260713+nightly
codegen_flags: <defaults>
</compile_context>

<pallas_src>
import functools

import jax
import jax.numpy as jnp
from jax import lax
from jax.experimental import pallas as pl
from jax.experimental.pallas import tpu as pltpu
from jax.experimental.pallas import tpu_sc as plsc

NN = 10000
DD = 128
HH = 128
OO = 64
EE = 320000

NCORES = 2
NSUB = 16
NW = NCORES * NSUB

P = 10240
STRIPE = P // NSUB
TPW = 10240
EP = NW * TPW
CCH = 128
NBUF = 2

RB = 1000
GRID = NN // RB

NC0 = 120
NC1 = 40
PH = 40

_mesh = plsc.VectorSubcoreMesh(core_axis_name="c", subcore_axis_name="s")


@functools.partial(
    pl.kernel,
    out_type=jax.ShapeDtypeStruct((NCORES, P), jnp.float32),
    mesh=_mesh,
    scratch_types=[
        pltpu.VMEM((TPW,), jnp.int32),
        pltpu.VMEM((P,), jnp.float32),
        pltpu.VMEM((STRIPE,), jnp.float32),
        pltpu.VMEM((STRIPE,), jnp.float32),
        pltpu.VMEM_SHARED((NSUB, P), jnp.float32),
    ],
    compiler_params=pltpu.CompilerParams(needs_layout_passes=False),
)
def _sc_hist(dst_hbm, zeros1_hbm, out_hbm, dstv, hist, accl, tmp, shist):
    c = lax.axis_index("c")
    s = lax.axis_index("s")
    wid = c * NSUB + s
    pltpu.sync_copy(zeros1_hbm, hist)
    pltpu.sync_copy(dst_hbm.at[pl.ds(wid * TPW, TPW)], dstv)
    ones16 = jnp.ones((16,), jnp.float32)

    def chunk_body(k, carry):
        for j in range(4):
            idx = dstv[pl.ds(k * 64 + j * 16, 16)]
            plsc.addupdate_scatter(hist, [idx], ones16)
        return carry

    lax.fori_loop(0, TPW // 64, chunk_body, 0)
    pltpu.sync_copy(hist, shist.at[s])
    plsc.subcore_barrier()

    pltpu.sync_copy(zeros1_hbm.at[pl.ds(0, STRIPE)], accl)

    def red_body(t, carry):
        pltpu.sync_copy(shist.at[t, pl.ds(s * STRIPE, STRIPE)], tmp)
        for i in range(STRIPE // 16):
            sl = pl.ds(i * 16, 16)
            accl[sl] = accl[sl] + tmp[sl]
        return carry

    lax.fori_loop(0, NSUB, red_body, 0)
    pltpu.sync_copy(accl, out_hbm.at[c, pl.ds(s * STRIPE, STRIPE)])


@functools.partial(
    pl.kernel,
    out_type=jax.ShapeDtypeStruct((NCORES, P, DD), jnp.float32),
    mesh=_mesh,
    scratch_types=[
        pltpu.VMEM((PH, CCH), jnp.int32),
        pltpu.VMEM((PH, CCH), jnp.int32),
    ] + [pltpu.VMEM((CCH, DD), jnp.float32) for _ in range(NBUF)] + [
        pltpu.VMEM_SHARED((P, DD), jnp.float32),
    ] + [pltpu.SemaphoreType.DMA for _ in range(NBUF)],
)
def _sc_conv(y_hbm, src_hbm, dst_hbm, zeros2_hbm, out_hbm,
             srcv, dstv, *rest):
    rows = rest[:NBUF]
    acc = rest[NBUF]
    sems = rest[NBUF + 1:]
    c = lax.axis_index("c")
    s = lax.axis_index("s")
    pltpu.sync_copy(zeros2_hbm, acc.at[pl.ds(s * STRIPE, STRIPE)])
    plsc.subcore_barrier()

    nph = jnp.where(c == 0, NC0 // PH, NC1 // PH)
    cbase = jnp.where(c == 0, s * NC0, NSUB * NC0 + s * NC1)

    def phase_body(p, carry):
        pbase = cbase + p * PH
        pltpu.sync_copy(src_hbm.at[pl.ds(pbase, PH)], srcv)
        pltpu.sync_copy(dst_hbm.at[pl.ds(pbase, PH)], dstv)
        for b in range(NBUF):
            pltpu.async_copy(y_hbm.at[srcv.at[b]], rows[b], sems[b])

        def chunk_body(kk, carry2):
            for b in range(NBUF):
                k = kk * NBUF + b
                pltpu.make_async_copy(y_hbm.at[srcv.at[k]], rows[b],
                                      sems[b]).wait()
                pltpu.sync_copy(rows[b], acc.at[dstv.at[k]], add=True)

                @pl.when(k + NBUF < PH)
                def _():
                    pltpu.async_copy(y_hbm.at[srcv.at[k + NBUF]], rows[b],
                                     sems[b])
            return carry2

        lax.fori_loop(0, PH // NBUF, chunk_body, 0)
        return carry

    lax.fori_loop(0, nph, phase_body, 0)
    plsc.subcore_barrier()
    pltpu.sync_copy(acc.at[pl.ds(s * STRIPE, STRIPE)],
                    out_hbm.at[c, pl.ds(s * STRIPE, STRIPE)])


_TC_PARAMS = pltpu.CompilerParams(dimension_semantics=("arbitrary",))


def _dinv_body(cnt_ref, dinv_ref):
    dinv_ref[...] = lax.rsqrt(cnt_ref[0:1, :] + cnt_ref[1:2, :] + 1.0)


def _dinv_call(counts):
    return pl.pallas_call(
        _dinv_body,
        out_shape=jax.ShapeDtypeStruct((1, P), jnp.float32),
    )(counts)


def _c1_body(x_ref, rw_ref, rb_ref, w1_ref, dinv_ref, xproj_ref, y1_ref):
    xp = jnp.dot(x_ref[...], rw_ref[...],
                 preferred_element_type=jnp.float32) + rb_ref[...]
    xproj_ref[...] = xp
    y1_ref[...] = jnp.dot(xp, w1_ref[...],
                          preferred_element_type=jnp.float32) * dinv_ref[...]


def _c1_call(x, res_W, res_b, W1, dinv_col):
    return pl.pallas_call(
        _c1_body,
        grid=(GRID,),
        in_specs=[
            pl.BlockSpec((RB, DD), lambda i: (i, 0)),
            pl.BlockSpec((DD, HH), lambda i: (0, 0)),
            pl.BlockSpec((1, HH), lambda i: (0, 0)),
            pl.BlockSpec((HH, HH), lambda i: (0, 0)),
            pl.BlockSpec((RB, 1), lambda i: (i, 0)),
        ],
        out_specs=[
            pl.BlockSpec((RB, HH), lambda i: (i, 0)),
            pl.BlockSpec((RB, HH), lambda i: (i, 0)),
        ],
        out_shape=[
            jax.ShapeDtypeStruct((NN, HH), jnp.float32),
            jax.ShapeDtypeStruct((P, HH), jnp.float32),
        ],
        compiler_params=_TC_PARAMS,
    )(x, res_W, res_b, W1, dinv_col)


def _post_body(p_ref, y_ref, dinv_ref, b_ref, out_ref, st_ref):
    o = dinv_ref[...] * (p_ref[0] + p_ref[1] + y_ref[...]) + b_ref[...]
    out_ref[...] = o

    @pl.when(pl.program_id(0) == 0)
    def _():
        st_ref[...] = jnp.zeros_like(st_ref)

    s0 = jnp.sum(o, axis=0, keepdims=True)
    s1 = jnp.sum(o * o, axis=0, keepdims=True)
    st_ref[...] += jnp.concatenate([s0, s1], axis=0)


def _post_call(partials, y, dinv_col, b):
    return pl.pallas_call(
        _post_body,
        grid=(GRID,),
        in_specs=[
            pl.BlockSpec((NCORES, RB, HH), lambda i: (0, i, 0)),
            pl.BlockSpec((RB, HH), lambda i: (i, 0)),
            pl.BlockSpec((RB, 1), lambda i: (i, 0)),
            pl.BlockSpec((1, HH), lambda i: (0, 0)),
        ],
        out_specs=[
            pl.BlockSpec((RB, HH), lambda i: (i, 0)),
            pl.BlockSpec((2, HH), lambda i: (0, 0)),
        ],
        out_shape=[
            jax.ShapeDtypeStruct((NN, HH), jnp.float32),
            jax.ShapeDtypeStruct((2, HH), jnp.float32),
        ],
        compiler_params=_TC_PARAMS,
    )(partials, y, dinv_col, b)


def _bn_coeffs(st_ref, g_ref, be_ref):
    m = st_ref[0:1, :] * (1.0 / NN)
    v = st_ref[1:2, :] * (1.0 / NN) - m * m
    a = g_ref[...] * lax.rsqrt(v + 1e-5)
    return a, be_ref[...] - m * a


def _c2_body(o1_ref, st_ref, g_ref, be_ref, w2_ref, dinv_ref, y2_ref):
    a, cc = _bn_coeffs(st_ref, g_ref, be_ref)
    h = jnp.maximum(o1_ref[...] * a + cc, 0.0)
    y2_ref[...] = jnp.dot(h, w2_ref[...],
                          preferred_element_type=jnp.float32) * dinv_ref[...]


def _c2_call(out1, st1, g1, be1, W2, dinv_col):
    return pl.pallas_call(
        _c2_body,
        grid=(GRID,),
        in_specs=[
            pl.BlockSpec((RB, HH), lambda i: (i, 0)),
            pl.BlockSpec((2, HH), lambda i: (0, 0)),
            pl.BlockSpec((1, HH), lambda i: (0, 0)),
            pl.BlockSpec((1, HH), lambda i: (0, 0)),
            pl.BlockSpec((HH, HH), lambda i: (0, 0)),
            pl.BlockSpec((RB, 1), lambda i: (i, 0)),
        ],
        out_specs=pl.BlockSpec((RB, HH), lambda i: (i, 0)),
        out_shape=jax.ShapeDtypeStruct((P, HH), jnp.float32),
        compiler_params=_TC_PARAMS,
    )(out1, st1, g1, be1, W2, dinv_col)


def _cls1_body(o2_ref, st_ref, g_ref, be_ref, xp_ref, wc1_ref, bc1_ref,
               t_ref, stt_ref):
    a, cc = _bn_coeffs(st_ref, g_ref, be_ref)
    h = jnp.maximum(o2_ref[...] * a + cc, 0.0) + xp_ref[...]
    t = jnp.dot(h, wc1_ref[...],
                preferred_element_type=jnp.float32) + bc1_ref[...]
    t_ref[...] = t

    @pl.when(pl.program_id(0) == 0)
    def _():
        stt_ref[...] = jnp.zeros_like(stt_ref)

    s0 = jnp.sum(t, axis=0, keepdims=True)
    s1 = jnp.sum(t * t, axis=0, keepdims=True)
    stt_ref[...] += jnp.concatenate([s0, s1], axis=0)


def _cls1_call(out2, st2, g2, be2, xproj, Wc1, bc1):
    return pl.pallas_call(
        _cls1_body,
        grid=(GRID,),
        in_specs=[
            pl.BlockSpec((RB, HH), lambda i: (i, 0)),
            pl.BlockSpec((2, HH), lambda i: (0, 0)),
            pl.BlockSpec((1, HH), lambda i: (0, 0)),
            pl.BlockSpec((1, HH), lambda i: (0, 0)),
            pl.BlockSpec((RB, HH), lambda i: (i, 0)),
            pl.BlockSpec((HH, OO), lambda i: (0, 0)),
            pl.BlockSpec((1, OO), lambda i: (0, 0)),
        ],
        out_specs=[
            pl.BlockSpec((RB, OO), lambda i: (i, 0)),
            pl.BlockSpec((2, OO), lambda i: (0, 0)),
        ],
        out_shape=[
            jax.ShapeDtypeStruct((NN, OO), jnp.float32),
            jax.ShapeDtypeStruct((2, OO), jnp.float32),
        ],
        compiler_params=_TC_PARAMS,
    )(out2, st2, g2, be2, xproj, Wc1, bc1)


def _cls2_body(t_ref, st_ref, g_ref, be_ref, wc2_ref, bc2_ref, out_ref):
    a, cc = _bn_coeffs(st_ref, g_ref, be_ref)
    z = jnp.maximum(t_ref[...] * a + cc, 0.0)
    lg = jnp.dot(z, wc2_ref[...],
                 preferred_element_type=jnp.float32) + bc2_ref[...]
    mx = jnp.max(lg, axis=1, keepdims=True)
    lse = jnp.log(jnp.sum(jnp.exp(lg - mx), axis=1, keepdims=True)) + mx
    out_ref[...] = lg - lse


def _cls2_call(t, stt, gc, bec, Wc2, bc2):
    return pl.pallas_call(
        _cls2_body,
        grid=(GRID,),
        in_specs=[
            pl.BlockSpec((RB, OO), lambda i: (i, 0)),
            pl.BlockSpec((2, OO), lambda i: (0, 0)),
            pl.BlockSpec((1, OO), lambda i: (0, 0)),
            pl.BlockSpec((1, OO), lambda i: (0, 0)),
            pl.BlockSpec((OO, OO), lambda i: (0, 0)),
            pl.BlockSpec((1, OO), lambda i: (0, 0)),
        ],
        out_specs=pl.BlockSpec((RB, OO), lambda i: (i, 0)),
        out_shape=jax.ShapeDtypeStruct((NN, OO), jnp.float32),
        compiler_params=_TC_PARAMS,
    )(t, stt, gc, bec, Wc2, bc2)


def kernel(x, edge_index, res_W, res_b, W1, b1, g1, be1, W2, b2, g2, be2,
           Wc1, bc1, gc, bec, Wc2, bc2):
    pad = jnp.full((EP - EE,), NN, jnp.int32)
    srcp = jnp.concatenate([edge_index[0], pad])
    dstp = jnp.concatenate([edge_index[1], pad])
    src2 = srcp.reshape(EP // CCH, CCH)
    dst2 = dstp.reshape(EP // CCH, CCH)
    zeros1 = jnp.zeros((P,), jnp.float32)
    zeros2 = jnp.zeros((STRIPE, DD), jnp.float32)

    counts = _sc_hist(dstp, zeros1)
    dinv_col = _dinv_call(counts).reshape(P, 1)

    xproj, y1 = _c1_call(x, res_W, res_b.reshape(1, HH), W1, dinv_col)
    p1 = _sc_conv(y1, src2, dst2, zeros2)
    out1, st1 = _post_call(p1, y1, dinv_col, b1.reshape(1, HH))

    y2 = _c2_call(out1, st1, g1.reshape(1, HH), be1.reshape(1, HH), W2,
                  dinv_col)
    p2 = _sc_conv(y2, src2, dst2, zeros2)
    out2, st2 = _post_call(p2, y2, dinv_col, b2.reshape(1, HH))

    t, stt = _cls1_call(out2, st2, g2.reshape(1, HH), be2.reshape(1, HH),
                        xproj, Wc1, bc1.reshape(1, OO))
    return _cls2_call(t, stt, gc.reshape(1, OO), bec.reshape(1, OO), Wc2,
                      bc2.reshape(1, OO))

# --- scband reference (transcript-rebuilt; emitter-appended) ---
"""Pipeline reference for scband-gcn-vanilla-20916490731917 (READ-ONLY COPY).

The authoritative reference and input builder live on the scoring server;
editing this copy changes nothing except your own understanding.
"""

import jax, jax.numpy as jnp
import numpy as np

N = 10000
E = 320000
D = 128
H = 128
O = 64


def setup_inputs(seed: int = 0) -> dict:
    key = jax.random.key(seed)
    ks = jax.random.split(key, 20)
    s = 0.05
    return {
        "x": jax.random.normal(ks[0], (N, D), jnp.float32),
        "edge_index": jax.random.randint(ks[1], (2, E), 0, N, dtype=jnp.int32),
        "res_W": jax.random.normal(ks[2], (D, H), jnp.float32) * s,
        "res_b": jnp.zeros((H,), jnp.float32),
        "W1": jax.random.normal(ks[3], (H, H), jnp.float32) * s,
        "b1": jnp.zeros((H,), jnp.float32),
        "g1": jnp.ones((H,), jnp.float32),
        "be1": jnp.zeros((H,), jnp.float32),
        "W2": jax.random.normal(ks[4], (H, H), jnp.float32) * s,
        "b2": jnp.zeros((H,), jnp.float32),
        "g2": jnp.ones((H,), jnp.float32),
        "be2": jnp.zeros((H,), jnp.float32),
        "Wc1": jax.random.normal(ks[5], (H, H // 2), jnp.float32) * s,
        "bc1": jnp.zeros((H // 2,), jnp.float32),
        "gc": jnp.ones((H // 2,), jnp.float32),
        "bec": jnp.zeros((H // 2,), jnp.float32),
        "Wc2": jax.random.normal(ks[6], (H // 2, O), jnp.float32) * s,
        "bc2": jnp.zeros((O,), jnp.float32),
    }


def _gcn_conv(x, edge_index, W, b, n):
    # PyG GCNConv: x' = W x; add self-loops; symmetric degree normalization; scatter-add; + bias
    x = x @ W
    loop = jnp.arange(n, dtype=edge_index.dtype)
    src = jnp.concatenate([edge_index[0], loop])
    dst = jnp.concatenate([edge_index[1], loop])
    deg = jnp.zeros((n,), x.dtype).at[dst].add(1.0)
    dinv = jnp.where(deg > 0, 1.0 / jnp.sqrt(deg), 0.0)
    norm = dinv[src] * dinv[dst]
    msg = x[src] * norm[:, None]
    out = jnp.zeros((n, x.shape[1]), x.dtype).at[dst].add(msg)
    return out + b


def _bn(x, g, b):
    # BatchNorm1d in training mode: batch statistics, biased variance, eps=1e-5
    m = jnp.mean(x, axis=0)
    v = jnp.var(x, axis=0)
    return (x - m) / jnp.sqrt(v + 1e-5) * g + b


def reference(x, edge_index, res_W, res_b, W1, b1, g1, be1, W2, b2, g2, be2, Wc1, bc1, gc, bec, Wc2, bc2):
    x_proj = x @ res_W + res_b
    h = jax.nn.relu(_bn(_gcn_conv(x_proj, edge_index, W1, b1, N), g1, be1))
    h = jax.nn.relu(_bn(_gcn_conv(h, edge_index, W2, b2, N), g2, be2)) + x_proj
    z = jax.nn.relu(_bn(h @ Wc1 + bc1, gc, bec))
    # dropout is identity in eval mode
    logits = z @ Wc2 + bc2
    return jax.nn.log_softmax(logits, axis=1)

if __name__ == "__main__":
    import jax
    _d = setup_inputs()
    print(jax.jit(kernel)(*tuple(_d.values())))

</pallas_src>

<mosaic_0001>
#map = affine_map<(d0, d1) -> (0)>
#map1 = affine_map<(d0, d1) -> (0, 0)>
module attributes {stable_mosaic.version = 14 : i64} {
  func.func @_sc_hist(%arg0: i32, %arg1: i32, %arg2: memref<327680xi32, #tpu.memory_space<hbm>>, %arg3: memref<10240xf32, #tpu.memory_space<hbm>>, %arg4: memref<2x10240xf32, #tpu.memory_space<hbm>>, %arg5: memref<10240xi32, #tpu.memory_space<vmem>>, %arg6: memref<10240xf32, #tpu.memory_space<vmem>>, %arg7: memref<640xf32, #tpu.memory_space<vmem>>, %arg8: memref<640xf32, #tpu.memory_space<vmem>>, %arg9: memref<16x10240xf32, #tpu.memory_space<vmem_shared>>) attributes {dimension_semantics = [#tpu.dimension_semantics<core_parallel>, #tpu.dimension_semantics<subcore_parallel>], iteration_bounds = array<i64: 2, 16>, scalar_prefetch = 0 : i64, scratch_operands = 5 : i64, tpu.core_type = #tpu.core_type<sc_vector_subcore>, window_params = [{transform_indices = #map}, {transform_indices = #map}, {transform_indices = #map1}]} {
    %mul3A = arith.constant 16 : i32
    %mul3A_0 = arith.muli %arg0, %mul3A : i32
    %add3A = arith.addi %mul3A_0, %arg1 : i32
    "tpu.region"() ({
      %run_scoped3A = tpu.sem_alloc : memref<!tpu.dma_semaphore, #tpu.memory_space<semaphore_mem>>
      tpu.enqueue_dma source(%arg3 : memref<10240xf32, #tpu.memory_space<hbm>>) target(%arg6 : memref<10240xf32, #tpu.memory_space<vmem>>) target_semaphore(%run_scoped3A : memref<!tpu.dma_semaphore, #tpu.memory_space<semaphore_mem>>)
      tpu.wait_dma2 semaphore(%run_scoped3A : memref<!tpu.dma_semaphore, #tpu.memory_space<semaphore_mem>>) src(%arg3 : memref<10240xf32, #tpu.memory_space<hbm>>) dst(%arg6 : memref<10240xf32, #tpu.memory_space<vmem>>)
      tpu.yield
    }) : () -> ()
    %mul3A_1 = arith.constant 10240 : i32
    %mul3A_2 = arith.muli %add3A, %mul3A_1 : i32
    "tpu.region"() ({
      %run_scoped3A = tpu.sem_alloc : memref<!tpu.dma_semaphore, #tpu.memory_space<semaphore_mem>>
      %dma_start3A = tpu.memref_slice %arg2[%mul3A_2] : memref<327680xi32, #tpu.memory_space<hbm>> -> memref<10240xi32, #tpu.memory_space<hbm>>
      %dma_start3A_17 = tpu.memref_slice %arg2[%mul3A_2] : memref<327680xi32, #tpu.memory_space<hbm>> -> memref<10240xi32, #tpu.memory_space<hbm>>
      tpu.enqueue_dma source(%dma_start3A_17 : memref<10240xi32, #tpu.memory_space<hbm>>) target(%arg5 : memref<10240xi32, #tpu.memory_space<vmem>>) target_semaphore(%run_scoped3A : memref<!tpu.dma_semaphore, #tpu.memory_space<semaphore_mem>>)
      %dma_wait3A = tpu.memref_slice %arg2[%mul3A_2] : memref<327680xi32, #tpu.memory_space<hbm>> -> memref<10240xi32, #tpu.memory_space<hbm>>
      %dma_wait3A_18 = tpu.memref_slice %arg2[%mul3A_2] : memref<327680xi32, #tpu.memory_space<hbm>> -> memref<10240xi32, #tpu.memory_space<hbm>>
      tpu.wait_dma2 semaphore(%run_scoped3A : memref<!tpu.dma_semaphore, #tpu.memory_space<semaphore_mem>>) src(%dma_wait3A_18 : memref<10240xi32, #tpu.memory_space<hbm>>) dst(%arg5 : memref<10240xi32, #tpu.memory_space<vmem>>)
      tpu.yield
    }) : () -> ()
    %broadcast_in_dim3A = arith.constant 1.000000e+00 : f32
    %broadcast_in_dim3A_3 = vector.broadcast %broadcast_in_dim3A : f32 to vector<16xf32>
    %scan3A = arith.constant 0 : i32
    %scan3A_4 = arith.constant 0 : i32
    %scan3A_5 = arith.constant 160 : i32
    %scan3A_6 = arith.addi %scan3A_4, %scan3A_5 : i32
    %scan3A_7 = arith.constant 1 : i32
    scf.for %scan3A_17 = %scan3A_4 to %scan3A_6 step %scan3A_7  : i32 {
      %mul3A_18 = arith.constant 64 : i32
      %mul3A_19 = arith.muli %scan3A_17, %mul3A_18 : i32
      %add3A_20 = arith.constant 0 : i32
      %add3A_21 = arith.addi %mul3A_19, %add3A_20 : i32
      %get3A = arith.index_cast %add3A_21 : i32 to index
      %get3A_22 = tpu.vector_load %arg5[%get3A] {strides = array<i32>} : memref<10240xi32, #tpu.memory_space<vmem>>, vector<16xi32>,
      tpu.vector_store_idx %arg6[%get3A_22], %broadcast_in_dim3A_3 {add = true} : memref<10240xf32, #tpu.memory_space<vmem>>[vector<16xi32>], vector<16xf32>,
      %mul3A_23 = arith.constant 64 : i32
      %mul3A_24 = arith.muli %scan3A_17, %mul3A_23 : i32
      %add3A_25 = arith.constant 16 : i32
      %add3A_26 = arith.addi %mul3A_24, %add3A_25 : i32
      %get3A_27 = arith.index_cast %add3A_26 : i32 to index
      %get3A_28 = tpu.vector_load %arg5[%get3A_27] {strides = array<i32>} : memref<10240xi32, #tpu.memory_space<vmem>>, vector<16xi32>,
      tpu.vector_store_idx %arg6[%get3A_28], %broadcast_in_dim3A_3 {add = true} : memref<10240xf32, #tpu.memory_space<vmem>>[vector<16xi32>], vector<16xf32>,
      %mul3A_29 = arith.constant 64 : i32
      %mul3A_30 = arith.muli %scan3A_17, %mul3A_29 : i32
      %add3A_31 = arith.constant 32 : i32
      %add3A_32 = arith.addi %mul3A_30, %add3A_31 : i32
      %get3A_33 = arith.index_cast %add3A_32 : i32 to index
      %get3A_34 = tpu.vector_load %arg5[%get3A_33] {strides = array<i32>} : memref<10240xi32, #tpu.memory_space<vmem>>, vector<16xi32>,
      tpu.vector_store_idx %arg6[%get3A_34], %broadcast_in_dim3A_3 {add = true} : memref<10240xf32, #tpu.memory_space<vmem>>[vector<16xi32>], vector<16xf32>,
      %mul3A_35 = arith.constant 64 : i32
      %mul3A_36 = arith.muli %scan3A_17, %mul3A_35 : i32
      %add3A_37 = arith.constant 48 : i32
      %add3A_38 = arith.addi %mul3A_36, %add3A_37 : i32
      %get3A_39 = arith.index_cast %add3A_38 : i32 to index
      %get3A_40 = tpu.vector_load %arg5[%get3A_39] {strides = array<i32>} : memref<10240xi32, #tpu.memory_space<vmem>>, vector<16xi32>,
      tpu.vector_store_idx %arg6[%get3A_40], %broadcast_in_dim3A_3 {add = true} : memref<10240xf32, #tpu.memory_space<vmem>>[vector<16xi32>], vector<16xf32>,
    }
    %scan3A_8 = arith.constant 160 : i32
    "tpu.region"() ({
      %run_scoped3A = tpu.sem_alloc : memref<!tpu.dma_semaphore, #tpu.memory_space<semaphore_mem>>
      %dma_start3A = arith.constant 0 : i32
      %dma_start3A_17 = tpu.memref_slice %arg9[%arg1, %dma_start3A] : memref<16x10240xf32, #tpu.memory_space<vmem_shared>> -> memref<1x10240xf32, #tpu.memory_space<vmem_shared>>
      %dma_start3A_18 = tpu.memref_squeeze %dma_start3A_17 : memref<1x10240xf32, #tpu.memory_space<vmem_shared>> -> memref<10240xf32, #tpu.memory_space<vmem_shared>>
      %dma_start3A_19 = arith.constant 0 : i32
      %dma_start3A_20 = tpu.memref_slice %arg9[%arg1, %dma_start3A_19] : memref<16x10240xf32, #tpu.memory_space<vmem_shared>> -> memref<1x10240xf32, #tpu.memory_space<vmem_shared>>
      %dma_start3A_21 = tpu.memref_squeeze %dma_start3A_20 : memref<1x10240xf32, #tpu.memory_space<vmem_shared>> -> memref<10240xf32, #tpu.memory_space<vmem_shared>>
      tpu.enqueue_dma source(%arg6 : memref<10240xf32, #tpu.memory_space<vmem>>) target(%dma_start3A_21 : memref<10240xf32, #tpu.memory_space<vmem_shared>>) target_semaphore(%run_scoped3A : memref<!tpu.dma_semaphore, #tpu.memory_space<semaphore_mem>>)
      %dma_wait3A = arith.constant 0 : i32
      %dma_wait3A_22 = tpu.memref_slice %arg9[%arg1, %dma_wait3A] : memref<16x10240xf32, #tpu.memory_space<vmem_shared>> -> memref<1x10240xf32, #tpu.memory_space<vmem_shared>>
      %dma_wait3A_23 = tpu.memref_squeeze %dma_wait3A_22 : memref<1x10240xf32, #tpu.memory_space<vmem_shared>> -> memref<10240xf32, #tpu.memory_space<vmem_shared>>
      %dma_wait3A_24 = arith.constant 0 : i32
      %dma_wait3A_25 = tpu.memref_slice %arg9[%arg1, %dma_wait3A_24] : memref<16x10240xf32, #tpu.memory_space<vmem_shared>> -> memref<1x10240xf32, #tpu.memory_space<vmem_shared>>
      %dma_wait3A_26 = tpu.memref_squeeze %dma_wait3A_25 : memref<1x10240xf32, #tpu.memory_space<vmem_shared>> -> memref<10240xf32, #tpu.memory_space<vmem_shared>>
      tpu.wait_dma2 semaphore(%run_scoped3A : memref<!tpu.dma_semaphore, #tpu.memory_space<semaphore_mem>>) src(%arg6 : memref<10240xf32, #tpu.memory_space<vmem>>) dst(%dma_wait3A_26 : memref<10240xf32, #tpu.memory_space<vmem_shared>>)
      tpu.yield
    }) : () -> ()
    %barrier3A = arith.constant 0 : index
    tpu.barrier barrier_id(%barrier3A)
    "tpu.region"() ({
      %run_scoped3A = tpu.sem_alloc : memref<!tpu.dma_semaphore, #tpu.memory_space<semaphore_mem>>
      %dma_start3A = arith.constant 0 : i32
      %dma_start3A_17 = tpu.memref_slice %arg3[%dma_start3A] : memref<10240xf32, #tpu.memory_space<hbm>> -> memref<640xf32, #tpu.memory_space<hbm>>
      %dma_start3A_18 = arith.constant 0 : i32
      %dma_start3A_19 = tpu.memref_slice %arg3[%dma_start3A_18] : memref<10240xf32, #tpu.memory_space<hbm>> -> memref<640xf32, #tpu.memory_space<hbm>>
      tpu.enqueue_dma source(%dma_start3A_19 : memref<640xf32, #tpu.memory_space<hbm>>) target(%arg7 : memref<640xf32, #tpu.memory_space<vmem>>) target_semaphore(%run_scoped3A : memref<!tpu.dma_semaphore, #tpu.memory_space<semaphore_mem>>)
      %dma_wait3A = arith.constant 0 : i32
      %dma_wait3A_20 = tpu.memref_slice %arg3[%dma_wait3A] : memref<10240xf32, #tpu.memory_space<hbm>> -> memref<640xf32, #tpu.memory_space<hbm>>
      %dma_wait3A_21 = arith.constant 0 : i32
      %dma_wait3A_22 = tpu.memref_slice %arg3[%dma_wait3A_21] : memref<10240xf32, #tpu.memory_space<hbm>> -> memref<640xf32, #tpu.memory_space<hbm>>
      tpu.wait_dma2 semaphore(%run_scoped3A : memref<!tpu.dma_semaphore, #tpu.memory_space<semaphore_mem>>) src(%dma_wait3A_22 : memref<640xf32, #tpu.memory_space<hbm>>) dst(%arg7 : memref<640xf32, #tpu.memory_space<vmem>>)
      tpu.yield
    }) : () -> ()
    %scan3A_9 = arith.constant 0 : i32
    %scan3A_10 = arith.constant 0 : i32
    %scan3A_11 = arith.constant 16 : i32
    %scan3A_12 = arith.addi %scan3A_10, %scan3A_11 : i32
    %scan3A_13 = arith.constant 1 : i32
    scf.for %scan3A_17 = %scan3A_10 to %scan3A_12 step %scan3A_13  : i32 {
      %mul3A_18 = arith.constant 640 : i32
      %mul3A_19 = arith.muli %arg1, %mul3A_18 : i32
      "tpu.region"() ({
        %run_scoped3A = tpu.sem_alloc : memref<!tpu.dma_semaphore, #tpu.memory_space<semaphore_mem>>
        %dma_start3A = tpu.memref_slice %arg9[%scan3A_17, %mul3A_19] : memref<16x10240xf32, #tpu.memory_space<vmem_shared>> -> memref<1x640xf32, #tpu.memory_space<vmem_shared>>
        %dma_start3A_298 = tpu.memref_squeeze %dma_start3A : memref<1x640xf32, #tpu.memory_space<vmem_shared>> -> memref<640xf32, #tpu.memory_space<vmem_shared>>
        %dma_start3A_299 = tpu.memref_slice %arg9[%scan3A_17, %mul3A_19] : memref<16x10240xf32, #tpu.memory_space<vmem_shared>> -> memref<1x640xf32, #tpu.memory_space<vmem_shared>>
        %dma_start3A_300 = tpu.memref_squeeze %dma_start3A_299 : memref<1x640xf32, #tpu.memory_space<vmem_shared>> -> memref<640xf32, #tpu.memory_space<vmem_shared>>
        tpu.enqueue_dma source(%dma_start3A_300 : memref<640xf32, #tpu.memory_space<vmem_shared>>) target(%arg8 : memref<640xf32, #tpu.memory_space<vmem>>) target_semaphore(%run_scoped3A : memref<!tpu.dma_semaphore, #tpu.memory_space<semaphore_mem>>)
        %dma_wait3A = tpu.memref_slice %arg9[%scan3A_17, %mul3A_19] : memref<16x10240xf32, #tpu.memory_space<vmem_shared>> -> memref<1x640xf32, #tpu.memory_space<vmem_shared>>
        %dma_wait3A_301 = tpu.memref_squeeze %dma_wait3A : memref<1x640xf32, #tpu.memory_space<vmem_shared>> -> memref<640xf32, #tpu.memory_space<vmem_shared>>
        %dma_wait3A_302 = tpu.memref_slice %arg9[%scan3A_17, %mul3A_19] : memref<16x10240xf32, #tpu.memory_space<vmem_shared>> -> memref<1x640xf32, #tpu.memory_space<vmem_shared>>
        %dma_wait3A_303 = tpu.memref_squeeze %dma_wait3A_302 : memref<1x640xf32, #tpu.memory_space<vmem_shared>> -> memref<640xf32, #tpu.memory_space<vmem_shared>>
        tpu.wait_dma2 semaphore(%run_scoped3A : memref<!tpu.dma_semaphore, #tpu.memory_space<semaphore_mem>>) src(%dma_wait3A_303 : memref<640xf32, #tpu.memory_space<vmem_shared>>) dst(%arg8 : memref<640xf32, #tpu.memory_space<vmem>>)
        tpu.yield
      }) : () -> ()
      %get3A = arith.constant 0 : index
      %get3A_20 = tpu.vector_load %arg7[%get3A] {strides = array<i32>} : memref<640xf32, #tpu.memory_space<vmem>>, vector<16xf32>,
      %get3A_21 = arith.constant 0 : index
      %get3A_22 = tpu.vector_load %arg8[%get3A_21] {strides = array<i32>} : memref<640xf32, #tpu.memory_space<vmem>>, vector<16xf32>,
      %add3A_23 = arith.addf %get3A_20, %get3A_22 : vector<16xf32>
      %swap3A = arith.constant 0 : index
      %swap3A_24 = tpu.vector_load %arg7[%swap3A] {strides = array<i32>} : memref<640xf32, #tpu.memory_space<vmem>>, vector<16xf32>,
      tpu.vector_store %arg7[%swap3A], %add3A_23 {strides = array<i32>} : memref<640xf32, #tpu.memory_space<vmem>>, vector<16xf32>,
      %get3A_25 = arith.constant 16 : index
      %get3A_26 = tpu.vector_load %arg7[%get3A_25] {strides = array<i32>} : memref<640xf32, #tpu.memory_space<vmem>>, vector<16xf32>,
      %get3A_27 = arith.constant 16 : index
      %get3A_28 = tpu.vector_load %arg8[%get3A_27] {strides = array<i32>} : memref<640xf32, #tpu.memory_space<vmem>>, vector<16xf32>,
      %add3A_29 = arith.addf %get3A_26, %get3A_28 : vector<16xf32>
      %swap3A_30 = arith.constant 16 : index
      %swap3A_31 = tpu.vector_load %arg7[%swap3A_30] {strides = array<i32>} : memref<640xf32, #tpu.memory_space<vmem>>, vector<16xf32>,
      tpu.vector_store %arg7[%swap3A_30], %add3A_29 {strides = array<i32>} : memref<640xf32, #tpu.memory_space<vmem>>, vector<16xf32>,
      %get3A_32 = arith.constant 32 : index
      %get3A_33 = tpu.vector_load %arg7[%get3A_32] {strides = array<i32>} : memref<640xf32, #tpu.memory_space<vmem>>, vector<16xf32>,
      %get3A_34 = arith.constant 32 : index
      %get3A_35 = tpu.vector_load %arg8[%get3A_34] {strides = array<i32>} : memref<640xf32, #tpu.memory_space<vmem>>, vector<16xf32>,
      %add3A_36 = arith.addf %get3A_33, %get3A_35 : vector<16xf32>
      %swap3A_37 = arith.constant 32 : index
      %swap3A_38 = tpu.vector_load %arg7[%swap3A_37] {strides = array<i32>} : memref<640xf32, #tpu.memory_space<vmem>>, vector<16xf32>,
      tpu.vector_store %arg7[%swap3A_37], %add3A_36 {strides = array<i32>} : memref<640xf32, #tpu.memory_space<vmem>>, vector<16xf32>,
      %get3A_39 = arith.constant 48 : index
      %get3A_40 = tpu.vector_load %arg7[%get3A_39] {strides = array<i32>} : memref<640xf32, #tpu.memory_space<vmem>>, vector<16xf32>,
      %get3A_41 = arith.constant 48 : index
      %get3A_42 = tpu.vector_load %arg8[%get3A_41] {strides = array<i32>} : memref<640xf32, #tpu.memory_space<vmem>>, vector<16xf32>,
      %add3A_43 = arith.addf %get3A_40, %get3A_42 : vector<16xf32>
      %swap3A_44 = arith.constant 48 : index
      %swap3A_45 = tpu.vector_load %arg7[%swap3A_44] {strides = array<i32>} : memref<640xf32, #tpu.memory_space<vmem>>, vector<16xf32>,
      tpu.vector_store %arg7[%swap3A_44], %add3A_43 {strides = array<i32>} : memref<640xf32, #tpu.memory_space<vmem>>, vector<16xf32>,
      %get3A_46 = arith.constant 64 : index
      %get3A_47 = tpu.vector_load %arg7[%get3A_46] {strides = array<i32>} : memref<640xf32, #tpu.memory_space<vmem>>, vector<16xf32>,
      %get3A_48 = arith.constant 64 : index
      %get3A_49 = tpu.vector_load %arg8[%get3A_48] {strides = array<i32>} : memref<640xf32, #tpu.memory_space<vmem>>, vector<16xf32>,
      %add3A_50 = arith.addf %get3A_47, %get3A_49 : vector<16xf32>
      %swap3A_51 = arith.constant 64 : index
      %swap3A_52 = tpu.vector_load %arg7[%swap3A_51] {strides = array<i32>} : memref<640xf32, #tpu.memory_space<vmem>>, vector<16xf32>,
      tpu.vector_store %arg7[%swap3A_51], %add3A_50 {strides = array<i32>} : memref<640xf32, #tpu.memory_space<vmem>>, vector<16xf32>,
      %get3A_53 = arith.constant 80 : index
      %get3A_54 = tpu.vector_load %arg7[%get3A_53] {strides = array<i32>} : memref<640xf32, #tpu.memory_space<vmem>>, vector<16xf32>,
      %get3A_55 = arith.constant 80 : index
      %get3A_56 = tpu.vector_load %arg8[%get3A_55] {strides = array<i32>} : memref<640xf32, #tpu.memory_space<vmem>>, vector<16xf32>,
      %add3A_57 = arith.addf %get3A_54, %get3A_56 : vector<16xf32>
      %swap3A_58 = arith.constant 80 : index
      %swap3A_59 = tpu.vector_load %arg7[%swap3A_58] {strides = array<i32>} : memref<640xf32, #tpu.memory_space<vmem>>, vector<16xf32>,
      tpu.vector_store %arg7[%swap3A_58], %add3A_57 {strides = array<i32>} : memref<640xf32, #tpu.memory_space<vmem>>, vector<16xf32>,
      %get3A_60 = arith.constant 96 : index
      %get3A_61 = tpu.vector_load %arg7[%get3A_60] {strides = array<i32>} : memref<640xf32, #tpu.memory_space<vmem>>, vector<16xf32>,
      %get3A_62 = arith.constant 96 : index
      %get3A_63 = tpu.vector_load %arg8[%get3A_62] {strides = array<i32>} : memref<640xf32, #tpu.memory_space<vmem>>, vector<16xf32>,
      %add3A_64 = arith.addf %get3A_61, %get3A_63 : vector<16xf32>
      %swap3A_65 = arith.constant 96 : index
      %swap3A_66 = tpu.vector_load %arg7[%swap3A_65] {strides = array<i32>} : memref<640xf32, #tpu.memory_space<vmem>>, vector<16xf32>,
      tpu.vector_store %arg7[%swap3A_65], %add3A_64 {strides = array<i32>} : memref<640xf32, #tpu.memory_space<vmem>>, vector<16xf32>,
      %get3A_67 = arith.constant 112 : index
      %get3A_68 = tpu.vector_load %arg7[%get3A_67] {strides = array<i32>} : memref<640xf32, #tpu.memory_space<vmem>>, vector<16xf32>,
      %get3A_69 = arith.constant 112 : index
      %get3A_70 = tpu.vector_load %arg8[%get3A_69] {strides = array<i32>} : memref<640xf32, #tpu.memory_space<vmem>>, vector<16xf32>,
      %add3A_71 = arith.addf %get3A_68, %get3A_70 : vector<16xf32>
      %swap3A_72 = arith.constant 112 : index
      %swap3A_73 = tpu.vector_load %arg7[%swap3A_72] {strides = array<i32>} : memref<640xf32, #tpu.memory_space<vmem>>, vector<16xf32>,
      tpu.vector_store %arg7[%swap3A_72], %add3A_71 {strides = array<i32>} : memref<640xf32, #tpu.memory_space<vmem>>, vector<16xf32>,
      %get3A_74 = arith.constant 128 : index
      %get3A_75 = tpu.vector_load %arg7[%get3A_74] {strides = array<i32>} : memref<640xf32, #tpu.memory_space<vmem>>, vector<16xf32>,
      %get3A_76 = arith.constant 128 : index
      %get3A_77 = tpu.vector_load %arg8[%get3A_76] {strides = array<i32>} : memref<640xf32, #tpu.memory_space<vmem>>, vector<16xf32>,
      %add3A_78 = arith.addf %get3A_75, %get3A_77 : vector<16xf32>
      %swap3A_79 = arith.constant 128 : index
      %swap3A_80 = tpu.vector_load %arg7[%swap3A_79] {strides = array<i32>} : memref<640xf32, #tpu.memory_space<vmem>>, vector<16xf32>,
      tpu.vector_store %arg7[%swap3A_79], %add3A_78 {strides = array<i32>} : memref<640xf32, #tpu.memory_space<vmem>>, vector<16xf32>,
      %get3A_81 = arith.constant 144 : index
      %get3A_82 = tpu.vector_load %arg7[%get3A_81] {strides = array<i32>} : memref<640xf32, #tpu.memory_space<vmem>>, vector<16xf32>,
      %get3A_83 = arith.constant 144 : index
      %get3A_84 = tpu.vector_load %arg8[%get3A_83] {strides = array<i32>} : memref<640xf32, #tpu.memory_space<vmem>>, vector<16xf32>,
      %add3A_85 = arith.addf %get3A_82, %get3A_84 : vector<16xf32>
      %swap3A_86 = arith.constant 144 : index
      %swap3A_87 = tpu.vector_load %arg7[%swap3A_86] {strides = array<i32>} : memref<640xf32, #tpu.memory_space<vmem>>, vector<16xf32>,
      tpu.vector_store %arg7[%swap3A_86], %add3A_85 {strides = array<i32>} : memref<640xf32, #tpu.memory_space<vmem>>, vector<16xf32>,
      %get3A_88 = arith.constant 160 : index
      %get3A_89 = tpu.vector_load %arg7[%get3A_88] {strides = array<i32>} : memref<640xf32, #tpu.memory_space<vmem>>, vector<16xf32>,
      %get3A_90 = arith.constant 160 : index
      %get3A_91 = tpu.vector_load %arg8[%get3A_90] {strides = array<i32>} : memref<640xf32, #tpu.memory_space<vmem>>, vector<16xf32>,
      %add3A_92 = arith.addf %get3A_89, %get3A_91 : vector<16xf32>
      %swap3A_93 = arith.constant 160 : index
      %swap3A_94 = tpu.vector_load %arg7[%swap3A_93] {strides = array<i32>} : memref<640xf32, #tpu.memory_space<vmem>>, vector<16xf32>,
      tpu.vector_store %arg7[%swap3A_93], %add3A_92 {strides = array<i32>} : memref<640xf32, #tpu.memory_space<vmem>>, vector<16xf32>,
      %get3A_95 = arith.constant 176 : index
      %get3A_96 = tpu.vector_load %arg7[%get3A_95] {strides = array<i32>} : memref<640xf32, #tpu.memory_space<vmem>>, vector<16xf32>,
      %get3A_97 = arith.constant 176 : index
      %get3A_98 = tpu.vector_load %arg8[%get3A_97] {strides = array<i32>} : memref<640xf32, #tpu.memory_space<vmem>>, vector<16xf32>,
      %add3A_99 = arith.addf %get3A_96, %get3A_98 : vector<16xf32>
      %swap3A_100 = arith.constant 176 : index
      %swap3A_101 = tpu.vector_load %arg7[%swap3A_100] {strides = array<i32>} : memref<640xf32, #tpu.memory_space<vmem>>, vector<16xf32>,
      tpu.vector_store %arg7[%swap3A_100], %add3A_99 {strides = array<i32>} : memref<640xf32, #tpu.memory_space<vmem>>, vector<16xf32>,
      %get3A_102 = arith.constant 192 : index
      %get3A_103 = tpu.vector_load %arg7[%get3A_102] {strides = array<i32>} : memref<640xf32, #tpu.memory_space<vmem>>, vector<16xf32>,
      %get3A_104 = arith.constant 192 : index
      %get3A_105 = tpu.vector_load %arg8[%get3A_104] {strides = array<i32>} : memref<640xf32, #tpu.memory_space<vmem>>, vector<16xf32>,
      %add3A_106 = arith.addf %get3A_103, %get3A_105 : vector<16xf32>
      %swap3A_107 = arith.constant 192 : index
      %swap3A_108 = tpu.vector_load %arg7[%swap3A_107] {strides = array<i32>} : memref<640xf32, #tpu.memory_space<vmem>>, vector<16xf32>,
      tpu.vector_store %arg7[%swap3A_107], %add3A_106 {strides = array<i32>} : memref<640xf32, #tpu.memory_space<vmem>>, vector<16xf32>,
      %get3A_109 = arith.constant 208 : index
      %get3A_110 = tpu.vector_load %arg7[%get3A_109] {strides = array<i32>} : memref<640xf32, #tpu.memory_space<vmem>>, vector<16xf32>,
      %get3A_111 = arith.constant 208 : index
      %get3A_112 = tpu.vector_load %arg8[%get3A_111] {strides = array<i32>} : memref<640xf32, #tpu.memory_space<vmem>>, vector<16xf32>,
      %add3A_113 = arith.addf %get3A_110, %get3A_112 : vector<16xf32>
      %swap3A_114 = arith.constant 208 : index
      %swap3A_115 = tpu.vector_load %arg7[%swap3A_114] {strides = array<i32>} : memref<640xf32, #tpu.memory_space<vmem>>, vector<16xf32>,
      tpu.vector_store %arg7[%swap3A_114], %add3A_113 {strides = array<i32>} : memref<640xf32, #tpu.memory_space<vmem>>, vector<16xf32>,
      %get3A_116 = arith.constant 224 : index
      %get3A_117 = tpu.vector_load %arg7[%get3A_116] {strides = array<i32>} : memref<640xf32, #tpu.memory_space<vmem>>, vector<16xf32>,
      %get3A_118 = arith.constant 224 : index
      %get3A_119 = tpu.vector_load %arg8[%get3A_118] {strides = array<i32>} : memref<640xf32, #tpu.memory_space<vmem>>, vector<16xf32>,
      %add3A_120 = arith.addf %get3A_117, %get3A_119 : vector<16xf32>
      %swap3A_121 = arith.constant 224 : index
      %swap3A_122 = tpu.vector_load %arg7[%swap3A_121] {strides = array<i32>} : memref<640xf32, #tpu.memory_space<vmem>>, vector<16xf32>,
      tpu.vector_store %arg7[%swap3A_121], %add3A_120 {strides = array<i32>} : memref<640xf32, #tpu.memory_space<vmem>>, vector<16xf32>,
      %get3A_123 = arith.constant 240 : index
      %get3A_124 = tpu.vector_load %arg7[%get3A_123] {strides = array<i32>} : memref<640xf32, #tpu.memory_space<vmem>>, vector<16xf32>,
      %get3A_125 = arith.constant 240 : index
      %get3A_126 = tpu.vector_load %arg8[%get3A_125] {strides = array<i32>} : memref<640xf32, #tpu.memory_space<vmem>>, vector<16xf32>,
      %add3A_127 = arith.addf %get3A_124, %get3A_126 : vector<16xf32>
      %swap3A_128 = arith.constant 240 : index
      %swap3A_129 = tpu.vector_load %arg7[%swap3A_128] {strides = array<i32>} : memref<640xf32, #tpu.memory_space<vmem>>, vector<16xf32>,
      tpu.vector_store %arg7[%swap3A_128], %add3A_127 {strides = array<i32>} : memref<640xf32, #tpu.memory_space<vmem>>, vector<16xf32>,
      %get3A_130 = arith.constant 256 : index
      %get3A_131 = tpu.vector_load %arg7[%get3A_130] {strides = array<i32>} : memref<640xf32, #tpu.memory_space<vmem>>, vector<16xf32>,
      %get3A_132 = arith.constant 256 : index
      %get3A_133 = tpu.vector_load %arg8[%get3A_132] {strides = array<i32>} : memref<640xf32, #tpu.memory_space<vmem>>, vector<16xf32>,
      %add3A_134 = arith.addf %get3A_131, %get3A_133 : vector<16xf32>
      %swap3A_135 = arith.constant 256 : index
      %swap3A_136 = tpu.vector_load %arg7[%swap3A_135] {strides = array<i32>} : memref<640xf32, #tpu.memory_space<vmem>>, vector<16xf32>,
      tpu.vector_store %arg7[%swap3A_135], %add3A_134 {strides = array<i32>} : memref<640xf32, #tpu.memory_space<vmem>>, vector<16xf32>,
      %get3A_137 = arith.constant 272 : index
      %get3A_138 = tpu.vector_load %arg7[%get3A_137] {strides = array<i32>} : memref<640xf32, #tpu.memory_space<vmem>>, vector<16xf32>,
      %get3A_139 = arith.constant 272 : index
      %get3A_140 = tpu.vector_load %arg8[%get3A_139] {strides = array<i32>} : memref<640xf32, #tpu.memory_space<vmem>>, vector<16xf32>,
      %add3A_141 = arith.addf %get3A_138, %get3A_140 : vector<16xf32>
      %swap3A_142 = arith.constant 272 : index
      %swap3A_143 = tpu.vector_load %arg7[%swap3A_142] {strides = array<i32>} : memref<640xf32, #tpu.memory_space<vmem>>, vector<16xf32>,
      tpu.vector_store %arg7[%swap3A_142], %add3A_141 {strides = array<i32>} : memref<640xf32, #tpu.memory_space<vmem>>, vector<16xf32>,
      %get3A_144 = arith.constant 288 : index
      %get3A_145 = tpu.vector_load %arg7[%get3A_144] {strides = array<i32>} : memref<640xf32, #tpu.memory_space<vmem>>, vector<16xf32>,
      %get3A_146 = arith.constant 288 : index
      %get3A_147 = tpu.vector_load %arg8[%get3A_146] {strides = array<i32>} : memref<640xf32, #tpu.memory_space<vmem>>, vector<16xf32>,
      %add3A_148 = arith.addf %get3A_145, %get3A_147 : vector<16xf32>
      %swap3A_149 = arith.constant 288 : index
      %swap3A_150 = tpu.vector_load %arg7[%swap3A_149] {strides = array<i32>} : memref<640xf32, #tpu.memory_space<vmem>>, vector<16xf32>,
      tpu.vector_store %arg7[%swap3A_149], %add3A_148 {strides = array<i32>} : memref<640xf32, #tpu.memory_space<vmem>>, vector<16xf32>,
      %get3A_151 = arith.constant 304 : index
      %get3A_152 = tpu.vector_load %arg7[%get3A_151] {strides = array<i32>} : memref<640xf32, #tpu.memory_space<vmem>>, vector<16xf32>,
      %get3A_153 = arith.constant 304 : index
      %get3A_154 = tpu.vector_load %arg8[%get3A_153] {strides = array<i32>} : memref<640xf32, #tpu.memory_space<vmem>>, vector<16xf32>,
      %add3A_155 = arith.addf %get3A_152, %get3A_154 : vector<16xf32>
      %swap3A_156 = arith.constant 304 : index
      %swap3A_157 = tpu.vector_load %arg7[%swap3A_156] {strides = array<i32>} : memref<640xf32, #tpu.memory_space<vmem>>, vector<16xf32>,
      tpu.vector_store %arg7[%swap3A_156], %add3A_155 {strides = array<i32>} : memref<640xf32, #tpu.memory_space<vmem>>, vector<16xf32>,
      %get3A_158 = arith.constant 320 : index
      %get3A_159 = tpu.vector_load %arg7[%get3A_158] {strides = array<i32>} : memref<640xf32, #tpu.memory_space<vmem>>, vector<16xf32>,
      %get3A_160 = arith.constant 320 : index
      %get3A_161 = tpu.vector_load %arg8[%get3A_160] {strides = array<i32>} : memref<640xf32, #tpu.memory_space<vmem>>, vector<16xf32>,
      %add3A_162 = arith.addf %get3A_159, %get3A_161 : vector<16xf32>
      %swap3A_163 = arith.constant 320 : index
      %swap3A_164 = tpu.vector_load %arg7[%swap3A_163] {strides = array<i32>} : memref<640xf32, #tpu.memory_space<vmem>>, vector<16xf32>,
      tpu.vector_store %arg7[%swap3A_163], %add3A_162 {strides = array<i32>} : memref<640xf32, #tpu.memory_space<vmem>>, vector<16xf32>,
      %get3A_165 = arith.constant 336 : index
      %get3A_166 = tpu.vector_load %arg7[%get3A_165] {strides = array<i32>} : memref<640xf32, #tpu.memory_space<vmem>>, vector<16xf32>,
      %get3A_167 = arith.constant 336 : index
      %get3A_168 = tpu.vector_load %arg8[%get3A_167] {strides = array<i32>} : memref<640xf32, #tpu.memory_space<vmem>>, vector<16xf32>,
      %add3A_169 = arith.addf %get3A_166, %get3A_168 : vector<16xf32>
      %swap3A_170 = arith.constant 336 : index
      %swap3A_171 = tpu.vector_load %arg7[%swap3A_170] {strides = array<i32>} : memref<640xf32, #tpu.memory_space<vmem>>, vector<16xf32>,
      tpu.vector_store %arg7[%swap3A_170], %add3A_169 {strides = array<i32>} : memref<640xf32, #tpu.memory_space<vmem>>, vector<16xf32>,
      %get3A_172 = arith.constant 352 : index
      %get3A_173 = tpu.vector_load %arg7[%get3A_172] {strides = array<i32>} : memref<640xf32, #tpu.memory_space<vmem>>, vector<16xf32>,
      %get3A_174 = arith.constant 352 : index
      %get3A_175 = tpu.vector_load %arg8[%get3A_174] {strides = array<i32>} : memref<640xf32, #tpu.memory_space<vmem>>, vector<16xf32>,
      %add3A_176 = arith.addf %get3A_173, %get3A_175 : vector<16xf32>
      %swap3A_177 = arith.constant 352 : index
      %swap3A_178 = tpu.vector_load %arg7[%swap3A_177] {strides = array<i32>} : memref<640xf32, #tpu.memory_space<vmem>>, vector<16xf32>,
      tpu.vector_store %arg7[%swap3A_177], %add3A_176 {strides = array<i32>} : memref<640xf32, #tpu.memory_space<vmem>>, vector<16xf32>,
      %get3A_179 = arith.constant 368 : index
      %get3A_180 = tpu.vector_load %arg7[%get3A_179] {strides = array<i32>} : memref<640xf32, #tpu.memory_space<vmem>>, vector<16xf32>,
      %get3A_181 = arith.constant 368 : index
      %get3A_182 = tpu.vector_load %arg8[%get3A_181] {strides = array<i32>} : memref<640xf32, #tpu.memory_space<vmem>>, vector<16xf32>,
      %add3A_183 = arith.addf %get3A_180, %get3A_182 : vector<16xf32>
      %swap3A_184 = arith.constant 368 : index
      %swap3A_185 = tpu.vector_load %arg7[%swap3A_184] {strides = array<i32>} : memref<640xf32, #tpu.memory_space<vmem>>, vector<16xf32>,
      tpu.vector_store %arg7[%swap3A_184], %add3A_183 {strides = array<i32>} : memref<640xf32, #tpu.memory_space<vmem>>, vector<16xf32>,
      %get3A_186 = arith.constant 384 : index
      %get3A_187 = tpu.vector_load %arg7[%get3A_186] {strides = array<i32>} : memref<640xf32, #tpu.memory_space<vmem>>, vector<16xf32>,
      %get3A_188 = arith.constant 384 : index
      %get3A_189 = tpu.vector_load %arg8[%get3A_188] {strides = array<i32>} : memref<640xf32, #tpu.memory_space<vmem>>, vector<16xf32>,
      %add3A_190 = arith.addf %get3A_187, %get3A_189 : vector<16xf32>
      %swap3A_191 = arith.constant 384 : index
      %swap3A_192 = tpu.vector_load %arg7[%swap3A_191] {strides = array<i32>} : memref<640xf32, #tpu.memory_space<vmem>>, vector<16xf32>,
      tpu.vector_store %arg7[%swap3A_191], %add3A_190 {strides = array<i32>} : memref<640xf32, #tpu.memory_space<vmem>>, vector<16xf32>,
      %get3A_193 = arith.constant 400 : index
      %get3A_194 = tpu.vector_load %arg7[%get3A_193] {strides = array<i32>} : memref<640xf32, #tpu.memory_space<vmem>>, vector<16xf32>,
      %get3A_195 = arith.constant 400 : index
      %get3A_196 = tpu.vector_load %arg8[%get3A_195] {strides = array<i32>} : memref<640xf32, #tpu.memory_space<vmem>>, vector<16xf32>,
      %add3A_197 = arith.addf %get3A_194, %get3A_196 : vector<16xf32>
      %swap3A_198 = arith.constant 400 : index
      %swap3A_199 = tpu.vector_load %arg7[%swap3A_198] {strides = array<i32>} : memref<640xf32, #tpu.memory_space<vmem>>, vector<16xf32>,
      tpu.vector_store %arg7[%swap3A_198], %add3A_197 {strides = array<i32>} : memref<640xf32, #tpu.memory_space<vmem>>, vector<16xf32>,
      %get3A_200 = arith.constant 416 : index
      %get3A_201 = tpu.vector_load %arg7[%get3A_200] {strides = array<i32>} : memref<640xf32, #tpu.memory_space<vmem>>, vector<16xf32>,
      %get3A_202 = arith.constant 416 : index
      %get3A_203 = tpu.vector_load %arg8[%get3A_202] {strides = array<i32>} : memref<640xf32, #tpu.memory_space<vmem>>, vector<16xf32>,
      %add3A_204 = arith.addf %get3A_201, %get3A_203 : vector<16xf32>
      %swap3A_205 = arith.constant 416 : index
      %swap3A_206 = tpu.vector_load %arg7[%swap3A_205] {strides = array<i32>} : memref<640xf32, #tpu.memory_space<vmem>>, vector<16xf32>,
      tpu.vector_store %arg7[%swap3A_205], %add3A_204 {strides = array<i32>} : memref<640xf32, #tpu.memory_space<vmem>>, vector<16xf32>,
      %get3A_207 = arith.constant 432 : index
      %get3A_208 = tpu.vector_load %arg7[%get3A_207] {strides = array<i32>} : memref<640xf32, #tpu.memory_space<vmem>>, vector<16xf32>,
      %get3A_209 = arith.constant 432 : index
      %get3A_210 = tpu.vector_load %arg8[%get3A_209] {strides = array<i32>} : memref<640xf32, #tpu.memory_space<vmem>>, vector<16xf32>,
      %add3A_211 = arith.addf %get3A_208, %get3A_210 : vector<16xf32>
      %swap3A_212 = arith.constant 432 : index
      %swap3A_213 = tpu.vector_load %arg7[%swap3A_212] {strides = array<i32>} : memref<640xf32, #tpu.memory_space<vmem>>, vector<16xf32>,
      tpu.vector_store %arg7[%swap3A_212], %add3A_211 {strides = array<i32>} : memref<640xf32, #tpu.memory_space<vmem>>, vector<16xf32>,
      %get3A_214 = arith.constant 448 : index
      %get3A_215 = tpu.vector_load %arg7[%get3A_214] {strides = array<i32>} : memref<640xf32, #tpu.memory_space<vmem>>, vector<16xf32>,
      %get3A_216 = arith.constant 448 : index
      %get3A_217 = tpu.vector_load %arg8[%get3A_216] {strides = array<i32>} : memref<640xf32, #tpu.memory_space<vmem>>, vector<16xf32>,
      %add3A_218 = arith.addf %get3A_215, %get3A_217 : vector<16xf32>
      %swap3A_219 = arith.constant 448 : index
      %swap3A_220 = tpu.vector_load %arg7[%swap3A_219] {strides = array<i32>} : memref<640xf32, #tpu.memory_space<vmem>>, vector<16xf32>,
      tpu.vector_store %arg7[%swap3A_219], %add3A_218 {strides = array<i32>} : memref<640xf32, #tpu.memory_space<vmem>>, vector<16xf32>,
      %get3A_221 = arith.constant 464 : index
      %get3A_222 = tpu.vector_load %arg7[%get3A_221] {strides = array<i32>} : memref<640xf32, #tpu.memory_space<vmem>>, vector<16xf32>,
      %get3A_223 = arith.constant 464 : index
      %get3A_224 = tpu.vector_load %arg8[%get3A_223] {strides = array<i32>} : memref<640xf32, #tpu.memory_space<vmem>>, vector<16xf32>,
      %add3A_225 = arith.addf %get3A_222, %get3A_224 : vector<16xf32>
      %swap3A_226 = arith.constant 464 : index
      %swap3A_227 = tpu.vector_load %arg7[%swap3A_226] {strides = array<i32>} : memref<640xf32, #tpu.memory_space<vmem>>, vector<16xf32>,
      tpu.vector_store %arg7[%swap3A_226], %add3A_225 {strides = array<i32>} : memref<640xf32, #tpu.memory_space<vmem>>, vector<16xf32>,
      %get3A_228 = arith.constant 480 : index
      %get3A_229 = tpu.vector_load %arg7[%get3A_228] {strides = array<i32>} : memref<640xf32, #tpu.memory_space<vmem>>, vector<16xf32>,
      %get3A_230 = arith.constant 480 : index
      %get3A_231 = tpu.vector_load %arg8[%get3A_230] {strides = array<i32>} : memref<640xf32, #tpu.memory_space<vmem>>, vector<16xf32>,
      %add3A_232 = arith.addf %get3A_229, %get3A_231 : vector<16xf32>
      %swap3A_233 = arith.constant 480 : index
      %swap3A_234 = tpu.vector_load %arg7[%swap3A_233] {strides = array<i32>} : memref<640xf32, #tpu.memory_space<vmem>>, vector<16xf32>,
      tpu.vector_store %arg7[%swap3A_233], %add3A_232 {strides = array<i32>} : memref<640xf32, #tpu.memory_space<vmem>>, vector<16xf32>,
      %get3A_235 = arith.constant 496 : index
      %get3A_236 = tpu.vector_load %arg7[%get3A_235] {strides = array<i32>} : memref<640xf32, #tpu.memory_space<vmem>>, vector<16xf32>,
      %get3A_237 = arith.constant 496 : index
      %get3A_238 = tpu.vector_load %arg8[%get3A_237] {strides = array<i32>} : memref<640xf32, #tpu.memory_space<vmem>>, vector<16xf32>,
      %add3A_239 = arith.addf %get3A_236, %get3A_238 : vector<16xf32>
      %swap3A_240 = arith.constant 496 : index
      %swap3A_241 = tpu.vector_load %arg7[%swap3A_240] {strides = array<i32>} : memref<640xf32, #tpu.memory_space<vmem>>, vector<16xf32>,
      tpu.vector_store %arg7[%swap3A_240], %add3A_239 {strides = array<i32>} : memref<640xf32, #tpu.memory_space<vmem>>, vector<16xf32>,
      %get3A_242 = arith.constant 512 : index
      %get3A_243 = tpu.vector_load %arg7[%get3A_242] {strides = array<i32>} : memref<640xf32, #tpu.memory_space<vmem>>, vector<16xf32>,
      %get3A_244 = arith.constant 512 : index
      %get3A_245 = tpu.vector_load %arg8[%get3A_244] {strides = array<i32>} : memref<640xf32, #tpu.memory_space<vmem>>, vector<16xf32>,
      %add3A_246 = arith.addf %get3A_243, %get3A_245 : vector<16xf32>
      %swap3A_247 = arith.constant 512 : index
      %swap3A_248 = tpu.vector_load %arg7[%swap3A_247] {strides = array<i32>} : memref<640xf32, #tpu.memory_space<vmem>>, vector<16xf32>,
      tpu.vector_store %arg7[%swap3A_247], %add3A_246 {strides = array<i32>} : memref<640xf32, #tpu.memory_space<vmem>>, vector<16xf32>,
      %get3A_249 = arith.constant 528 : index
      %get3A_250 = tpu.vector_load %arg7[%get3A_249] {strides = array<i32>} : memref<640xf32, #tpu.memory_space<vmem>>, vector<16xf32>,
      %get3A_251 = arith.constant 528 : index
      %get3A_252 = tpu.vector_load %arg8[%get3A_251] {strides = array<i32>} : memref<640xf32, #tpu.memory_space<vmem>>, vector<16xf32>,
      %add3A_253 = arith.addf %get3A_250, %get3A_252 : vector<16xf32>
      %swap3A_254 = arith.constant 528 : index
      %swap3A_255 = tpu.vector_load %arg7[%swap3A_254] {strides = array<i32>} : memref<640xf32, #tpu.memory_space<vmem>>, vector<16xf32>,
      tpu.vector_store %arg7[%swap3A_254], %add3A_253 {strides = array<i32>} : memref<640xf32, #tpu.memory_space<vmem>>, vector<16xf32>,
      %get3A_256 = arith.constant 544 : index
      %get3A_257 = tpu.vector_load %arg7[%get3A_256] {strides = array<i32>} : memref<640xf32, #tpu.memory_space<vmem>>, vector<16xf32>,
      %get3A_258 = arith.constant 544 : index
      %get3A_259 = tpu.vector_load %arg8[%get3A_258] {strides = array<i32>} : memref<640xf32, #tpu.memory_space<vmem>>, vector<16xf32>,
      %add3A_260 = arith.addf %get3A_257, %get3A_259 : vector<16xf32>
      %swap3A_261 = arith.constant 544 : index
      %swap3A_262 = tpu.vector_load %arg7[%swap3A_261] {strides = array<i32>} : memref<640xf32, #tpu.memory_space<vmem>>, vector<16xf32>,
      tpu.vector_store %arg7[%swap3A_261], %add3A_260 {strides = array<i32>} : memref<640xf32, #tpu.memory_space<vmem>>, vector<16xf32>,
      %get3A_263 = arith.constant 560 : index
      %get3A_264 = tpu.vector_load %arg7[%get3A_263] {strides = array<i32>} : memref<640xf32, #tpu.memory_space<vmem>>, vector<16xf32>,
      %get3A_265 = arith.constant 560 : index
      %get3A_266 = tpu.vector_load %arg8[%get3A_265] {strides = array<i32>} : memref<640xf32, #tpu.memory_space<vmem>>, vector<16xf32>,
      %add3A_267 = arith.addf %get3A_264, %get3A_266 : vector<16xf32>
      %swap3A_268 = arith.constant 560 : index
      %swap3A_269 = tpu.vector_load %arg7[%swap3A_268] {strides = array<i32>} : memref<640xf32, #tpu.memory_space<vmem>>, vector<16xf32>,
      tpu.vector_store %arg7[%swap3A_268], %add3A_267 {strides = array<i32>} : memref<640xf32, #tpu.memory_space<vmem>>, vector<16xf32>,
      %get3A_270 = arith.constant 576 : index
      %get3A_271 = tpu.vector_load %arg7[%get3A_270] {strides = array<i32>} : memref<640xf32, #tpu.memory_space<vmem>>, vector<16xf32>,
      %get3A_272 = arith.constant 576 : index
      %get3A_273 = tpu.vector_load %arg8[%get3A_272] {strides = array<i32>} : memref<640xf32, #tpu.memory_space<vmem>>, vector<16xf32>,
      %add3A_274 = arith.addf %get3A_271, %get3A_273 : vector<16xf32>
      %swap3A_275 = arith.constant 576 : index
      %swap3A_276 = tpu.vector_load %arg7[%swap3A_275] {strides = array<i32>} : memref<640xf32, #tpu.memory_space<vmem>>, vector<16xf32>,
      tpu.vector_store %arg7[%swap3A_275], %add3A_274 {strides = array<i32>} : memref<640xf32, #tpu.memory_space<vmem>>, vector<16xf32>,
      %get3A_277 = arith.constant 592 : index
      %get3A_278 = tpu.vector_load %arg7[%get3A_277] {strides = array<i32>} : memref<640xf32, #tpu.memory_space<vmem>>, vector<16xf32>,
      %get3A_279 = arith.constant 592 : index
      %get3A_280 = tpu.vector_load %arg8[%get3A_279] {strides = array<i32>} : memref<640xf32, #tpu.memory_space<vmem>>, vector<16xf32>,
      %add3A_281 = arith.addf %get3A_278, %get3A_280 : vector<16xf32>
      %swap3A_282 = arith.constant 592 : index
      %swap3A_283 = tpu.vector_load %arg7[%swap3A_282] {strides = array<i32>} : memref<640xf32, #tpu.memory_space<vmem>>, vector<16xf32>,
      tpu.vector_store %arg7[%swap3A_282], %add3A_281 {strides = array<i32>} : memref<640xf32, #tpu.memory_space<vmem>>, vector<16xf32>,
      %get3A_284 = arith.constant 608 : index
      %get3A_285 = tpu.vector_load %arg7[%get3A_284] {strides = array<i32>} : memref<640xf32, #tpu.memory_space<vmem>>, vector<16xf32>,
      %get3A_286 = arith.constant 608 : index
      %get3A_287 = tpu.vector_load %arg8[%get3A_286] {strides = array<i32>} : memref<640xf32, #tpu.memory_space<vmem>>, vector<16xf32>,
      %add3A_288 = arith.addf %get3A_285, %get3A_287 : vector<16xf32>
      %swap3A_289 = arith.constant 608 : index
      %swap3A_290 = tpu.vector_load %arg7[%swap3A_289] {strides = array<i32>} : memref<640xf32, #tpu.memory_space<vmem>>, vector<16xf32>,
      tpu.vector_store %arg7[%swap3A_289], %add3A_288 {strides = array<i32>} : memref<640xf32, #tpu.memory_space<vmem>>, vector<16xf32>,
      %get3A_291 = arith.constant 624 : index
      %get3A_292 = tpu.vector_load %arg7[%get3A_291] {strides = array<i32>} : memref<640xf32, #tpu.memory_space<vmem>>, vector<16xf32>,
      %get3A_293 = arith.constant 624 : index
      %get3A_294 = tpu.vector_load %arg8[%get3A_293] {strides = array<i32>} : memref<640xf32, #tpu.memory_space<vmem>>, vector<16xf32>,
      %add3A_295 = arith.addf %get3A_292, %get3A_294 : vector<16xf32>
      %swap3A_296 = arith.constant 624 : index
      %swap3A_297 = tpu.vector_load %arg7[%swap3A_296] {strides = array<i32>} : memref<640xf32, #tpu.memory_space<vmem>>, vector<16xf32>,
      tpu.vector_store %arg7[%swap3A_296], %add3A_295 {strides = array<i32>} : memref<640xf32, #tpu.memory_space<vmem>>, vector<16xf32>,
    }
    %scan3A_14 = arith.constant 16 : i32
    %mul3A_15 = arith.constant 640 : i32
    %mul3A_16 = arith.muli %arg1, %mul3A_15 : i32
    "tpu.region"() ({
      %run_scoped3A = tpu.sem_alloc : memref<!tpu.dma_semaphore, #tpu.memory_space<semaphore_mem>>
      %dma_start3A = tpu.memref_slice %arg4[%arg0, %mul3A_16] : memref<2x10240xf32, #tpu.memory_space<hbm>> -> memref<1x640xf32, #tpu.memory_space<hbm>>
      %dma_start3A_17 = tpu.memref_squeeze %dma_start3A : memref<1x640xf32, #tpu.memory_space<hbm>> -> memref<640xf32, #tpu.memory_space<hbm>>
      %dma_start3A_18 = tpu.memref_slice %arg4[%arg0, %mul3A_16] : memref<2x10240xf32, #tpu.memory_space<hbm>> -> memref<1x640xf32, #tpu.memory_space<hbm>>
      %dma_start3A_19 = tpu.memref_squeeze %dma_start3A_18 : memref<1x640xf32, #tpu.memory_space<hbm>> -> memref<640xf32, #tpu.memory_space<hbm>>
      tpu.enqueue_dma source(%arg7 : memref<640xf32, #tpu.memory_space<vmem>>) target(%dma_start3A_19 : memref<640xf32, #tpu.memory_space<hbm>>) target_semaphore(%run_scoped3A : memref<!tpu.dma_semaphore, #tpu.memory_space<semaphore_mem>>)
      %dma_wait3A = tpu.memref_slice %arg4[%arg0, %mul3A_16] : memref<2x10240xf32, #tpu.memory_space<hbm>> -> memref<1x640xf32, #tpu.memory_space<hbm>>
      %dma_wait3A_20 = tpu.memref_squeeze %dma_wait3A : memref<1x640xf32, #tpu.memory_space<hbm>> -> memref<640xf32, #tpu.memory_space<hbm>>
      %dma_wait3A_21 = tpu.memref_slice %arg4[%arg0, %mul3A_16] : memref<2x10240xf32, #tpu.memory_space<hbm>> -> memref<1x640xf32, #tpu.memory_space<hbm>>
      %dma_wait3A_22 = tpu.memref_squeeze %dma_wait3A_21 : memref<1x640xf32, #tpu.memory_space<hbm>> -> memref<640xf32, #tpu.memory_space<hbm>>
      tpu.wait_dma2 semaphore(%run_scoped3A : memref<!tpu.dma_semaphore, #tpu.memory_space<semaphore_mem>>) src(%arg7 : memref<640xf32, #tpu.memory_space<vmem>>) dst(%dma_wait3A_22 : memref<640xf32, #tpu.memory_space<hbm>>)
      tpu.yield
    }) : () -> ()
    return
  }
}

#map = affine_map<(d0, d1) -> (0, 0)>
#map1 = affine_map<(d0, d1) -> (0, 0, 0)>
module attributes {stable_mosaic.version = 14 : i64} {
  func.func @_sc_conv(%arg0: i32, %arg1: i32, %arg2: memref<10240x128xf32, #tpu.memory_space<hbm>>, %arg3: memref<2560x128xi32, #tpu.memory_space<hbm>>, %arg4: memref<2560x128xi32, #tpu.memory_space<hbm>>, %arg5: memref<640x128xf32, #tpu.memory_space<hbm>>, %arg6: memref<2x10240x128xf32, #tpu.memory_space<hbm>>, %arg7: memref<40x128xi32, #tpu.memory_space<vmem>>, %arg8: memref<40x128xi32, #tpu.memory_space<vmem>>, %arg9: memref<128x128xf32, #tpu.memory_space<vmem>>, %arg10: memref<128x128xf32, #tpu.memory_space<vmem>>, %arg11: memref<10240x128xf32, #tpu.memory_space<vmem_shared>>, %arg12: memref<!tpu.dma_semaphore, #tpu.memory_space<semaphore_mem>>, %arg13: memref<!tpu.dma_semaphore, #tpu.memory_space<semaphore_mem>>) attributes {dimension_semantics = [#tpu.dimension_semantics<core_parallel>, #tpu.dimension_semantics<subcore_parallel>], iteration_bounds = array<i64: 2, 16>, scalar_prefetch = 0 : i64, scratch_operands = 7 : i64, tpu.core_type = #tpu.core_type<sc_vector_subcore>, window_params = [{transform_indices = #map}, {transform_indices = #map}, {transform_indices = #map}, {transform_indices = #map}, {transform_indices = #map1}]} {
    %mul3A = arith.constant 640 : i32
    %mul3A_0 = arith.muli %arg1, %mul3A : i32
    "tpu.region"() ({
      %run_scoped3A = tpu.sem_alloc : memref<!tpu.dma_semaphore, #tpu.memory_space<semaphore_mem>>
      %dma_start3A = arith.constant 0 : i32
      %dma_start3A_25 = tpu.memref_slice %arg11[%mul3A_0, %dma_start3A] : memref<10240x128xf32, #tpu.memory_space<vmem_shared>> -> memref<640x128xf32, #tpu.memory_space<vmem_shared>>
      tpu.enqueue_dma source(%arg5 : memref<640x128xf32, #tpu.memory_space<hbm>>) target(%dma_start3A_25 : memref<640x128xf32, #tpu.memory_space<vmem_shared>>) target_semaphore(%run_scoped3A : memref<!tpu.dma_semaphore, #tpu.memory_space<semaphore_mem>>)
      %dma_wait3A = arith.constant 0 : i32
      %dma_wait3A_26 = tpu.memref_slice %arg11[%mul3A_0, %dma_wait3A] : memref<10240x128xf32, #tpu.memory_space<vmem_shared>> -> memref<640x128xf32, #tpu.memory_space<vmem_shared>>
      tpu.wait_dma2 semaphore(%run_scoped3A : memref<!tpu.dma_semaphore, #tpu.memory_space<semaphore_mem>>) src(%arg5 : memref<640x128xf32, #tpu.memory_space<hbm>>) dst(%dma_wait3A_26 : memref<640x128xf32, #tpu.memory_space<vmem_shared>>)
      tpu.yield
    }) : () -> ()
    %barrier3A = arith.constant 0 : index
    tpu.barrier barrier_id(%barrier3A)
    %eq3A = arith.constant 0 : i32
    %eq3A_1 = arith.cmpi eq, %arg0, %eq3A : i32
    %jit3A = arith.constant 3 : i32
    %jit3A_2 = arith.constant 1 : i32
    %select_n3A = arith.select %eq3A_1, %jit3A, %jit3A_2 : i32
    %eq3A_3 = arith.constant 0 : i32
    %eq3A_4 = arith.cmpi eq, %arg0, %eq3A_3 : i32
    %mul3A_5 = arith.constant 120 : i32
    %mul3A_6 = arith.muli %arg1, %mul3A_5 : i32
    %mul3A_7 = arith.constant 40 : i32
    %mul3A_8 = arith.muli %arg1, %mul3A_7 : i32
    %add3A = arith.constant 1920 : i32
    %add3A_9 = arith.addi %add3A, %mul3A_8 : i32
    %select_n3A_10 = arith.select %eq3A_4, %mul3A_6, %add3A_9 : i32
    %while3A = arith.constant 0 : i32
    %while3A_11 = arith.constant 0 : i32
    %while3A_12 = arith.subi %select_n3A, %while3A_11 : i32
    %while3A_13 = arith.addi %while3A_11, %while3A_12 : i32
    %while3A_14 = arith.constant 1 : i32
    %while3A_15 = arith.divsi %while3A_12, %while3A_14 : i32
    %while3A_16 = arith.muli %while3A_15, %while3A_14 : i32
    %while3A_17 = arith.addi %while3A_11, %while3A_16 : i32
    %while3A_18 = arith.constant 1 : i32
    scf.for %while3A_25 = %while3A_11 to %while3A_17 step %while3A_18  : i32 {
      %mul3A_26 = arith.constant 40 : i32
      %mul3A_27 = arith.muli %while3A_25, %mul3A_26 : i32
      %add3A_28 = arith.addi %select_n3A_10, %mul3A_27 : i32
      "tpu.region"() ({
        %run_scoped3A = tpu.sem_alloc : memref<!tpu.dma_semaphore, #tpu.memory_space<semaphore_mem>>
        %dma_start3A_47 = arith.constant 0 : i32
        %dma_start3A_48 = tpu.memref_slice %arg3[%add3A_28, %dma_start3A_47] : memref<2560x128xi32, #tpu.memory_space<hbm>> -> memref<40x128xi32, #tpu.memory_space<hbm>>
        %dma_start3A_49 = arith.constant 0 : i32
        %dma_start3A_50 = tpu.memref_slice %arg3[%add3A_28, %dma_start3A_49] : memref<2560x128xi32, #tpu.memory_space<hbm>> -> memref<40x128xi32, #tpu.memory_space<hbm>>
        tpu.enqueue_dma source(%dma_start3A_50 : memref<40x128xi32, #tpu.memory_space<hbm>>) target(%arg7 : memref<40x128xi32, #tpu.memory_space<vmem>>) target_semaphore(%run_scoped3A : memref<!tpu.dma_semaphore, #tpu.memory_space<semaphore_mem>>)
        %dma_wait3A = arith.constant 0 : i32
        %dma_wait3A_51 = tpu.memref_slice %arg3[%add3A_28, %dma_wait3A] : memref<2560x128xi32, #tpu.memory_space<hbm>> -> memref<40x128xi32, #tpu.memory_space<hbm>>
        %dma_wait3A_52 = arith.constant 0 : i32
        %dma_wait3A_53 = tpu.memref_slice %arg3[%add3A_28, %dma_wait3A_52] : memref<2560x128xi32, #tpu.memory_space<hbm>> -> memref<40x128xi32, #tpu.memory_space<hbm>>
        tpu.wait_dma2 semaphore(%run_scoped3A : memref<!tpu.dma_semaphore, #tpu.memory_space<semaphore_mem>>) src(%dma_wait3A_53 : memref<40x128xi32, #tpu.memory_space<hbm>>) dst(%arg7 : memref<40x128xi32, #tpu.memory_space<vmem>>)
        tpu.yield
      }) : () -> ()
      "tpu.region"() ({
        %run_scoped3A = tpu.sem_alloc : memref<!tpu.dma_semaphore, #tpu.memory_space<semaphore_mem>>
        %dma_start3A_47 = arith.constant 0 : i32
        %dma_start3A_48 = tpu.memref_slice %arg4[%add3A_28, %dma_start3A_47] : memref<2560x128xi32, #tpu.memory_space<hbm>> -> memref<40x128xi32, #tpu.memory_space<hbm>>
        %dma_start3A_49 = arith.constant 0 : i32
        %dma_start3A_50 = tpu.memref_slice %arg4[%add3A_28, %dma_start3A_49] : memref<2560x128xi32, #tpu.memory_space<hbm>> -> memref<40x128xi32, #tpu.memory_space<hbm>>
        tpu.enqueue_dma source(%dma_start3A_50 : memref<40x128xi32, #tpu.memory_space<hbm>>) target(%arg8 : memref<40x128xi32, #tpu.memory_space<vmem>>) target_semaphore(%run_scoped3A : memref<!tpu.dma_semaphore, #tpu.memory_space<semaphore_mem>>)
        %dma_wait3A = arith.constant 0 : i32
        %dma_wait3A_51 = tpu.memref_slice %arg4[%add3A_28, %dma_wait3A] : memref<2560x128xi32, #tpu.memory_space<hbm>> -> memref<40x128xi32, #tpu.memory_space<hbm>>
        %dma_wait3A_52 = arith.constant 0 : i32
        %dma_wait3A_53 = tpu.memref_slice %arg4[%add3A_28, %dma_wait3A_52] : memref<2560x128xi32, #tpu.memory_space<hbm>> -> memref<40x128xi32, #tpu.memory_space<hbm>>
        tpu.wait_dma2 semaphore(%run_scoped3A : memref<!tpu.dma_semaphore, #tpu.memory_space<semaphore_mem>>) src(%dma_wait3A_53 : memref<40x128xi32, #tpu.memory_space<hbm>>) dst(%arg8 : memref<40x128xi32, #tpu.memory_space<vmem>>)
        tpu.yield
      }) : () -> ()
      %dma_start3A = arith.constant 0 : i32
      %dma_start3A_29 = arith.constant 0 : i32
      %dma_start3A_30 = tpu.memref_slice %arg7[%dma_start3A, %dma_start3A_29] : memref<40x128xi32, #tpu.memory_space<vmem>> -> memref<1x128xi32, #tpu.memory_space<vmem>>
      %dma_start3A_31 = tpu.memref_squeeze %dma_start3A_30 : memref<1x128xi32, #tpu.memory_space<vmem>> -> memref<128xi32, #tpu.memory_space<vmem>>
      %dma_start3A_32 = arith.constant 0 : i32
      %dma_start3A_33 = arith.constant 0 : i32
      %dma_start3A_34 = tpu.memref_slice %arg2[%dma_start3A_32, %dma_start3A_33] : memref<10240x128xf32, #tpu.memory_space<hbm>> -> memref<10240x128xf32, #tpu.memory_space<hbm>>
      tpu.enqueue_indirect_dma source(%dma_start3A_34 : memref<10240x128xf32, #tpu.memory_space<hbm>>) target(%arg9 : memref<128x128xf32, #tpu.memory_space<vmem>>) offsets(%dma_start3A_31 : memref<128xi32, #tpu.memory_space<vmem>>) semaphore(%arg12 : memref<!tpu.dma_semaphore, #tpu.memory_space<semaphore_mem>>)
      %dma_start3A_35 = arith.constant 1 : i32
      %dma_start3A_36 = arith.constant 0 : i32
      %dma_start3A_37 = tpu.memref_slice %arg7[%dma_start3A_35, %dma_start3A_36] : memref<40x128xi32, #tpu.memory_space<vmem>> -> memref<1x128xi32, #tpu.memory_space<vmem>>
      %dma_start3A_38 = tpu.memref_squeeze %dma_start3A_37 : memref<1x128xi32, #tpu.memory_space<vmem>> -> memref<128xi32, #tpu.memory_space<vmem>>
      %dma_start3A_39 = arith.constant 0 : i32
      %dma_start3A_40 = arith.constant 0 : i32
      %dma_start3A_41 = tpu.memref_slice %arg2[%dma_start3A_39, %dma_start3A_40] : memref<10240x128xf32, #tpu.memory_space<hbm>> -> memref<10240x128xf32, #tpu.memory_space<hbm>>
      tpu.enqueue_indirect_dma source(%dma_start3A_41 : memref<10240x128xf32, #tpu.memory_space<hbm>>) target(%arg10 : memref<128x128xf32, #tpu.memory_space<vmem>>) offsets(%dma_start3A_38 : memref<128xi32, #tpu.memory_space<vmem>>) semaphore(%arg13 : memref<!tpu.dma_semaphore, #tpu.memory_space<semaphore_mem>>)
      %scan3A = arith.constant 0 : i32
      %scan3A_42 = arith.constant 0 : i32
      %scan3A_43 = arith.constant 20 : i32
      %scan3A_44 = arith.addi %scan3A_42, %scan3A_43 : i32
      %scan3A_45 = arith.constant 1 : i32
      scf.for %scan3A_47 = %scan3A_42 to %scan3A_44 step %scan3A_45  : i32 {
        %mul3A_48 = arith.constant 2 : i32
        %mul3A_49 = arith.muli %scan3A_47, %mul3A_48 : i32
        %add3A_50 = arith.constant 0 : i32
        %add3A_51 = arith.addi %mul3A_49, %add3A_50 : i32
        %dma_wait3A = arith.constant 0 : i32
        %dma_wait3A_52 = tpu.memref_slice %arg7[%add3A_51, %dma_wait3A] : memref<40x128xi32, #tpu.memory_space<vmem>> -> memref<1x128xi32, #tpu.memory_space<vmem>>
        %dma_wait3A_53 = tpu.memref_squeeze %dma_wait3A_52 : memref<1x128xi32, #tpu.memory_space<vmem>> -> memref<128xi32, #tpu.memory_space<vmem>>
        %dma_wait3A_54 = arith.constant 0 : i32
        %dma_wait3A_55 = arith.constant 0 : i32
        %dma_wait3A_56 = tpu.memref_slice %arg2[%dma_wait3A_54, %dma_wait3A_55] : memref<10240x128xf32, #tpu.memory_space<hbm>> -> memref<10240x128xf32, #tpu.memory_space<hbm>>
        tpu.wait_indirect_dma semaphore(%arg12 : memref<!tpu.dma_semaphore, #tpu.memory_space<semaphore_mem>>) src(%dma_wait3A_56 : memref<10240x128xf32, #tpu.memory_space<hbm>>) dst(%arg9 : memref<128x128xf32, #tpu.memory_space<vmem>>)
        "tpu.region"() ({
          %run_scoped3A = tpu.sem_alloc : memref<!tpu.dma_semaphore, #tpu.memory_space<semaphore_mem>>
          %dma_start3A_78 = arith.constant 0 : i32
          %dma_start3A_79 = tpu.memref_slice %arg8[%add3A_51, %dma_start3A_78] : memref<40x128xi32, #tpu.memory_space<vmem>> -> memref<1x128xi32, #tpu.memory_space<vmem>>
          %dma_start3A_80 = tpu.memref_squeeze %dma_start3A_79 : memref<1x128xi32, #tpu.memory_space<vmem>> -> memref<128xi32, #tpu.memory_space<vmem>>
          %dma_start3A_81 = arith.constant 0 : i32
          %dma_start3A_82 = arith.constant 0 : i32
          %dma_start3A_83 = tpu.memref_slice %arg11[%dma_start3A_81, %dma_start3A_82] : memref<10240x128xf32, #tpu.memory_space<vmem_shared>> -> memref<10240x128xf32, #tpu.memory_space<vmem_shared>>
          tpu.enqueue_indirect_dma source(%arg9 : memref<128x128xf32, #tpu.memory_space<vmem>>) target(%dma_start3A_83 : memref<10240x128xf32, #tpu.memory_space<vmem_shared>>) offsets(%dma_start3A_80 : memref<128xi32, #tpu.memory_space<vmem>>) semaphore(%run_scoped3A : memref<!tpu.dma_semaphore, #tpu.memory_space<semaphore_mem>>) {add = true}
          %dma_wait3A_84 = arith.constant 0 : i32
          %dma_wait3A_85 = tpu.memref_slice %arg8[%add3A_51, %dma_wait3A_84] : memref<40x128xi32, #tpu.memory_space<vmem>> -> memref<1x128xi32, #tpu.memory_space<vmem>>
          %dma_wait3A_86 = tpu.memref_squeeze %dma_wait3A_85 : memref<1x128xi32, #tpu.memory_space<vmem>> -> memref<128xi32, #tpu.memory_space<vmem>>
          %dma_wait3A_87 = arith.constant 0 : i32
          %dma_wait3A_88 = arith.constant 0 : i32
          %dma_wait3A_89 = tpu.memref_slice %arg11[%dma_wait3A_87, %dma_wait3A_88] : memref<10240x128xf32, #tpu.memory_space<vmem_shared>> -> memref<10240x128xf32, #tpu.memory_space<vmem_shared>>
          tpu.wait_indirect_dma semaphore(%run_scoped3A : memref<!tpu.dma_semaphore, #tpu.memory_space<semaphore_mem>>) src(%arg9 : memref<128x128xf32, #tpu.memory_space<vmem>>) dst(%dma_wait3A_89 : memref<10240x128xf32, #tpu.memory_space<vmem_shared>>)
          tpu.yield
        }) : () -> ()
        %add3A_57 = arith.constant 2 : i32
        %add3A_58 = arith.addi %add3A_51, %add3A_57 : i32
        %lt3A = arith.constant 40 : i32
        %lt3A_59 = arith.cmpi slt, %add3A_58, %lt3A : i32
        %convert_element_type3A = arith.extui %lt3A_59 : i1 to i32
        %cond3A = arith.constant 0 : i32
        %cond3A_60 = arith.cmpi ne, %convert_element_type3A, %cond3A : i32
        scf.if %cond3A_60 {
          %add3A_78 = arith.constant 2 : i32
          %add3A_79 = arith.addi %add3A_51, %add3A_78 : i32
          %dma_start3A_80 = arith.constant 0 : i32
          %dma_start3A_81 = tpu.memref_slice %arg7[%add3A_79, %dma_start3A_80] : memref<40x128xi32, #tpu.memory_space<vmem>> -> memref<1x128xi32, #tpu.memory_space<vmem>>
          %dma_start3A_82 = tpu.memref_squeeze %dma_start3A_81 : memref<1x128xi32, #tpu.memory_space<vmem>> -> memref<128xi32, #tpu.memory_space<vmem>>
          %dma_start3A_83 = arith.constant 0 : i32
          %dma_start3A_84 = arith.constant 0 : i32
          %dma_start3A_85 = tpu.memref_slice %arg2[%dma_start3A_83, %dma_start3A_84] : memref<10240x128xf32, #tpu.memory_space<hbm>> -> memref<10240x128xf32, #tpu.memory_space<hbm>>
          tpu.enqueue_indirect_dma source(%dma_start3A_85 : memref<10240x128xf32, #tpu.memory_space<hbm>>) target(%arg9 : memref<128x128xf32, #tpu.memory_space<vmem>>) offsets(%dma_start3A_82 : memref<128xi32, #tpu.memory_space<vmem>>) semaphore(%arg12 : memref<!tpu.dma_semaphore, #tpu.memory_space<semaphore_mem>>)
        } else {
        }
        %mul3A_61 = arith.constant 2 : i32
        %mul3A_62 = arith.muli %scan3A_47, %mul3A_61 : i32
        %add3A_63 = arith.constant 1 : i32
        %add3A_64 = arith.addi %mul3A_62, %add3A_63 : i32
        %dma_wait3A_65 = arith.constant 0 : i32
        %dma_wait3A_66 = tpu.memref_slice %arg7[%add3A_64, %dma_wait3A_65] : memref<40x128xi32, #tpu.memory_space<vmem>> -> memref<1x128xi32, #tpu.memory_space<vmem>>
        %dma_wait3A_67 = tpu.memref_squeeze %dma_wait3A_66 : memref<1x128xi32, #tpu.memory_space<vmem>> -> memref<128xi32, #tpu.memory_space<vmem>>
        %dma_wait3A_68 = arith.constant 0 : i32
        %dma_wait3A_69 = arith.constant 0 : i32
        %dma_wait3A_70 = tpu.memref_slice %arg2[%dma_wait3A_68, %dma_wait3A_69] : memref<10240x128xf32, #tpu.memory_space<hbm>> -> memref<10240x128xf32, #tpu.memory_space<hbm>>
        tpu.wait_indirect_dma semaphore(%arg13 : memref<!tpu.dma_semaphore, #tpu.memory_space<semaphore_mem>>) src(%dma_wait3A_70 : memref<10240x128xf32, #tpu.memory_space<hbm>>) dst(%arg10 : memref<128x128xf32, #tpu.memory_space<vmem>>)
        "tpu.region"() ({
          %run_scoped3A = tpu.sem_alloc : memref<!tpu.dma_semaphore, #tpu.memory_space<semaphore_mem>>
          %dma_start3A_78 = arith.constant 0 : i32
          %dma_start3A_79 = tpu.memref_slice %arg8[%add3A_64, %dma_start3A_78] : memref<40x128xi32, #tpu.memory_space<vmem>> -> memref<1x128xi32, #tpu.memory_space<vmem>>
          %dma_start3A_80 = tpu.memref_squeeze %dma_start3A_79 : memref<1x128xi32, #tpu.memory_space<vmem>> -> memref<128xi32, #tpu.memory_space<vmem>>
          %dma_start3A_81 = arith.constant 0 : i32
          %dma_start3A_82 = arith.constant 0 : i32
          %dma_start3A_83 = tpu.memref_slice %arg11[%dma_start3A_81, %dma_start3A_82] : memref<10240x128xf32, #tpu.memory_space<vmem_shared>> -> memref<10240x128xf32, #tpu.memory_space<vmem_shared>>
          tpu.enqueue_indirect_dma source(%arg10 : memref<128x128xf32, #tpu.memory_space<vmem>>) target(%dma_start3A_83 : memref<10240x128xf32, #tpu.memory_space<vmem_shared>>) offsets(%dma_start3A_80 : memref<128xi32, #tpu.memory_space<vmem>>) semaphore(%run_scoped3A : memref<!tpu.dma_semaphore, #tpu.memory_space<semaphore_mem>>) {add = true}
          %dma_wait3A_84 = arith.constant 0 : i32
          %dma_wait3A_85 = tpu.memref_slice %arg8[%add3A_64, %dma_wait3A_84] : memref<40x128xi32, #tpu.memory_space<vmem>> -> memref<1x128xi32, #tpu.memory_space<vmem>>
          %dma_wait3A_86 = tpu.memref_squeeze %dma_wait3A_85 : memref<1x128xi32, #tpu.memory_space<vmem>> -> memref<128xi32, #tpu.memory_space<vmem>>
          %dma_wait3A_87 = arith.constant 0 : i32
          %dma_wait3A_88 = arith.constant 0 : i32
          %dma_wait3A_89 = tpu.memref_slice %arg11[%dma_wait3A_87, %dma_wait3A_88] : memref<10240x128xf32, #tpu.memory_space<vmem_shared>> -> memref<10240x128xf32, #tpu.memory_space<vmem_shared>>
          tpu.wait_indirect_dma semaphore(%run_scoped3A : memref<!tpu.dma_semaphore, #tpu.memory_space<semaphore_mem>>) src(%arg10 : memref<128x128xf32, #tpu.memory_space<vmem>>) dst(%dma_wait3A_89 : memref<10240x128xf32, #tpu.memory_space<vmem_shared>>)
          tpu.yield
        }) : () -> ()
        %add3A_71 = arith.constant 2 : i32
        %add3A_72 = arith.addi %add3A_64, %add3A_71 : i32
        %lt3A_73 = arith.constant 40 : i32
        %lt3A_74 = arith.cmpi slt, %add3A_72, %lt3A_73 : i32
        %convert_element_type3A_75 = arith.extui %lt3A_74 : i1 to i32
        %cond3A_76 = arith.constant 0 : i32
        %cond3A_77 = arith.cmpi ne, %convert_element_type3A_75, %cond3A_76 : i32
        scf.if %cond3A_77 {
          %add3A_78 = arith.constant 2 : i32
          %add3A_79 = arith.addi %add3A_64, %add3A_78 : i32
          %dma_start3A_80 = arith.constant 0 : i32
          %dma_start3A_81 = tpu.memref_slice %arg7[%add3A_79, %dma_start3A_80] : memref<40x128xi32, #tpu.memory_space<vmem>> -> memref<1x128xi32, #tpu.memory_space<vmem>>
          %dma_start3A_82 = tpu.memref_squeeze %dma_start3A_81 : memref<1x128xi32, #tpu.memory_space<vmem>> -> memref<128xi32, #tpu.memory_space<vmem>>
          %dma_start3A_83 = arith.constant 0 : i32
          %dma_start3A_84 = arith.constant 0 : i32
          %dma_start3A_85 = tpu.memref_slice %arg2[%dma_start3A_83, %dma_start3A_84] : memref<10240x128xf32, #tpu.memory_space<hbm>> -> memref<10240x128xf32, #tpu.memory_space<hbm>>
          tpu.enqueue_indirect_dma source(%dma_start3A_85 : memref<10240x128xf32, #tpu.memory_space<hbm>>) target(%arg10 : memref<128x128xf32, #tpu.memory_space<vmem>>) offsets(%dma_start3A_82 : memref<128xi32, #tpu.memory_space<vmem>>) semaphore(%arg13 : memref<!tpu.dma_semaphore, #tpu.memory_space<semaphore_mem>>)
        } else {
        }
      }
      %scan3A_46 = arith.constant 20 : i32
    }
    %while3A_19 = arith.constant 1 : i32
    scf.for %while3A_25 = %while3A_17 to %while3A_13 step %while3A_19  : i32 {
      %mul3A_26 = arith.constant 40 : i32
      %mul3A_27 = arith.muli %while3A_25, %mul3A_26 : i32
      %add3A_28 = arith.addi %select_n3A_10, %mul3A_27 : i32
      "tpu.region"() ({
        %run_scoped3A = tpu.sem_alloc : memref<!tpu.dma_semaphore, #tpu.memory_space<semaphore_mem>>
        %dma_start3A_47 = arith.constant 0 : i32
        %dma_start3A_48 = tpu.memref_slice %arg3[%add3A_28, %dma_start3A_47] : memref<2560x128xi32, #tpu.memory_space<hbm>> -> memref<40x128xi32, #tpu.memory_space<hbm>>
        %dma_start3A_49 = arith.constant 0 : i32
        %dma_start3A_50 = tpu.memref_slice %arg3[%add3A_28, %dma_start3A_49] : memref<2560x128xi32, #tpu.memory_space<hbm>> -> memref<40x128xi32, #tpu.memory_space<hbm>>
        tpu.enqueue_dma source(%dma_start3A_50 : memref<40x128xi32, #tpu.memory_space<hbm>>) target(%arg7 : memref<40x128xi32, #tpu.memory_space<vmem>>) target_semaphore(%run_scoped3A : memref<!tpu.dma_semaphore, #tpu.memory_space<semaphore_mem>>)
        %dma_wait3A = arith.constant 0 : i32
        %dma_wait3A_51 = tpu.memref_slice %arg3[%add3A_28, %dma_wait3A] : memref<2560x128xi32, #tpu.memory_space<hbm>> -> memref<40x128xi32, #tpu.memory_space<hbm>>
        %dma_wait3A_52 = arith.constant 0 : i32
        %dma_wait3A_53 = tpu.memref_slice %arg3[%add3A_28, %dma_wait3A_52] : memref<2560x128xi32, #tpu.memory_space<hbm>> -> memref<40x128xi32, #tpu.memory_space<hbm>>
        tpu.wait_dma2 semaphore(%run_scoped3A : memref<!tpu.dma_semaphore, #tpu.memory_space<semaphore_mem>>) src(%dma_wait3A_53 : memref<40x128xi32, #tpu.memory_space<hbm>>) dst(%arg7 : memref<40x128xi32, #tpu.memory_space<vmem>>)
        tpu.yield
      }) : () -> ()
      "tpu.region"() ({
        %run_scoped3A = tpu.sem_alloc : memref<!tpu.dma_semaphore, #tpu.memory_space<semaphore_mem>>
        %dma_start3A_47 = arith.constant 0 : i32
        %dma_start3A_48 = tpu.memref_slice %arg4[%add3A_28, %dma_start3A_47] : memref<2560x128xi32, #tpu.memory_space<hbm>> -> memref<40x128xi32, #tpu.memory_space<hbm>>
        %dma_start3A_49 = arith.constant 0 : i32
        %dma_start3A_50 = tpu.memref_slice %arg4[%add3A_28, %dma_start3A_49] : memref<2560x128xi32, #tpu.memory_space<hbm>> -> memref<40x128xi32, #tpu.memory_space<hbm>>
        tpu.enqueue_dma source(%dma_start3A_50 : memref<40x128xi32, #tpu.memory_space<hbm>>) target(%arg8 : memref<40x128xi32, #tpu.memory_space<vmem>>) target_semaphore(%run_scoped3A : memref<!tpu.dma_semaphore, #tpu.memory_space<semaphore_mem>>)
        %dma_wait3A = arith.constant 0 : i32
        %dma_wait3A_51 = tpu.memref_slice %arg4[%add3A_28, %dma_wait3A] : memref<2560x128xi32, #tpu.memory_space<hbm>> -> memref<40x128xi32, #tpu.memory_space<hbm>>
        %dma_wait3A_52 = arith.constant 0 : i32
        %dma_wait3A_53 = tpu.memref_slice %arg4[%add3A_28, %dma_wait3A_52] : memref<2560x128xi32, #tpu.memory_space<hbm>> -> memref<40x128xi32, #tpu.memory_space<hbm>>
        tpu.wait_dma2 semaphore(%run_scoped3A : memref<!tpu.dma_semaphore, #tpu.memory_space<semaphore_mem>>) src(%dma_wait3A_53 : memref<40x128xi32, #tpu.memory_space<hbm>>) dst(%arg8 : memref<40x128xi32, #tpu.memory_space<vmem>>)
        tpu.yield
      }) : () -> ()
      %dma_start3A = arith.constant 0 : i32
      %dma_start3A_29 = arith.constant 0 : i32
      %dma_start3A_30 = tpu.memref_slice %arg7[%dma_start3A, %dma_start3A_29] : memref<40x128xi32, #tpu.memory_space<vmem>> -> memref<1x128xi32, #tpu.memory_space<vmem>>
      %dma_start3A_31 = tpu.memref_squeeze %dma_start3A_30 : memref<1x128xi32, #tpu.memory_space<vmem>> -> memref<128xi32, #tpu.memory_space<vmem>>
      %dma_start3A_32 = arith.constant 0 : i32
      %dma_start3A_33 = arith.constant 0 : i32
      %dma_start3A_34 = tpu.memref_slice %arg2[%dma_start3A_32, %dma_start3A_33] : memref<10240x128xf32, #tpu.memory_space<hbm>> -> memref<10240x128xf32, #tpu.memory_space<hbm>>
      tpu.enqueue_indirect_dma source(%dma_start3A_34 : memref<10240x128xf32, #tpu.memory_space<hbm>>) target(%arg9 : memref<128x128xf32, #tpu.memory_space<vmem>>) offsets(%dma_start3A_31 : memref<128xi32, #tpu.memory_space<vmem>>) semaphore(%arg12 : memref<!tpu.dma_semaphore, #tpu.memory_space<semaphore_mem>>)
      %dma_start3A_35 = arith.constant 1 : i32
      %dma_start3A_36 = arith.constant 0 : i32
      %dma_start3A_37 = tpu.memref_slice %arg7[%dma_start3A_35, %dma_start3A_36] : memref<40x128xi32, #tpu.memory_space<vmem>> -> memref<1x128xi32, #tpu.memory_space<vmem>>
      %dma_start3A_38 = tpu.memref_squeeze %dma_start3A_37 : memref<1x128xi32, #tpu.memory_space<vmem>> -> memref<128xi32, #tpu.memory_space<vmem>>
      %dma_start3A_39 = arith.constant 0 : i32
      %dma_start3A_40 = arith.constant 0 : i32
      %dma_start3A_41 = tpu.memref_slice %arg2[%dma_start3A_39, %dma_start3A_40] : memref<10240x128xf32, #tpu.memory_space<hbm>> -> memref<10240x128xf32, #tpu.memory_space<hbm>>
      tpu.enqueue_indirect_dma source(%dma_start3A_41 : memref<10240x128xf32, #tpu.memory_space<hbm>>) target(%arg10 : memref<128x128xf32, #tpu.memory_space<vmem>>) offsets(%dma_start3A_38 : memref<128xi32, #tpu.memory_space<vmem>>) semaphore(%arg13 : memref<!tpu.dma_semaphore, #tpu.memory_space<semaphore_mem>>)
      %scan3A = arith.constant 0 : i32
      %scan3A_42 = arith.constant 0 : i32
      %scan3A_43 = arith.constant 20 : i32
      %scan3A_44 = arith.addi %scan3A_42, %scan3A_43 : i32
      %scan3A_45 = arith.constant 1 : i32
      scf.for %scan3A_47 = %scan3A_42 to %scan3A_44 step %scan3A_45  : i32 {
        %mul3A_48 = arith.constant 2 : i32
        %mul3A_49 = arith.muli %scan3A_47, %mul3A_48 : i32
        %add3A_50 = arith.constant 0 : i32
        %add3A_51 = arith.addi %mul3A_49, %add3A_50 : i32
        %dma_wait3A = arith.constant 0 : i32
        %dma_wait3A_52 = tpu.memref_slice %arg7[%add3A_51, %dma_wait3A] : memref<40x128xi32, #tpu.memory_space<vmem>> -> memref<1x128xi32, #tpu.memory_space<vmem>>
        %dma_wait3A_53 = tpu.memref_squeeze %dma_wait3A_52 : memref<1x128xi32, #tpu.memory_space<vmem>> -> memref<128xi32, #tpu.memory_space<vmem>>
        %dma_wait3A_54 = arith.constant 0 : i32
        %dma_wait3A_55 = arith.constant 0 : i32
        %dma_wait3A_56 = tpu.memref_slice %arg2[%dma_wait3A_54, %dma_wait3A_55] : memref<10240x128xf32, #tpu.memory_space<hbm>> -> memref<10240x128xf32, #tpu.memory_space<hbm>>
        tpu.wait_indirect_dma semaphore(%arg12 : memref<!tpu.dma_semaphore, #tpu.memory_space<semaphore_mem>>) src(%dma_wait3A_56 : memref<10240x128xf32, #tpu.memory_space<hbm>>) dst(%arg9 : memref<128x128xf32, #tpu.memory_space<vmem>>)
        "tpu.region"() ({
          %run_scoped3A = tpu.sem_alloc : memref<!tpu.dma_semaphore, #tpu.memory_space<semaphore_mem>>
          %dma_start3A_78 = arith.constant 0 : i32
          %dma_start3A_79 = tpu.memref_slice %arg8[%add3A_51, %dma_start3A_78] : memref<40x128xi32, #tpu.memory_space<vmem>> -> memref<1x128xi32, #tpu.memory_space<vmem>>
          %dma_start3A_80 = tpu.memref_squeeze %dma_start3A_79 : memref<1x128xi32, #tpu.memory_space<vmem>> -> memref<128xi32, #tpu.memory_space<vmem>>
          %dma_start3A_81 = arith.constant 0 : i32
          %dma_start3A_82 = arith.constant 0 : i32
          %dma_start3A_83 = tpu.memref_slice %arg11[%dma_start3A_81, %dma_start3A_82] : memref<10240x128xf32, #tpu.memory_space<vmem_shared>> -> memref<10240x128xf32, #tpu.memory_space<vmem_shared>>
          tpu.enqueue_indirect_dma source(%arg9 : memref<128x128xf32, #tpu.memory_space<vmem>>) target(%dma_start3A_83 : memref<10240x128xf32, #tpu.memory_space<vmem_shared>>) offsets(%dma_start3A_80 : memref<128xi32, #tpu.memory_space<vmem>>) semaphore(%run_scoped3A : memref<!tpu.dma_semaphore, #tpu.memory_space<semaphore_mem>>) {add = true}
          %dma_wait3A_84 = arith.constant 0 : i32
          %dma_wait3A_85 = tpu.memref_slice %arg8[%add3A_51, %dma_wait3A_84] : memref<40x128xi32, #tpu.memory_space<vmem>> -> memref<1x128xi32, #tpu.memory_space<vmem>>
          %dma_wait3A_86 = tpu.memref_squeeze %dma_wait3A_85 : memref<1x128xi32, #tpu.memory_space<vmem>> -> memref<128xi32, #tpu.memory_space<vmem>>
          %dma_wait3A_87 = arith.constant 0 : i32
          %dma_wait3A_88 = arith.constant 0 : i32
          %dma_wait3A_89 = tpu.memref_slice %arg11[%dma_wait3A_87, %dma_wait3A_88] : memref<10240x128xf32, #tpu.memory_space<vmem_shared>> -> memref<10240x128xf32, #tpu.memory_space<vmem_shared>>
          tpu.wait_indirect_dma semaphore(%run_scoped3A : memref<!tpu.dma_semaphore, #tpu.memory_space<semaphore_mem>>) src(%arg9 : memref<128x128xf32, #tpu.memory_space<vmem>>) dst(%dma_wait3A_89 : memref<10240x128xf32, #tpu.memory_space<vmem_shared>>)
          tpu.yield
        }) : () -> ()
        %add3A_57 = arith.constant 2 : i32
        %add3A_58 = arith.addi %add3A_51, %add3A_57 : i32
        %lt3A = arith.constant 40 : i32
        %lt3A_59 = arith.cmpi slt, %add3A_58, %lt3A : i32
        %convert_element_type3A = arith.extui %lt3A_59 : i1 to i32
        %cond3A = arith.constant 0 : i32
        %cond3A_60 = arith.cmpi ne, %convert_element_type3A, %cond3A : i32
        scf.if %cond3A_60 {
          %add3A_78 = arith.constant 2 : i32
          %add3A_79 = arith.addi %add3A_51, %add3A_78 : i32
          %dma_start3A_80 = arith.constant 0 : i32
          %dma_start3A_81 = tpu.memref_slice %arg7[%add3A_79, %dma_start3A_80] : memref<40x128xi32, #tpu.memory_space<vmem>> -> memref<1x128xi32, #tpu.memory_space<vmem>>
          %dma_start3A_82 = tpu.memref_squeeze %dma_start3A_81 : memref<1x128xi32, #tpu.memory_space<vmem>> -> memref<128xi32, #tpu.memory_space<vmem>>
          %dma_start3A_83 = arith.constant 0 : i32
          %dma_start3A_84 = arith.constant 0 : i32
          %dma_start3A_85 = tpu.memref_slice %arg2[%dma_start3A_83, %dma_start3A_84] : memref<10240x128xf32, #tpu.memory_space<hbm>> -> memref<10240x128xf32, #tpu.memory_space<hbm>>
          tpu.enqueue_indirect_dma source(%dma_start3A_85 : memref<10240x128xf32, #tpu.memory_space<hbm>>) target(%arg9 : memref<128x128xf32, #tpu.memory_space<vmem>>) offsets(%dma_start3A_82 : memref<128xi32, #tpu.memory_space<vmem>>) semaphore(%arg12 : memref<!tpu.dma_semaphore, #tpu.memory_space<semaphore_mem>>)
        } else {
        }
        %mul3A_61 = arith.constant 2 : i32
        %mul3A_62 = arith.muli %scan3A_47, %mul3A_61 : i32
        %add3A_63 = arith.constant 1 : i32
        %add3A_64 = arith.addi %mul3A_62, %add3A_63 : i32
        %dma_wait3A_65 = arith.constant 0 : i32
        %dma_wait3A_66 = tpu.memref_slice %arg7[%add3A_64, %dma_wait3A_65] : memref<40x128xi32, #tpu.memory_space<vmem>> -> memref<1x128xi32, #tpu.memory_space<vmem>>
        %dma_wait3A_67 = tpu.memref_squeeze %dma_wait3A_66 : memref<1x128xi32, #tpu.memory_space<vmem>> -> memref<128xi32, #tpu.memory_space<vmem>>
        %dma_wait3A_68 = arith.constant 0 : i32
        %dma_wait3A_69 = arith.constant 0 : i32
        %dma_wait3A_70 = tpu.memref_slice %arg2[%dma_wait3A_68, %dma_wait3A_69] : memref<10240x128xf32, #tpu.memory_space<hbm>> -> memref<10240x128xf32, #tpu.memory_space<hbm>>
        tpu.wait_indirect_dma semaphore(%arg13 : memref<!tpu.dma_semaphore, #tpu.memory_space<semaphore_mem>>) src(%dma_wait3A_70 : memref<10240x128xf32, #tpu.memory_space<hbm>>) dst(%arg10 : memref<128x128xf32, #tpu.memory_space<vmem>>)
        "tpu.region"() ({
          %run_scoped3A = tpu.sem_alloc : memref<!tpu.dma_semaphore, #tpu.memory_space<semaphore_mem>>
          %dma_start3A_78 = arith.constant 0 : i32
          %dma_start3A_79 = tpu.memref_slice %arg8[%add3A_64, %dma_start3A_78] : memref<40x128xi32, #tpu.memory_space<vmem>> -> memref<1x128xi32, #tpu.memory_space<vmem>>
          %dma_start3A_80 = tpu.memref_squeeze %dma_start3A_79 : memref<1x128xi32, #tpu.memory_space<vmem>> -> memref<128xi32, #tpu.memory_space<vmem>>
          %dma_start3A_81 = arith.constant 0 : i32
          %dma_start3A_82 = arith.constant 0 : i32
          %dma_start3A_83 = tpu.memref_slice %arg11[%dma_start3A_81, %dma_start3A_82] : memref<10240x128xf32, #tpu.memory_space<vmem_shared>> -> memref<10240x128xf32, #tpu.memory_space<vmem_shared>>
          tpu.enqueue_indirect_dma source(%arg10 : memref<128x128xf32, #tpu.memory_space<vmem>>) target(%dma_start3A_83 : memref<10240x128xf32, #tpu.memory_space<vmem_shared>>) offsets(%dma_start3A_80 : memref<128xi32, #tpu.memory_space<vmem>>) semaphore(%run_scoped3A : memref<!tpu.dma_semaphore, #tpu.memory_space<semaphore_mem>>) {add = true}
          %dma_wait3A_84 = arith.constant 0 : i32
          %dma_wait3A_85 = tpu.memref_slice %arg8[%add3A_64, %dma_wait3A_84] : memref<40x128xi32, #tpu.memory_space<vmem>> -> memref<1x128xi32, #tpu.memory_space<vmem>>
          %dma_wait3A_86 = tpu.memref_squeeze %dma_wait3A_85 : memref<1x128xi32, #tpu.memory_space<vmem>> -> memref<128xi32, #tpu.memory_space<vmem>>
          %dma_wait3A_87 = arith.constant 0 : i32
          %dma_wait3A_88 = arith.constant 0 : i32
          %dma_wait3A_89 = tpu.memref_slice %arg11[%dma_wait3A_87, %dma_wait3A_88] : memref<10240x128xf32, #tpu.memory_space<vmem_shared>> -> memref<10240x128xf32, #tpu.memory_space<vmem_shared>>
          tpu.wait_indirect_dma semaphore(%run_scoped3A : memref<!tpu.dma_semaphore, #tpu.memory_space<semaphore_mem>>) src(%arg10 : memref<128x128xf32, #tpu.memory_space<vmem>>) dst(%dma_wait3A_89 : memref<10240x128xf32, #tpu.memory_space<vmem_shared>>)
          tpu.yield
        }) : () -> ()
        %add3A_71 = arith.constant 2 : i32
        %add3A_72 = arith.addi %add3A_64, %add3A_71 : i32
        %lt3A_73 = arith.constant 40 : i32
        %lt3A_74 = arith.cmpi slt, %add3A_72, %lt3A_73 : i32
        %convert_element_type3A_75 = arith.extui %lt3A_74 : i1 to i32
        %cond3A_76 = arith.constant 0 : i32
        %cond3A_77 = arith.cmpi ne, %convert_element_type3A_75, %cond3A_76 : i32
        scf.if %cond3A_77 {
          %add3A_78 = arith.constant 2 : i32
          %add3A_79 = arith.addi %add3A_64, %add3A_78 : i32
          %dma_start3A_80 = arith.constant 0 : i32
          %dma_start3A_81 = tpu.memref_slice %arg7[%add3A_79, %dma_start3A_80] : memref<40x128xi32, #tpu.memory_space<vmem>> -> memref<1x128xi32, #tpu.memory_space<vmem>>
          %dma_start3A_82 = tpu.memref_squeeze %dma_start3A_81 : memref<1x128xi32, #tpu.memory_space<vmem>> -> memref<128xi32, #tpu.memory_space<vmem>>
          %dma_start3A_83 = arith.constant 0 : i32
          %dma_start3A_84 = arith.constant 0 : i32
          %dma_start3A_85 = tpu.memref_slice %arg2[%dma_start3A_83, %dma_start3A_84] : memref<10240x128xf32, #tpu.memory_space<hbm>> -> memref<10240x128xf32, #tpu.memory_space<hbm>>
          tpu.enqueue_indirect_dma source(%dma_start3A_85 : memref<10240x128xf32, #tpu.memory_space<hbm>>) target(%arg10 : memref<128x128xf32, #tpu.memory_space<vmem>>) offsets(%dma_start3A_82 : memref<128xi32, #tpu.memory_space<vmem>>) semaphore(%arg13 : memref<!tpu.dma_semaphore, #tpu.memory_space<semaphore_mem>>)
        } else {
        }
      }
      %scan3A_46 = arith.constant 20 : i32
    }
    %barrier3A_20 = arith.constant 0 : index
    tpu.barrier barrier_id(%barrier3A_20)
    %mul3A_21 = arith.constant 640 : i32
    %mul3A_22 = arith.muli %arg1, %mul3A_21 : i32
    %mul3A_23 = arith.constant 640 : i32
    %mul3A_24 = arith.muli %arg1, %mul3A_23 : i32
    "tpu.region"() ({
      %run_scoped3A = tpu.sem_alloc : memref<!tpu.dma_semaphore, #tpu.memory_space<semaphore_mem>>
      %dma_start3A = arith.constant 0 : i32
      %dma_start3A_25 = tpu.memref_slice %arg6[%arg0, %mul3A_24, %dma_start3A] : memref<2x10240x128xf32, #tpu.memory_space<hbm>> -> memref<1x640x128xf32, #tpu.memory_space<hbm>>
      %dma_start3A_26 = tpu.memref_squeeze %dma_start3A_25 : memref<1x640x128xf32, #tpu.memory_space<hbm>> -> memref<640x128xf32, #tpu.memory_space<hbm>>
      %dma_start3A_27 = arith.constant 0 : i32
      %dma_start3A_28 = tpu.memref_slice %arg11[%mul3A_22, %dma_start3A_27] : memref<10240x128xf32, #tpu.memory_space<vmem_shared>> -> memref<640x128xf32, #tpu.memory_space<vmem_shared>>
      tpu.enqueue_dma source(%dma_start3A_28 : memref<640x128xf32, #tpu.memory_space<vmem_shared>>) target(%dma_start3A_26 : memref<640x128xf32, #tpu.memory_space<hbm>>) target_semaphore(%run_scoped3A : memref<!tpu.dma_semaphore, #tpu.memory_space<semaphore_mem>>)
      %dma_wait3A = arith.constant 0 : i32
      %dma_wait3A_29 = tpu.memref_slice %arg6[%arg0, %mul3A_24, %dma_wait3A] : memref<2x10240x128xf32, #tpu.memory_space<hbm>> -> memref<1x640x128xf32, #tpu.memory_space<hbm>>
      %dma_wait3A_30 = tpu.memref_squeeze %dma_wait3A_29 : memref<1x640x128xf32, #tpu.memory_space<hbm>> -> memref<640x128xf32, #tpu.memory_space<hbm>>
      %dma_wait3A_31 = arith.constant 0 : i32
      %dma_wait3A_32 = tpu.memref_slice %arg11[%mul3A_22, %dma_wait3A_31] : memref<10240x128xf32, #tpu.memory_space<vmem_shared>> -> memref<640x128xf32, #tpu.memory_space<vmem_shared>>
      tpu.wait_dma2 semaphore(%run_scoped3A : memref<!tpu.dma_semaphore, #tpu.memory_space<semaphore_mem>>) src(%dma_wait3A_32 : memref<640x128xf32, #tpu.memory_space<vmem_shared>>) dst(%dma_wait3A_30 : memref<640x128xf32, #tpu.memory_space<hbm>>)
      tpu.yield
    }) : () -> ()
    return
  }
}

#map = affine_map<(d0, d1) -> (0, 0)>
#map1 = affine_map<(d0, d1) -> (0, 0, 0)>
module attributes {stable_mosaic.version = 14 : i64} {
  func.func @_sc_conv(%arg0: i32, %arg1: i32, %arg2: memref<10240x128xf32, #tpu.memory_space<hbm>>, %arg3: memref<2560x128xi32, #tpu.memory_space<hbm>>, %arg4: memref<2560x128xi32, #tpu.memory_space<hbm>>, %arg5: memref<640x128xf32, #tpu.memory_space<hbm>>, %arg6: memref<2x10240x128xf32, #tpu.memory_space<hbm>>, %arg7: memref<40x128xi32, #tpu.memory_space<vmem>>, %arg8: memref<40x128xi32, #tpu.memory_space<vmem>>, %arg9: memref<128x128xf32, #tpu.memory_space<vmem>>, %arg10: memref<128x128xf32, #tpu.memory_space<vmem>>, %arg11: memref<10240x128xf32, #tpu.memory_space<vmem_shared>>, %arg12: memref<!tpu.dma_semaphore, #tpu.memory_space<semaphore_mem>>, %arg13: memref<!tpu.dma_semaphore, #tpu.memory_space<semaphore_mem>>) attributes {dimension_semantics = [#tpu.dimension_semantics<core_parallel>, #tpu.dimension_semantics<subcore_parallel>], iteration_bounds = array<i64: 2, 16>, scalar_prefetch = 0 : i64, scratch_operands = 7 : i64, tpu.core_type = #tpu.core_type<sc_vector_subcore>, window_params = [{transform_indices = #map}, {transform_indices = #map}, {transform_indices = #map}, {transform_indices = #map}, {transform_indices = #map1}]} {
    %mul3A = arith.constant 640 : i32
    %mul3A_0 = arith.muli %arg1, %mul3A : i32
    "tpu.region"() ({
      %run_scoped3A = tpu.sem_alloc : memref<!tpu.dma_semaphore, #tpu.memory_space<semaphore_mem>>
      %dma_start3A = arith.constant 0 : i32
      %dma_start3A_25 = tpu.memref_slice %arg11[%mul3A_0, %dma_start3A] : memref<10240x128xf32, #tpu.memory_space<vmem_shared>> -> memref<640x128xf32, #tpu.memory_space<vmem_shared>>
      tpu.enqueue_dma source(%arg5 : memref<640x128xf32, #tpu.memory_space<hbm>>) target(%dma_start3A_25 : memref<640x128xf32, #tpu.memory_space<vmem_shared>>) target_semaphore(%run_scoped3A : memref<!tpu.dma_semaphore, #tpu.memory_space<semaphore_mem>>)
      %dma_wait3A = arith.constant 0 : i32
      %dma_wait3A_26 = tpu.memref_slice %arg11[%mul3A_0, %dma_wait3A] : memref<10240x128xf32, #tpu.memory_space<vmem_shared>> -> memref<640x128xf32, #tpu.memory_space<vmem_shared>>
      tpu.wait_dma2 semaphore(%run_scoped3A : memref<!tpu.dma_semaphore, #tpu.memory_space<semaphore_mem>>) src(%arg5 : memref<640x128xf32, #tpu.memory_space<hbm>>) dst(%dma_wait3A_26 : memref<640x128xf32, #tpu.memory_space<vmem_shared>>)
      tpu.yield
    }) : () -> ()
    %barrier3A = arith.constant 0 : index
    tpu.barrier barrier_id(%barrier3A)
    %eq3A = arith.constant 0 : i32
    %eq3A_1 = arith.cmpi eq, %arg0, %eq3A : i32
    %jit3A = arith.constant 3 : i32
    %jit3A_2 = arith.constant 1 : i32
    %select_n3A = arith.select %eq3A_1, %jit3A, %jit3A_2 : i32
    %eq3A_3 = arith.constant 0 : i32
    %eq3A_4 = arith.cmpi eq, %arg0, %eq3A_3 : i32
    %mul3A_5 = arith.constant 120 : i32
    %mul3A_6 = arith.muli %arg1, %mul3A_5 : i32
    %mul3A_7 = arith.constant 40 : i32
    %mul3A_8 = arith.muli %arg1, %mul3A_7 : i32
    %add3A = arith.constant 1920 : i32
    %add3A_9 = arith.addi %add3A, %mul3A_8 : i32
    %select_n3A_10 = arith.select %eq3A_4, %mul3A_6, %add3A_9 : i32
    %while3A = arith.constant 0 : i32
    %while3A_11 = arith.constant 0 : i32
    %while3A_12 = arith.subi %select_n3A, %while3A_11 : i32
    %while3A_13 = arith.addi %while3A_11, %while3A_12 : i32
    %while3A_14 = arith.constant 1 : i32
    %while3A_15 = arith.divsi %while3A_12, %while3A_14 : i32
    %while3A_16 = arith.muli %while3A_15, %while3A_14 : i32
    %while3A_17 = arith.addi %while3A_11, %while3A_16 : i32
    %while3A_18 = arith.constant 1 : i32
    scf.for %while3A_25 = %while3A_11 to %while3A_17 step %while3A_18  : i32 {
      %mul3A_26 = arith.constant 40 : i32
      %mul3A_27 = arith.muli %while3A_25, %mul3A_26 : i32
      %add3A_28 = arith.addi %select_n3A_10, %mul3A_27 : i32
      "tpu.region"() ({
        %run_scoped3A = tpu.sem_alloc : memref<!tpu.dma_semaphore, #tpu.memory_space<semaphore_mem>>
        %dma_start3A_47 = arith.constant 0 : i32
        %dma_start3A_48 = tpu.memref_slice %arg3[%add3A_28, %dma_start3A_47] : memref<2560x128xi32, #tpu.memory_space<hbm>> -> memref<40x128xi32, #tpu.memory_space<hbm>>
        %dma_start3A_49 = arith.constant 0 : i32
        %dma_start3A_50 = tpu.memref_slice %arg3[%add3A_28, %dma_start3A_49] : memref<2560x128xi32, #tpu.memory_space<hbm>> -> memref<40x128xi32, #tpu.memory_space<hbm>>
        tpu.enqueue_dma source(%dma_start3A_50 : memref<40x128xi32, #tpu.memory_space<hbm>>) target(%arg7 : memref<40x128xi32, #tpu.memory_space<vmem>>) target_semaphore(%run_scoped3A : memref<!tpu.dma_semaphore, #tpu.memory_space<semaphore_mem>>)
        %dma_wait3A = arith.constant 0 : i32
        %dma_wait3A_51 = tpu.memref_slice %arg3[%add3A_28, %dma_wait3A] : memref<2560x128xi32, #tpu.memory_space<hbm>> -> memref<40x128xi32, #tpu.memory_space<hbm>>
        %dma_wait3A_52 = arith.constant 0 : i32
        %dma_wait3A_53 = tpu.memref_slice %arg3[%add3A_28, %dma_wait3A_52] : memref<2560x128xi32, #tpu.memory_space<hbm>> -> memref<40x128xi32, #tpu.memory_space<hbm>>
        tpu.wait_dma2 semaphore(%run_scoped3A : memref<!tpu.dma_semaphore, #tpu.memory_space<semaphore_mem>>) src(%dma_wait3A_53 : memref<40x128xi32, #tpu.memory_space<hbm>>) dst(%arg7 : memref<40x128xi32, #tpu.memory_space<vmem>>)
        tpu.yield
      }) : () -> ()
      "tpu.region"() ({
        %run_scoped3A = tpu.sem_alloc : memref<!tpu.dma_semaphore, #tpu.memory_space<semaphore_mem>>
        %dma_start3A_47 = arith.constant 0 : i32
        %dma_start3A_48 = tpu.memref_slice %arg4[%add3A_28, %dma_start3A_47] : memref<2560x128xi32, #tpu.memory_space<hbm>> -> memref<40x128xi32, #tpu.memory_space<hbm>>
        %dma_start3A_49 = arith.constant 0 : i32
        %dma_start3A_50 = tpu.memref_slice %arg4[%add3A_28, %dma_start3A_49] : memref<2560x128xi32, #tpu.memory_space<hbm>> -> memref<40x128xi32, #tpu.memory_space<hbm>>
        tpu.enqueue_dma source(%dma_start3A_50 : memref<40x128xi32, #tpu.memory_space<hbm>>) target(%arg8 : memref<40x128xi32, #tpu.memory_space<vmem>>) target_semaphore(%run_scoped3A : memref<!tpu.dma_semaphore, #tpu.memory_space<semaphore_mem>>)
        %dma_wait3A = arith.constant 0 : i32
        %dma_wait3A_51 = tpu.memref_slice %arg4[%add3A_28, %dma_wait3A] : memref<2560x128xi32, #tpu.memory_space<hbm>> -> memref<40x128xi32, #tpu.memory_space<hbm>>
        %dma_wait3A_52 = arith.constant 0 : i32
        %dma_wait3A_53 = tpu.memref_slice %arg4[%add3A_28, %dma_wait3A_52] : memref<2560x128xi32, #tpu.memory_space<hbm>> -> memref<40x128xi32, #tpu.memory_space<hbm>>
        tpu.wait_dma2 semaphore(%run_scoped3A : memref<!tpu.dma_semaphore, #tpu.memory_space<semaphore_mem>>) src(%dma_wait3A_53 : memref<40x128xi32, #tpu.memory_space<hbm>>) dst(%arg8 : memref<40x128xi32, #tpu.memory_space<vmem>>)
        tpu.yield
      }) : () -> ()
      %dma_start3A = arith.constant 0 : i32
      %dma_start3A_29 = arith.constant 0 : i32
      %dma_start3A_30 = tpu.memref_slice %arg7[%dma_start3A, %dma_start3A_29] : memref<40x128xi32, #tpu.memory_space<vmem>> -> memref<1x128xi32, #tpu.memory_space<vmem>>
      %dma_start3A_31 = tpu.memref_squeeze %dma_start3A_30 : memref<1x128xi32, #tpu.memory_space<vmem>> -> memref<128xi32, #tpu.memory_space<vmem>>
      %dma_start3A_32 = arith.constant 0 : i32
      %dma_start3A_33 = arith.constant 0 : i32
      %dma_start3A_34 = tpu.memref_slice %arg2[%dma_start3A_32, %dma_start3A_33] : memref<10240x128xf32, #tpu.memory_space<hbm>> -> memref<10240x128xf32, #tpu.memory_space<hbm>>
      tpu.enqueue_indirect_dma source(%dma_start3A_34 : memref<10240x128xf32, #tpu.memory_space<hbm>>) target(%arg9 : memref<128x128xf32, #tpu.memory_space<vmem>>) offsets(%dma_start3A_31 : memref<128xi32, #tpu.memory_space<vmem>>) semaphore(%arg12 : memref<!tpu.dma_semaphore, #tpu.memory_space<semaphore_mem>>)
      %dma_start3A_35 = arith.constant 1 : i32
      %dma_start3A_36 = arith.constant 0 : i32
      %dma_start3A_37 = tpu.memref_slice %arg7[%dma_start3A_35, %dma_start3A_36] : memref<40x128xi32, #tpu.memory_space<vmem>> -> memref<1x128xi32, #tpu.memory_space<vmem>>
      %dma_start3A_38 = tpu.memref_squeeze %dma_start3A_37 : memref<1x128xi32, #tpu.memory_space<vmem>> -> memref<128xi32, #tpu.memory_space<vmem>>
      %dma_start3A_39 = arith.constant 0 : i32
      %dma_start3A_40 = arith.constant 0 : i32
      %dma_start3A_41 = tpu.memref_slice %arg2[%dma_start3A_39, %dma_start3A_40] : memref<10240x128xf32, #tpu.memory_space<hbm>> -> memref<10240x128xf32, #tpu.memory_space<hbm>>
      tpu.enqueue_indirect_dma source(%dma_start3A_41 : memref<10240x128xf32, #tpu.memory_space<hbm>>) target(%arg10 : memref<128x128xf32, #tpu.memory_space<vmem>>) offsets(%dma_start3A_38 : memref<128xi32, #tpu.memory_space<vmem>>) semaphore(%arg13 : memref<!tpu.dma_semaphore, #tpu.memory_space<semaphore_mem>>)
      %scan3A = arith.constant 0 : i32
      %scan3A_42 = arith.constant 0 : i32
      %scan3A_43 = arith.constant 20 : i32
      %scan3A_44 = arith.addi %scan3A_42, %scan3A_43 : i32
      %scan3A_45 = arith.constant 1 : i32
      scf.for %scan3A_47 = %scan3A_42 to %scan3A_44 step %scan3A_45  : i32 {
        %mul3A_48 = arith.constant 2 : i32
        %mul3A_49 = arith.muli %scan3A_47, %mul3A_48 : i32
        %add3A_50 = arith.constant 0 : i32
        %add3A_51 = arith.addi %mul3A_49, %add3A_50 : i32
        %dma_wait3A = arith.constant 0 : i32
        %dma_wait3A_52 = tpu.memref_slice %arg7[%add3A_51, %dma_wait3A] : memref<40x128xi32, #tpu.memory_space<vmem>> -> memref<1x128xi32, #tpu.memory_space<vmem>>
        %dma_wait3A_53 = tpu.memref_squeeze %dma_wait3A_52 : memref<1x128xi32, #tpu.memory_space<vmem>> -> memref<128xi32, #tpu.memory_space<vmem>>
        %dma_wait3A_54 = arith.constant 0 : i32
        %dma_wait3A_55 = arith.constant 0 : i32
        %dma_wait3A_56 = tpu.memref_slice %arg2[%dma_wait3A_54, %dma_wait3A_55] : memref<10240x128xf32, #tpu.memory_space<hbm>> -> memref<10240x128xf32, #tpu.memory_space<hbm>>
        tpu.wait_indirect_dma semaphore(%arg12 : memref<!tpu.dma_semaphore, #tpu.memory_space<semaphore_mem>>) src(%dma_wait3A_56 : memref<10240x128xf32, #tpu.memory_space<hbm>>) dst(%arg9 : memref<128x128xf32, #tpu.memory_space<vmem>>)
        "tpu.region"() ({
          %run_scoped3A = tpu.sem_alloc : memref<!tpu.dma_semaphore, #tpu.memory_space<semaphore_mem>>
          %dma_start3A_78 = arith.constant 0 : i32
          %dma_start3A_79 = tpu.memref_slice %arg8[%add3A_51, %dma_start3A_78] : memref<40x128xi32, #tpu.memory_space<vmem>> -> memref<1x128xi32, #tpu.memory_space<vmem>>
          %dma_start3A_80 = tpu.memref_squeeze %dma_start3A_79 : memref<1x128xi32, #tpu.memory_space<vmem>> -> memref<128xi32, #tpu.memory_space<vmem>>
          %dma_start3A_81 = arith.constant 0 : i32
          %dma_start3A_82 = arith.constant 0 : i32
          %dma_start3A_83 = tpu.memref_slice %arg11[%dma_start3A_81, %dma_start3A_82] : memref<10240x128xf32, #tpu.memory_space<vmem_shared>> -> memref<10240x128xf32, #tpu.memory_space<vmem_shared>>
          tpu.enqueue_indirect_dma source(%arg9 : memref<128x128xf32, #tpu.memory_space<vmem>>) target(%dma_start3A_83 : memref<10240x128xf32, #tpu.memory_space<vmem_shared>>) offsets(%dma_start3A_80 : memref<128xi32, #tpu.memory_space<vmem>>) semaphore(%run_scoped3A : memref<!tpu.dma_semaphore, #tpu.memory_space<semaphore_mem>>) {add = true}
          %dma_wait3A_84 = arith.constant 0 : i32
          %dma_wait3A_85 = tpu.memref_slice %arg8[%add3A_51, %dma_wait3A_84] : memref<40x128xi32, #tpu.memory_space<vmem>> -> memref<1x128xi32, #tpu.memory_space<vmem>>
          %dma_wait3A_86 = tpu.memref_squeeze %dma_wait3A_85 : memref<1x128xi32, #tpu.memory_space<vmem>> -> memref<128xi32, #tpu.memory_space<vmem>>
          %dma_wait3A_87 = arith.constant 0 : i32
          %dma_wait3A_88 = arith.constant 0 : i32
          %dma_wait3A_89 = tpu.memref_slice %arg11[%dma_wait3A_87, %dma_wait3A_88] : memref<10240x128xf32, #tpu.memory_space<vmem_shared>> -> memref<10240x128xf32, #tpu.memory_space<vmem_shared>>
          tpu.wait_indirect_dma semaphore(%run_scoped3A : memref<!tpu.dma_semaphore, #tpu.memory_space<semaphore_mem>>) src(%arg9 : memref<128x128xf32, #tpu.memory_space<vmem>>) dst(%dma_wait3A_89 : memref<10240x128xf32, #tpu.memory_space<vmem_shared>>)
          tpu.yield
        }) : () -> ()
        %add3A_57 = arith.constant 2 : i32
        %add3A_58 = arith.addi %add3A_51, %add3A_57 : i32
        %lt3A = arith.constant 40 : i32
        %lt3A_59 = arith.cmpi slt, %add3A_58, %lt3A : i32
        %convert_element_type3A = arith.extui %lt3A_59 : i1 to i32
        %cond3A = arith.constant 0 : i32
        %cond3A_60 = arith.cmpi ne, %convert_element_type3A, %cond3A : i32
        scf.if %cond3A_60 {
          %add3A_78 = arith.constant 2 : i32
          %add3A_79 = arith.addi %add3A_51, %add3A_78 : i32
          %dma_start3A_80 = arith.constant 0 : i32
          %dma_start3A_81 = tpu.memref_slice %arg7[%add3A_79, %dma_start3A_80] : memref<40x128xi32, #tpu.memory_space<vmem>> -> memref<1x128xi32, #tpu.memory_space<vmem>>
          %dma_start3A_82 = tpu.memref_squeeze %dma_start3A_81 : memref<1x128xi32, #tpu.memory_space<vmem>> -> memref<128xi32, #tpu.memory_space<vmem>>
          %dma_start3A_83 = arith.constant 0 : i32
          %dma_start3A_84 = arith.constant 0 : i32
          %dma_start3A_85 = tpu.memref_slice %arg2[%dma_start3A_83, %dma_start3A_84] : memref<10240x128xf32, #tpu.memory_space<hbm>> -> memref<10240x128xf32, #tpu.memory_space<hbm>>
          tpu.enqueue_indirect_dma source(%dma_start3A_85 : memref<10240x128xf32, #tpu.memory_space<hbm>>) target(%arg9 : memref<128x128xf32, #tpu.memory_space<vmem>>) offsets(%dma_start3A_82 : memref<128xi32, #tpu.memory_space<vmem>>) semaphore(%arg12 : memref<!tpu.dma_semaphore, #tpu.memory_space<semaphore_mem>>)
        } else {
        }
        %mul3A_61 = arith.constant 2 : i32
        %mul3A_62 = arith.muli %scan3A_47, %mul3A_61 : i32
        %add3A_63 = arith.constant 1 : i32
        %add3A_64 = arith.addi %mul3A_62, %add3A_63 : i32
        %dma_wait3A_65 = arith.constant 0 : i32
        %dma_wait3A_66 = tpu.memref_slice %arg7[%add3A_64, %dma_wait3A_65] : memref<40x128xi32, #tpu.memory_space<vmem>> -> memref<1x128xi32, #tpu.memory_space<vmem>>
        %dma_wait3A_67 = tpu.memref_squeeze %dma_wait3A_66 : memref<1x128xi32, #tpu.memory_space<vmem>> -> memref<128xi32, #tpu.memory_space<vmem>>
        %dma_wait3A_68 = arith.constant 0 : i32
        %dma_wait3A_69 = arith.constant 0 : i32
        %dma_wait3A_70 = tpu.memref_slice %arg2[%dma_wait3A_68, %dma_wait3A_69] : memref<10240x128xf32, #tpu.memory_space<hbm>> -> memref<10240x128xf32, #tpu.memory_space<hbm>>
        tpu.wait_indirect_dma semaphore(%arg13 : memref<!tpu.dma_semaphore, #tpu.memory_space<semaphore_mem>>) src(%dma_wait3A_70 : memref<10240x128xf32, #tpu.memory_space<hbm>>) dst(%arg10 : memref<128x128xf32, #tpu.memory_space<vmem>>)
        "tpu.region"() ({
          %run_scoped3A = tpu.sem_alloc : memref<!tpu.dma_semaphore, #tpu.memory_space<semaphore_mem>>
          %dma_start3A_78 = arith.constant 0 : i32
          %dma_start3A_79 = tpu.memref_slice %arg8[%add3A_64, %dma_start3A_78] : memref<40x128xi32, #tpu.memory_space<vmem>> -> memref<1x128xi32, #tpu.memory_space<vmem>>
          %dma_start3A_80 = tpu.memref_squeeze %dma_start3A_79 : memref<1x128xi32, #tpu.memory_space<vmem>> -> memref<128xi32, #tpu.memory_space<vmem>>
          %dma_start3A_81 = arith.constant 0 : i32
          %dma_start3A_82 = arith.constant 0 : i32
          %dma_start3A_83 = tpu.memref_slice %arg11[%dma_start3A_81, %dma_start3A_82] : memref<10240x128xf32, #tpu.memory_space<vmem_shared>> -> memref<10240x128xf32, #tpu.memory_space<vmem_shared>>
          tpu.enqueue_indirect_dma source(%arg10 : memref<128x128xf32, #tpu.memory_space<vmem>>) target(%dma_start3A_83 : memref<10240x128xf32, #tpu.memory_space<vmem_shared>>) offsets(%dma_start3A_80 : memref<128xi32, #tpu.memory_space<vmem>>) semaphore(%run_scoped3A : memref<!tpu.dma_semaphore, #tpu.memory_space<semaphore_mem>>) {add = true}
          %dma_wait3A_84 = arith.constant 0 : i32
          %dma_wait3A_85 = tpu.memref_slice %arg8[%add3A_64, %dma_wait3A_84] : memref<40x128xi32, #tpu.memory_space<vmem>> -> memref<1x128xi32, #tpu.memory_space<vmem>>
          %dma_wait3A_86 = tpu.memref_squeeze %dma_wait3A_85 : memref<1x128xi32, #tpu.memory_space<vmem>> -> memref<128xi32, #tpu.memory_space<vmem>>
          %dma_wait3A_87 = arith.constant 0 : i32
          %dma_wait3A_88 = arith.constant 0 : i32
          %dma_wait3A_89 = tpu.memref_slice %arg11[%dma_wait3A_87, %dma_wait3A_88] : memref<10240x128xf32, #tpu.memory_space<vmem_shared>> -> memref<10240x128xf32, #tpu.memory_space<vmem_shared>>
          tpu.wait_indirect_dma semaphore(%run_scoped3A : memref<!tpu.dma_semaphore, #tpu.memory_space<semaphore_mem>>) src(%arg10 : memref<128x128xf32, #tpu.memory_space<vmem>>) dst(%dma_wait3A_89 : memref<10240x128xf32, #tpu.memory_space<vmem_shared>>)
          tpu.yield
        }) : () -> ()
        %add3A_71 = arith.constant 2 : i32
        %add3A_72 = arith.addi %add3A_64, %add3A_71 : i32
        %lt3A_73 = arith.constant 40 : i32
        %lt3A_74 = arith.cmpi slt, %add3A_72, %lt3A_73 : i32
        %convert_element_type3A_75 = arith.extui %lt3A_74 : i1 to i32
        %cond3A_76 = arith.constant 0 : i32
        %cond3A_77 = arith.cmpi ne, %convert_element_type3A_75, %cond3A_76 : i32
        scf.if %cond3A_77 {
          %add3A_78 = arith.constant 2 : i32
          %add3A_79 = arith.addi %add3A_64, %add3A_78 : i32
          %dma_start3A_80 = arith.constant 0 : i32
          %dma_start3A_81 = tpu.memref_slice %arg7[%add3A_79, %dma_start3A_80] : memref<40x128xi32, #tpu.memory_space<vmem>> -> memref<1x128xi32, #tpu.memory_space<vmem>>
          %dma_start3A_82 = tpu.memref_squeeze %dma_start3A_81 : memref<1x128xi32, #tpu.memory_space<vmem>> -> memref<128xi32, #tpu.memory_space<vmem>>
          %dma_start3A_83 = arith.constant 0 : i32
          %dma_start3A_84 = arith.constant 0 : i32
          %dma_start3A_85 = tpu.memref_slice %arg2[%dma_start3A_83, %dma_start3A_84] : memref<10240x128xf32, #tpu.memory_space<hbm>> -> memref<10240x128xf32, #tpu.memory_space<hbm>>
          tpu.enqueue_indirect_dma source(%dma_start3A_85 : memref<10240x128xf32, #tpu.memory_space<hbm>>) target(%arg10 : memref<128x128xf32, #tpu.memory_space<vmem>>) offsets(%dma_start3A_82 : memref<128xi32, #tpu.memory_space<vmem>>) semaphore(%arg13 : memref<!tpu.dma_semaphore, #tpu.memory_space<semaphore_mem>>)
        } else {
        }
      }
      %scan3A_46 = arith.constant 20 : i32
    }
    %while3A_19 = arith.constant 1 : i32
    scf.for %while3A_25 = %while3A_17 to %while3A_13 step %while3A_19  : i32 {
      %mul3A_26 = arith.constant 40 : i32
      %mul3A_27 = arith.muli %while3A_25, %mul3A_26 : i32
      %add3A_28 = arith.addi %select_n3A_10, %mul3A_27 : i32
      "tpu.region"() ({
        %run_scoped3A = tpu.sem_alloc : memref<!tpu.dma_semaphore, #tpu.memory_space<semaphore_mem>>
        %dma_start3A_47 = arith.constant 0 : i32
        %dma_start3A_48 = tpu.memref_slice %arg3[%add3A_28, %dma_start3A_47] : memref<2560x128xi32, #tpu.memory_space<hbm>> -> memref<40x128xi32, #tpu.memory_space<hbm>>
        %dma_start3A_49 = arith.constant 0 : i32
        %dma_start3A_50 = tpu.memref_slice %arg3[%add3A_28, %dma_start3A_49] : memref<2560x128xi32, #tpu.memory_space<hbm>> -> memref<40x128xi32, #tpu.memory_space<hbm>>
        tpu.enqueue_dma source(%dma_start3A_50 : memref<40x128xi32, #tpu.memory_space<hbm>>) target(%arg7 : memref<40x128xi32, #tpu.memory_space<vmem>>) target_semaphore(%run_scoped3A : memref<!tpu.dma_semaphore, #tpu.memory_space<semaphore_mem>>)
        %dma_wait3A = arith.constant 0 : i32
        %dma_wait3A_51 = tpu.memref_slice %arg3[%add3A_28, %dma_wait3A] : memref<2560x128xi32, #tpu.memory_space<hbm>> -> memref<40x128xi32, #tpu.memory_space<hbm>>
        %dma_wait3A_52 = arith.constant 0 : i32
        %dma_wait3A_53 = tpu.memref_slice %arg3[%add3A_28, %dma_wait3A_52] : memref<2560x128xi32, #tpu.memory_space<hbm>> -> memref<40x128xi32, #tpu.memory_space<hbm>>
        tpu.wait_dma2 semaphore(%run_scoped3A : memref<!tpu.dma_semaphore, #tpu.memory_space<semaphore_mem>>) src(%dma_wait3A_53 : memref<40x128xi32, #tpu.memory_space<hbm>>) dst(%arg7 : memref<40x128xi32, #tpu.memory_space<vmem>>)
        tpu.yield
      }) : () -> ()
      "tpu.region"() ({
        %run_scoped3A = tpu.sem_alloc : memref<!tpu.dma_semaphore, #tpu.memory_space<semaphore_mem>>
        %dma_start3A_47 = arith.constant 0 : i32
        %dma_start3A_48 = tpu.memref_slice %arg4[%add3A_28, %dma_start3A_47] : memref<2560x128xi32, #tpu.memory_space<hbm>> -> memref<40x128xi32, #tpu.memory_space<hbm>>
        %dma_start3A_49 = arith.constant 0 : i32
        %dma_start3A_50 = tpu.memref_slice %arg4[%add3A_28, %dma_start3A_49] : memref<2560x128xi32, #tpu.memory_space<hbm>> -> memref<40x128xi32, #tpu.memory_space<hbm>>
        tpu.enqueue_dma source(%dma_start3A_50 : memref<40x128xi32, #tpu.memory_space<hbm>>) target(%arg8 : memref<40x128xi32, #tpu.memory_space<vmem>>) target_semaphore(%run_scoped3A : memref<!tpu.dma_semaphore, #tpu.memory_space<semaphore_mem>>)
        %dma_wait3A = arith.constant 0 : i32
        %dma_wait3A_51 = tpu.memref_slice %arg4[%add3A_28, %dma_wait3A] : memref<2560x128xi32, #tpu.memory_space<hbm>> -> memref<40x128xi32, #tpu.memory_space<hbm>>
        %dma_wait3A_52 = arith.constant 0 : i32
        %dma_wait3A_53 = tpu.memref_slice %arg4[%add3A_28, %dma_wait3A_52] : memref<2560x128xi32, #tpu.memory_space<hbm>> -> memref<40x128xi32, #tpu.memory_space<hbm>>
        tpu.wait_dma2 semaphore(%run_scoped3A : memref<!tpu.dma_semaphore, #tpu.memory_space<semaphore_mem>>) src(%dma_wait3A_53 : memref<40x128xi32, #tpu.memory_space<hbm>>) dst(%arg8 : memref<40x128xi32, #tpu.memory_space<vmem>>)
        tpu.yield
      }) : () -> ()
      %dma_start3A = arith.constant 0 : i32
      %dma_start3A_29 = arith.constant 0 : i32
      %dma_start3A_30 = tpu.memref_slice %arg7[%dma_start3A, %dma_start3A_29] : memref<40x128xi32, #tpu.memory_space<vmem>> -> memref<1x128xi32, #tpu.memory_space<vmem>>
      %dma_start3A_31 = tpu.memref_squeeze %dma_start3A_30 : memref<1x128xi32, #tpu.memory_space<vmem>> -> memref<128xi32, #tpu.memory_space<vmem>>
      %dma_start3A_32 = arith.constant 0 : i32
      %dma_start3A_33 = arith.constant 0 : i32
      %dma_start3A_34 = tpu.memref_slice %arg2[%dma_start3A_32, %dma_start3A_33] : memref<10240x128xf32, #tpu.memory_space<hbm>> -> memref<10240x128xf32, #tpu.memory_space<hbm>>
      tpu.enqueue_indirect_dma source(%dma_start3A_34 : memref<10240x128xf32, #tpu.memory_space<hbm>>) target(%arg9 : memref<128x128xf32, #tpu.memory_space<vmem>>) offsets(%dma_start3A_31 : memref<128xi32, #tpu.memory_space<vmem>>) semaphore(%arg12 : memref<!tpu.dma_semaphore, #tpu.memory_space<semaphore_mem>>)
      %dma_start3A_35 = arith.constant 1 : i32
      %dma_start3A_36 = arith.constant 0 : i32
      %dma_start3A_37 = tpu.memref_slice %arg7[%dma_start3A_35, %dma_start3A_36] : memref<40x128xi32, #tpu.memory_space<vmem>> -> memref<1x128xi32, #tpu.memory_space<vmem>>
      %dma_start3A_38 = tpu.memref_squeeze %dma_start3A_37 : memref<1x128xi32, #tpu.memory_space<vmem>> -> memref<128xi32, #tpu.memory_space<vmem>>
      %dma_start3A_39 = arith.constant 0 : i32
      %dma_start3A_40 = arith.constant 0 : i32
      %dma_start3A_41 = tpu.memref_slice %arg2[%dma_start3A_39, %dma_start3A_40] : memref<10240x128xf32, #tpu.memory_space<hbm>> -> memref<10240x128xf32, #tpu.memory_space<hbm>>
      tpu.enqueue_indirect_dma source(%dma_start3A_41 : memref<10240x128xf32, #tpu.memory_space<hbm>>) target(%arg10 : memref<128x128xf32, #tpu.memory_space<vmem>>) offsets(%dma_start3A_38 : memref<128xi32, #tpu.memory_space<vmem>>) semaphore(%arg13 : memref<!tpu.dma_semaphore, #tpu.memory_space<semaphore_mem>>)
      %scan3A = arith.constant 0 : i32
      %scan3A_42 = arith.constant 0 : i32
      %scan3A_43 = arith.constant 20 : i32
      %scan3A_44 = arith.addi %scan3A_42, %scan3A_43 : i32
      %scan3A_45 = arith.constant 1 : i32
      scf.for %scan3A_47 = %scan3A_42 to %scan3A_44 step %scan3A_45  : i32 {
        %mul3A_48 = arith.constant 2 : i32
        %mul3A_49 = arith.muli %scan3A_47, %mul3A_48 : i32
        %add3A_50 = arith.constant 0 : i32
        %add3A_51 = arith.addi %mul3A_49, %add3A_50 : i32
        %dma_wait3A = arith.constant 0 : i32
        %dma_wait3A_52 = tpu.memref_slice %arg7[%add3A_51, %dma_wait3A] : memref<40x128xi32, #tpu.memory_space<vmem>> -> memref<1x128xi32, #tpu.memory_space<vmem>>
        %dma_wait3A_53 = tpu.memref_squeeze %dma_wait3A_52 : memref<1x128xi32, #tpu.memory_space<vmem>> -> memref<128xi32, #tpu.memory_space<vmem>>
        %dma_wait3A_54 = arith.constant 0 : i32
        %dma_wait3A_55 = arith.constant 0 : i32
        %dma_wait3A_56 = tpu.memref_slice %arg2[%dma_wait3A_54, %dma_wait3A_55] : memref<10240x128xf32, #tpu.memory_space<hbm>> -> memref<10240x128xf32, #tpu.memory_space<hbm>>
        tpu.wait_indirect_dma semaphore(%arg12 : memref<!tpu.dma_semaphore, #tpu.memory_space<semaphore_mem>>) src(%dma_wait3A_56 : memref<10240x128xf32, #tpu.memory_space<hbm>>) dst(%arg9 : memref<128x128xf32, #tpu.memory_space<vmem>>)
        "tpu.region"() ({
          %run_scoped3A = tpu.sem_alloc : memref<!tpu.dma_semaphore, #tpu.memory_space<semaphore_mem>>
          %dma_start3A_78 = arith.constant 0 : i32
          %dma_start3A_79 = tpu.memref_slice %arg8[%add3A_51, %dma_start3A_78] : memref<40x128xi32, #tpu.memory_space<vmem>> -> memref<1x128xi32, #tpu.memory_space<vmem>>
          %dma_start3A_80 = tpu.memref_squeeze %dma_start3A_79 : memref<1x128xi32, #tpu.memory_space<vmem>> -> memref<128xi32, #tpu.memory_space<vmem>>
          %dma_start3A_81 = arith.constant 0 : i32
          %dma_start3A_82 = arith.constant 0 : i32
          %dma_start3A_83 = tpu.memref_slice %arg11[%dma_start3A_81, %dma_start3A_82] : memref<10240x128xf32, #tpu.memory_space<vmem_shared>> -> memref<10240x128xf32, #tpu.memory_space<vmem_shared>>
          tpu.enqueue_indirect_dma source(%arg9 : memref<128x128xf32, #tpu.memory_space<vmem>>) target(%dma_start3A_83 : memref<10240x128xf32, #tpu.memory_space<vmem_shared>>) offsets(%dma_start3A_80 : memref<128xi32, #tpu.memory_space<vmem>>) semaphore(%run_scoped3A : memref<!tpu.dma_semaphore, #tpu.memory_space<semaphore_mem>>) {add = true}
          %dma_wait3A_84 = arith.constant 0 : i32
          %dma_wait3A_85 = tpu.memref_slice %arg8[%add3A_51, %dma_wait3A_84] : memref<40x128xi32, #tpu.memory_space<vmem>> -> memref<1x128xi32, #tpu.memory_space<vmem>>
          %dma_wait3A_86 = tpu.memref_squeeze %dma_wait3A_85 : memref<1x128xi32, #tpu.memory_space<vmem>> -> memref<128xi32, #tpu.memory_space<vmem>>
          %dma_wait3A_87 = arith.constant 0 : i32
          %dma_wait3A_88 = arith.constant 0 : i32
          %dma_wait3A_89 = tpu.memref_slice %arg11[%dma_wait3A_87, %dma_wait3A_88] : memref<10240x128xf32, #tpu.memory_space<vmem_shared>> -> memref<10240x128xf32, #tpu.memory_space<vmem_shared>>
          tpu.wait_indirect_dma semaphore(%run_scoped3A : memref<!tpu.dma_semaphore, #tpu.memory_space<semaphore_mem>>) src(%arg9 : memref<128x128xf32, #tpu.memory_space<vmem>>) dst(%dma_wait3A_89 : memref<10240x128xf32, #tpu.memory_space<vmem_shared>>)
          tpu.yield
        }) : () -> ()
        %add3A_57 = arith.constant 2 : i32
        %add3A_58 = arith.addi %add3A_51, %add3A_57 : i32
        %lt3A = arith.constant 40 : i32
        %lt3A_59 = arith.cmpi slt, %add3A_58, %lt3A : i32
        %convert_element_type3A = arith.extui %lt3A_59 : i1 to i32
        %cond3A = arith.constant 0 : i32
        %cond3A_60 = arith.cmpi ne, %convert_element_type3A, %cond3A : i32
        scf.if %cond3A_60 {
          %add3A_78 = arith.constant 2 : i32
          %add3A_79 = arith.addi %add3A_51, %add3A_78 : i32
          %dma_start3A_80 = arith.constant 0 : i32
          %dma_start3A_81 = tpu.memref_slice %arg7[%add3A_79, %dma_start3A_80] : memref<40x128xi32, #tpu.memory_space<vmem>> -> memref<1x128xi32, #tpu.memory_space<vmem>>
          %dma_start3A_82 = tpu.memref_squeeze %dma_start3A_81 : memref<1x128xi32, #tpu.memory_space<vmem>> -> memref<128xi32, #tpu.memory_space<vmem>>
          %dma_start3A_83 = arith.constant 0 : i32
          %dma_start3A_84 = arith.constant 0 : i32
          %dma_start3A_85 = tpu.memref_slice %arg2[%dma_start3A_83, %dma_start3A_84] : memref<10240x128xf32, #tpu.memory_space<hbm>> -> memref<10240x128xf32, #tpu.memory_space<hbm>>
          tpu.enqueue_indirect_dma source(%dma_start3A_85 : memref<10240x128xf32, #tpu.memory_space<hbm>>) target(%arg9 : memref<128x128xf32, #tpu.memory_space<vmem>>) offsets(%dma_start3A_82 : memref<128xi32, #tpu.memory_space<vmem>>) semaphore(%arg12 : memref<!tpu.dma_semaphore, #tpu.memory_space<semaphore_mem>>)
        } else {
        }
        %mul3A_61 = arith.constant 2 : i32
        %mul3A_62 = arith.muli %scan3A_47, %mul3A_61 : i32
        %add3A_63 = arith.constant 1 : i32
        %add3A_64 = arith.addi %mul3A_62, %add3A_63 : i32
        %dma_wait3A_65 = arith.constant 0 : i32
        %dma_wait3A_66 = tpu.memref_slice %arg7[%add3A_64, %dma_wait3A_65] : memref<40x128xi32, #tpu.memory_space<vmem>> -> memref<1x128xi32, #tpu.memory_space<vmem>>
        %dma_wait3A_67 = tpu.memref_squeeze %dma_wait3A_66 : memref<1x128xi32, #tpu.memory_space<vmem>> -> memref<128xi32, #tpu.memory_space<vmem>>
        %dma_wait3A_68 = arith.constant 0 : i32
        %dma_wait3A_69 = arith.constant 0 : i32
        %dma_wait3A_70 = tpu.memref_slice %arg2[%dma_wait3A_68, %dma_wait3A_69] : memref<10240x128xf32, #tpu.memory_space<hbm>> -> memref<10240x128xf32, #tpu.memory_space<hbm>>
        tpu.wait_indirect_dma semaphore(%arg13 : memref<!tpu.dma_semaphore, #tpu.memory_space<semaphore_mem>>) src(%dma_wait3A_70 : memref<10240x128xf32, #tpu.memory_space<hbm>>) dst(%arg10 : memref<128x128xf32, #tpu.memory_space<vmem>>)
        "tpu.region"() ({
          %run_scoped3A = tpu.sem_alloc : memref<!tpu.dma_semaphore, #tpu.memory_space<semaphore_mem>>
          %dma_start3A_78 = arith.constant 0 : i32
          %dma_start3A_79 = tpu.memref_slice %arg8[%add3A_64, %dma_start3A_78] : memref<40x128xi32, #tpu.memory_space<vmem>> -> memref<1x128xi32, #tpu.memory_space<vmem>>
          %dma_start3A_80 = tpu.memref_squeeze %dma_start3A_79 : memref<1x128xi32, #tpu.memory_space<vmem>> -> memref<128xi32, #tpu.memory_space<vmem>>
          %dma_start3A_81 = arith.constant 0 : i32
          %dma_start3A_82 = arith.constant 0 : i32
          %dma_start3A_83 = tpu.memref_slice %arg11[%dma_start3A_81, %dma_start3A_82] : memref<10240x128xf32, #tpu.memory_space<vmem_shared>> -> memref<10240x128xf32, #tpu.memory_space<vmem_shared>>
          tpu.enqueue_indirect_dma source(%arg10 : memref<128x128xf32, #tpu.memory_space<vmem>>) target(%dma_start3A_83 : memref<10240x128xf32, #tpu.memory_space<vmem_shared>>) offsets(%dma_start3A_80 : memref<128xi32, #tpu.memory_space<vmem>>) semaphore(%run_scoped3A : memref<!tpu.dma_semaphore, #tpu.memory_space<semaphore_mem>>) {add = true}
          %dma_wait3A_84 = arith.constant 0 : i32
          %dma_wait3A_85 = tpu.memref_slice %arg8[%add3A_64, %dma_wait3A_84] : memref<40x128xi32, #tpu.memory_space<vmem>> -> memref<1x128xi32, #tpu.memory_space<vmem>>
          %dma_wait3A_86 = tpu.memref_squeeze %dma_wait3A_85 : memref<1x128xi32, #tpu.memory_space<vmem>> -> memref<128xi32, #tpu.memory_space<vmem>>
          %dma_wait3A_87 = arith.constant 0 : i32
          %dma_wait3A_88 = arith.constant 0 : i32
          %dma_wait3A_89 = tpu.memref_slice %arg11[%dma_wait3A_87, %dma_wait3A_88] : memref<10240x128xf32, #tpu.memory_space<vmem_shared>> -> memref<10240x128xf32, #tpu.memory_space<vmem_shared>>
          tpu.wait_indirect_dma semaphore(%run_scoped3A : memref<!tpu.dma_semaphore, #tpu.memory_space<semaphore_mem>>) src(%arg10 : memref<128x128xf32, #tpu.memory_space<vmem>>) dst(%dma_wait3A_89 : memref<10240x128xf32, #tpu.memory_space<vmem_shared>>)
          tpu.yield
        }) : () -> ()
        %add3A_71 = arith.constant 2 : i32
        %add3A_72 = arith.addi %add3A_64, %add3A_71 : i32
        %lt3A_73 = arith.constant 40 : i32
        %lt3A_74 = arith.cmpi slt, %add3A_72, %lt3A_73 : i32
        %convert_element_type3A_75 = arith.extui %lt3A_74 : i1 to i32
        %cond3A_76 = arith.constant 0 : i32
        %cond3A_77 = arith.cmpi ne, %convert_element_type3A_75, %cond3A_76 : i32
        scf.if %cond3A_77 {
          %add3A_78 = arith.constant 2 : i32
          %add3A_79 = arith.addi %add3A_64, %add3A_78 : i32
          %dma_start3A_80 = arith.constant 0 : i32
          %dma_start3A_81 = tpu.memref_slice %arg7[%add3A_79, %dma_start3A_80] : memref<40x128xi32, #tpu.memory_space<vmem>> -> memref<1x128xi32, #tpu.memory_space<vmem>>
          %dma_start3A_82 = tpu.memref_squeeze %dma_start3A_81 : memref<1x128xi32, #tpu.memory_space<vmem>> -> memref<128xi32, #tpu.memory_space<vmem>>
          %dma_start3A_83 = arith.constant 0 : i32
          %dma_start3A_84 = arith.constant 0 : i32
          %dma_start3A_85 = tpu.memref_slice %arg2[%dma_start3A_83, %dma_start3A_84] : memref<10240x128xf32, #tpu.memory_space<hbm>> -> memref<10240x128xf32, #tpu.memory_space<hbm>>
          tpu.enqueue_indirect_dma source(%dma_start3A_85 : memref<10240x128xf32, #tpu.memory_space<hbm>>) target(%arg10 : memref<128x128xf32, #tpu.memory_space<vmem>>) offsets(%dma_start3A_82 : memref<128xi32, #tpu.memory_space<vmem>>) semaphore(%arg13 : memref<!tpu.dma_semaphore, #tpu.memory_space<semaphore_mem>>)
        } else {
        }
      }
      %scan3A_46 = arith.constant 20 : i32
    }
    %barrier3A_20 = arith.constant 0 : index
    tpu.barrier barrier_id(%barrier3A_20)
    %mul3A_21 = arith.constant 640 : i32
    %mul3A_22 = arith.muli %arg1, %mul3A_21 : i32
    %mul3A_23 = arith.constant 640 : i32
    %mul3A_24 = arith.muli %arg1, %mul3A_23 : i32
    "tpu.region"() ({
      %run_scoped3A = tpu.sem_alloc : memref<!tpu.dma_semaphore, #tpu.memory_space<semaphore_mem>>
      %dma_start3A = arith.constant 0 : i32
      %dma_start3A_25 = tpu.memref_slice %arg6[%arg0, %mul3A_24, %dma_start3A] : memref<2x10240x128xf32, #tpu.memory_space<hbm>> -> memref<1x640x128xf32, #tpu.memory_space<hbm>>
      %dma_start3A_26 = tpu.memref_squeeze %dma_start3A_25 : memref<1x640x128xf32, #tpu.memory_space<hbm>> -> memref<640x128xf32, #tpu.memory_space<hbm>>
      %dma_start3A_27 = arith.constant 0 : i32
      %dma_start3A_28 = tpu.memref_slice %arg11[%mul3A_22, %dma_start3A_27] : memref<10240x128xf32, #tpu.memory_space<vmem_shared>> -> memref<640x128xf32, #tpu.memory_space<vmem_shared>>
      tpu.enqueue_dma source(%dma_start3A_28 : memref<640x128xf32, #tpu.memory_space<vmem_shared>>) target(%dma_start3A_26 : memref<640x128xf32, #tpu.memory_space<hbm>>) target_semaphore(%run_scoped3A : memref<!tpu.dma_semaphore, #tpu.memory_space<semaphore_mem>>)
      %dma_wait3A = arith.constant 0 : i32
      %dma_wait3A_29 = tpu.memref_slice %arg6[%arg0, %mul3A_24, %dma_wait3A] : memref<2x10240x128xf32, #tpu.memory_space<hbm>> -> memref<1x640x128xf32, #tpu.memory_space<hbm>>
      %dma_wait3A_30 = tpu.memref_squeeze %dma_wait3A_29 : memref<1x640x128xf32, #tpu.memory_space<hbm>> -> memref<640x128xf32, #tpu.memory_space<hbm>>
      %dma_wait3A_31 = arith.constant 0 : i32
      %dma_wait3A_32 = tpu.memref_slice %arg11[%mul3A_22, %dma_wait3A_31] : memref<10240x128xf32, #tpu.memory_space<vmem_shared>> -> memref<640x128xf32, #tpu.memory_space<vmem_shared>>
      tpu.wait_dma2 semaphore(%run_scoped3A : memref<!tpu.dma_semaphore, #tpu.memory_space<semaphore_mem>>) src(%dma_wait3A_32 : memref<640x128xf32, #tpu.memory_space<vmem_shared>>) dst(%dma_wait3A_30 : memref<640x128xf32, #tpu.memory_space<hbm>>)
      tpu.yield
    }) : () -> ()
    return
  }
}

module attributes {stable_mosaic.version = 14 : i64} {
  func.func @_dinv_body(%arg0: memref<2x10240xf32, #tpu.memory_space<vmem>>, %arg1: memref<1x10240xf32, #tpu.memory_space<vmem>>) attributes {dimension_semantics = [], scalar_prefetch = 0 : i64, scratch_operands = 0 : i64, tpu.core_type = #tpu.core_type<tc>} {
    %get3A = arith.constant 0 : index
    %get3A_0 = arith.constant 0 : index
    %get3A_1 = vector.load %arg0[%get3A, %get3A_0] : memref<2x10240xf32, #tpu.memory_space<vmem>>, vector<1x10240xf32>
    %get3A_2 = arith.constant 1 : index
    %get3A_3 = arith.constant 0 : index
    %get3A_4 = vector.load %arg0[%get3A_2, %get3A_3] : memref<2x10240xf32, #tpu.memory_space<vmem>>, vector<1x10240xf32>
    %add3A = arith.addf %get3A_1, %get3A_4 : vector<1x10240xf32>
    %add3A_5 = arith.constant 1.000000e+00 : f32
    %add3A_6 = vector.broadcast %add3A_5 : f32 to vector<1x10240xf32>
    %add3A_7 = arith.addf %add3A, %add3A_6 : vector<1x10240xf32>
    %rsqrt3A = math.rsqrt %add3A_7 : vector<1x10240xf32>
    %swap3A = arith.constant 0 : index
    %swap3A_8 = arith.constant 0 : index
    %swap3A_9 = vector.load %arg1[%swap3A, %swap3A_8] : memref<1x10240xf32, #tpu.memory_space<vmem>>, vector<1x10240xf32>
    tpu.vector_store %arg1[%swap3A, %swap3A_8], %rsqrt3A {strides = array<i32>} : memref<1x10240xf32, #tpu.memory_space<vmem>>, vector<1x10240xf32>,
    return
  }
}

module attributes {stable_mosaic.version = 14 : i64} {
  func.func @_c1_body(%arg0: i32, %arg1: memref<1000x128xf32, #tpu.memory_space<vmem>>, %arg2: memref<128x128xf32, #tpu.memory_space<vmem>>, %arg3: memref<1x128xf32, #tpu.memory_space<vmem>>, %arg4: memref<128x128xf32, #tpu.memory_space<vmem>>, %arg5: memref<1000x1xf32, #tpu.memory_space<vmem>>, %arg6: memref<1000x128xf32, #tpu.memory_space<vmem>>, %arg7: memref<1000x128xf32, #tpu.memory_space<vmem>>) attributes {dimension_semantics = [#tpu.dimension_semantics<arbitrary>], iteration_bounds = array<i64: 10>, scalar_prefetch = 0 : i64, scratch_operands = 0 : i64, tpu.core_type = #tpu.core_type<tc>, window_params = [{transform_indices = @transform_0, window_bounds = array<i64: 1000, 128>}, {pipeline_mode = #tpu.pipeline_mode<synchronous>, transform_indices = @transform_1, window_bounds = array<i64: 128, 128>}, {pipeline_mode = #tpu.pipeline_mode<synchronous>, transform_indices = @transform_2, window_bounds = array<i64: 1, 128>}, {pipeline_mode = #tpu.pipeline_mode<synchronous>, transform_indices = @transform_3, window_bounds = array<i64: 128, 128>}, {transform_indices = @transform_4, window_bounds = array<i64: 1000, 1>}, {transform_indices = @transform_5, window_bounds = array<i64: 1000, 128>}, {transform_indices = @transform_6, window_bounds = array<i64: 1000, 128>}]} {
    %get3A = arith.constant 0 : index
    %get3A_0 = arith.constant 0 : index
    %get3A_1 = vector.load %arg1[%get3A, %get3A_0] : memref<1000x128xf32, #tpu.memory_space<vmem>>, vector<1000x128xf32>
    %get3A_2 = arith.constant 0 : index
    %get3A_3 = arith.constant 0 : index
    %get3A_4 = vector.load %arg2[%get3A_2, %get3A_3] : memref<128x128xf32, #tpu.memory_space<vmem>>, vector<128x128xf32>
    %dot_general3A = arith.constant dense<0.000000e+00> : vector<1000x128xf32>
    %dot_general3A_5 = tpu.matmul %get3A_1, %get3A_4, %dot_general3A {dimension_numbers = #tpu.dot_dimension_numbers<[1], [0], [0], [1], [0, 0, 1, 1], [], []>, transpose_lhs_hint = false} : vector<1000x128xf32>, vector<128x128xf32>, vector<1000x128xf32> -> vector<1000x128xf32>
    %get3A_6 = arith.constant 0 : index
    %get3A_7 = arith.constant 0 : index
    %get3A_8 = vector.load %arg3[%get3A_6, %get3A_7] : memref<1x128xf32, #tpu.memory_space<vmem>>, vector<1x128xf32>
    %add3A = vector.broadcast %get3A_8 : vector<1x128xf32> to vector<1000x128xf32>
    %add3A_9 = arith.addf %dot_general3A_5, %add3A : vector<1000x128xf32>
    %swap3A = arith.constant 0 : index
    %swap3A_10 = arith.constant 0 : index
    %swap3A_11 = vector.load %arg6[%swap3A, %swap3A_10] : memref<1000x128xf32, #tpu.memory_space<vmem>>, vector<1000x128xf32>
    tpu.vector_store %arg6[%swap3A, %swap3A_10], %add3A_9 {strides = array<i32>} : memref<1000x128xf32, #tpu.memory_space<vmem>>, vector<1000x128xf32>,
    %get3A_12 = arith.constant 0 : index
    %get3A_13 = arith.constant 0 : index
    %get3A_14 = vector.load %arg4[%get3A_12, %get3A_13] : memref<128x128xf32, #tpu.memory_space<vmem>>, vector<128x128xf32>
    %dot_general3A_15 = arith.constant dense<0.000000e+00> : vector<1000x128xf32>
    %dot_general3A_16 = tpu.matmul %add3A_9, %get3A_14, %dot_general3A_15 {dimension_numbers = #tpu.dot_dimension_numbers<[1], [0], [0], [1], [0, 0, 1, 1], [], []>, transpose_lhs_hint = false} : vector<1000x128xf32>, vector<128x128xf32>, vector<1000x128xf32> -> vector<1000x128xf32>
    %get3A_17 = arith.constant 0 : index
    %get3A_18 = arith.constant 0 : index
    %get3A_19 = vector.load %arg5[%get3A_17, %get3A_18] : memref<1000x1xf32, #tpu.memory_space<vmem>>, vector<1000x1xf32>
    %mul3A = vector.broadcast %get3A_19 : vector<1000x1xf32> to vector<1000x128xf32>
    %mul3A_20 = arith.mulf %dot_general3A_16, %mul3A : vector<1000x128xf32>
    %swap3A_21 = arith.constant 0 : index
    %swap3A_22 = arith.constant 0 : index
    %swap3A_23 = vector.load %arg7[%swap3A_21, %swap3A_22] : memref<1000x128xf32, #tpu.memory_space<vmem>>, vector<1000x128xf32>
    tpu.vector_store %arg7[%swap3A_21, %swap3A_22], %mul3A_20 {strides = array<i32>} : memref<1000x128xf32, #tpu.memory_space<vmem>>, vector<1000x128xf32>,
    return
  }
  func.func @transform_0(%arg0: i32) -> (i32, i32) {
    %c0_i32 = arith.constant 0 : i32
    %c0_i32_0 = arith.constant 0 : i32
    return %arg0, %c0_i32 : i32, i32
  }
  func.func @transform_1(%arg0: i32) -> (i32, i32) {
    %c0_i32 = arith.constant 0 : i32
    %c0_i32_0 = arith.constant 0 : i32
    %c0_i32_1 = arith.constant 0 : i32
    return %c0_i32, %c0_i32_0 : i32, i32
  }
  func.func @transform_2(%arg0: i32) -> (i32, i32) {
    %c0_i32 = arith.constant 0 : i32
    %c0_i32_0 = arith.constant 0 : i32
    %c0_i32_1 = arith.constant 0 : i32
    return %c0_i32, %c0_i32_0 : i32, i32
  }
  func.func @transform_3(%arg0: i32) -> (i32, i32) {
    %c0_i32 = arith.constant 0 : i32
    %c0_i32_0 = arith.constant 0 : i32
    %c0_i32_1 = arith.constant 0 : i32
    return %c0_i32, %c0_i32_0 : i32, i32
  }
  func.func @transform_4(%arg0: i32) -> (i32, i32) {
    %c0_i32 = arith.constant 0 : i32
    %c0_i32_0 = arith.constant 0 : i32
    return %arg0, %c0_i32 : i32, i32
  }
  func.func @transform_5(%arg0: i32) -> (i32, i32) {
    %c0_i32 = arith.constant 0 : i32
    %c0_i32_0 = arith.constant 0 : i32
    return %arg0, %c0_i32 : i32, i32
  }
  func.func @transform_6(%arg0: i32) -> (i32, i32) {
    %c0_i32 = arith.constant 0 : i32
    %c0_i32_0 = arith.constant 0 : i32
    return %arg0, %c0_i32 : i32, i32
  }
}

module attributes {stable_mosaic.version = 14 : i64} {
  func.func @_post_body(%arg0: i32, %arg1: memref<2x1000x128xf32, #tpu.memory_space<vmem>>, %arg2: memref<1000x128xf32, #tpu.memory_space<vmem>>, %arg3: memref<1000x1xf32, #tpu.memory_space<vmem>>, %arg4: memref<1x128xf32, #tpu.memory_space<vmem>>, %arg5: memref<1000x128xf32, #tpu.memory_space<vmem>>, %arg6: memref<2x128xf32, #tpu.memory_space<vmem>>) attributes {dimension_semantics = [#tpu.dimension_semantics<arbitrary>], iteration_bounds = array<i64: 10>, scalar_prefetch = 0 : i64, scratch_operands = 0 : i64, tpu.core_type = #tpu.core_type<tc>, window_params = [{transform_indices = @transform_0, window_bounds = array<i64: 2, 1000, 128>}, {transform_indices = @transform_1, window_bounds = array<i64: 1000, 128>}, {transform_indices = @transform_2, window_bounds = array<i64: 1000, 1>}, {pipeline_mode = #tpu.pipeline_mode<synchronous>, transform_indices = @transform_3, window_bounds = array<i64: 1, 128>}, {transform_indices = @transform_4, window_bounds = array<i64: 1000, 128>}, {pipeline_mode = #tpu.pipeline_mode<synchronous>, transform_indices = @transform_5, window_bounds = array<i64: 2, 128>}]} {
    %get3A = arith.constant 0 : index
    %get3A_0 = arith.constant 0 : index
    %get3A_1 = vector.load %arg3[%get3A, %get3A_0] : memref<1000x1xf32, #tpu.memory_space<vmem>>, vector<1000x1xf32>
    %get3A_2 = arith.constant 0 : index
    %get3A_3 = arith.constant 0 : index
    %get3A_4 = arith.constant 0 : index
    %get3A_5 = vector.load %arg1[%get3A_2, %get3A_3, %get3A_4] : memref<2x1000x128xf32, #tpu.memory_space<vmem>>, vector<1x1000x128xf32>
    %get3A_6 = vector.shape_cast %get3A_5 : vector<1x1000x128xf32> to vector<1000x128xf32>
    %get3A_7 = arith.constant 1 : index
    %get3A_8 = arith.constant 0 : index
    %get3A_9 = arith.constant 0 : index
    %get3A_10 = vector.load %arg1[%get3A_7, %get3A_8, %get3A_9] : memref<2x1000x128xf32, #tpu.memory_space<vmem>>, vector<1x1000x128xf32>
    %get3A_11 = vector.shape_cast %get3A_10 : vector<1x1000x128xf32> to vector<1000x128xf32>
    %add3A = arith.addf %get3A_6, %get3A_11 : vector<1000x128xf32>
    %get3A_12 = arith.constant 0 : index
    %get3A_13 = arith.constant 0 : index
    %get3A_14 = vector.load %arg2[%get3A_12, %get3A_13] : memref<1000x128xf32, #tpu.memory_space<vmem>>, vector<1000x128xf32>
    %add3A_15 = arith.addf %add3A, %get3A_14 : vector<1000x128xf32>
    %mul3A = vector.broadcast %get3A_1 : vector<1000x1xf32> to vector<1000x128xf32>
    %mul3A_16 = arith.mulf %mul3A, %add3A_15 : vector<1000x128xf32>
    %get3A_17 = arith.constant 0 : index
    %get3A_18 = arith.constant 0 : index
    %get3A_19 = vector.load %arg4[%get3A_17, %get3A_18] : memref<1x128xf32, #tpu.memory_space<vmem>>, vector<1x128xf32>
    %add3A_20 = vector.broadcast %get3A_19 : vector<1x128xf32> to vector<1000x128xf32>
    %add3A_21 = arith.addf %mul3A_16, %add3A_20 : vector<1000x128xf32>
    %swap3A = arith.constant 0 : index
    %swap3A_22 = arith.constant 0 : index
    %swap3A_23 = vector.load %arg5[%swap3A, %swap3A_22] : memref<1000x128xf32, #tpu.memory_space<vmem>>, vector<1000x128xf32>
    tpu.vector_store %arg5[%swap3A, %swap3A_22], %add3A_21 {strides = array<i32>} : memref<1000x128xf32, #tpu.memory_space<vmem>>, vector<1000x128xf32>,
    %eq3A = arith.constant 0 : i32
    %eq3A_24 = arith.cmpi eq, %arg0, %eq3A : i32
    %convert_element_type3A = arith.extui %eq3A_24 : i1 to i32
    %cond3A = arith.constant 0 : i32
    %cond3A_25 = arith.cmpi ne, %convert_element_type3A, %cond3A : i32
    scf.if %cond3A_25 {
      %broadcast_in_dim3A_38 = arith.constant 0.000000e+00 : f32
      %broadcast_in_dim3A_39 = vector.broadcast %broadcast_in_dim3A_38 : f32 to vector<2x128xf32>
      %swap3A_40 = arith.constant 0 : index
      %swap3A_41 = arith.constant 0 : index
      %swap3A_42 = vector.load %arg6[%swap3A_40, %swap3A_41] : memref<2x128xf32, #tpu.memory_space<vmem>>, vector<2x128xf32>
      tpu.vector_store %arg6[%swap3A_40, %swap3A_41], %broadcast_in_dim3A_39 {strides = array<i32>} : memref<2x128xf32, #tpu.memory_space<vmem>>, vector<2x128xf32>,
    } else {
    }
    %reduce_sum3A = arith.constant dense<0.000000e+00> : vector<128xf32>
    %reduce_sum3A_26 = vector.multi_reduction <add>, %add3A_21, %reduce_sum3A [0] : vector<1000x128xf32> to vector<128xf32>
    %broadcast_in_dim3A = vector.shape_cast %reduce_sum3A_26 : vector<128xf32> to vector<1x128xf32>
    %mul3A_27 = arith.mulf %add3A_21, %add3A_21 : vector<1000x128xf32>
    %reduce_sum3A_28 = arith.constant dense<0.000000e+00> : vector<128xf32>
    %reduce_sum3A_29 = vector.multi_reduction <add>, %mul3A_27, %reduce_sum3A_28 [0] : vector<1000x128xf32> to vector<128xf32>
    %broadcast_in_dim3A_30 = vector.shape_cast %reduce_sum3A_29 : vector<128xf32> to vector<1x128xf32>
    %get3A_31 = arith.constant 0 : index
    %get3A_32 = arith.constant 0 : index
    %get3A_33 = vector.load %arg6[%get3A_31, %get3A_32] : memref<2x128xf32, #tpu.memory_space<vmem>>, vector<2x128xf32>
    %concatenate3A = tpu.concatenate %broadcast_in_dim3A, %broadcast_in_dim3A_30 in 0 : vector<1x128xf32>, vector<1x128xf32> -> vector<2x128xf32>
    %add3A_34 = arith.addf %get3A_33, %concatenate3A : vector<2x128xf32>
    %swap3A_35 = arith.constant 0 : index
    %swap3A_36 = arith.constant 0 : index
    %swap3A_37 = vector.load %arg6[%swap3A_35, %swap3A_36] : memref<2x128xf32, #tpu.memory_space<vmem>>, vector<2x128xf32>
    tpu.vector_store %arg6[%swap3A_35, %swap3A_36], %add3A_34 {strides = array<i32>} : memref<2x128xf32, #tpu.memory_space<vmem>>, vector<2x128xf32>,
    return
  }
  func.func @transform_0(%arg0: i32) -> (i32, i32, i32) {
    %c0_i32 = arith.constant 0 : i32
    %c0_i32_0 = arith.constant 0 : i32
    %c0_i32_1 = arith.constant 0 : i32
    return %c0_i32, %arg0, %c0_i32_0 : i32, i32, i32
  }
  func.func @transform_1(%arg0: i32) -> (i32, i32) {
    %c0_i32 = arith.constant 0 : i32
    %c0_i32_0 = arith.constant 0 : i32
    return %arg0, %c0_i32 : i32, i32
  }
  func.func @transform_2(%arg0: i32) -> (i32, i32) {
    %c0_i32 = arith.constant 0 : i32
    %c0_i32_0 = arith.constant 0 : i32
    return %arg0, %c0_i32 : i32, i32
  }
  func.func @transform_3(%arg0: i32) -> (i32, i32) {
    %c0_i32 = arith.constant 0 : i32
    %c0_i32_0 = arith.constant 0 : i32
    %c0_i32_1 = arith.constant 0 : i32
    return %c0_i32, %c0_i32_0 : i32, i32
  }
  func.func @transform_4(%arg0: i32) -> (i32, i32) {
    %c0_i32 = arith.constant 0 : i32
    %c0_i32_0 = arith.constant 0 : i32
    return %arg0, %c0_i32 : i32, i32
  }
  func.func @transform_5(%arg0: i32) -> (i32, i32) {
    %c0_i32 = arith.constant 0 : i32
    %c0_i32_0 = arith.constant 0 : i32
    %c0_i32_1 = arith.constant 0 : i32
    return %c0_i32, %c0_i32_0 : i32, i32
  }
}

module attributes {stable_mosaic.version = 14 : i64} {
  func.func @_c2_body(%arg0: i32, %arg1: memref<1000x128xf32, #tpu.memory_space<vmem>>, %arg2: memref<2x128xf32, #tpu.memory_space<vmem>>, %arg3: memref<1x128xf32, #tpu.memory_space<vmem>>, %arg4: memref<1x128xf32, #tpu.memory_space<vmem>>, %arg5: memref<128x128xf32, #tpu.memory_space<vmem>>, %arg6: memref<1000x1xf32, #tpu.memory_space<vmem>>, %arg7: memref<1000x128xf32, #tpu.memory_space<vmem>>) attributes {dimension_semantics = [#tpu.dimension_semantics<arbitrary>], iteration_bounds = array<i64: 10>, scalar_prefetch = 0 : i64, scratch_operands = 0 : i64, tpu.core_type = #tpu.core_type<tc>, window_params = [{transform_indices = @transform_0, window_bounds = array<i64: 1000, 128>}, {pipeline_mode = #tpu.pipeline_mode<synchronous>, transform_indices = @transform_1, window_bounds = array<i64: 2, 128>}, {pipeline_mode = #tpu.pipeline_mode<synchronous>, transform_indices = @transform_2, window_bounds = array<i64: 1, 128>}, {pipeline_mode = #tpu.pipeline_mode<synchronous>, transform_indices = @transform_3, window_bounds = array<i64: 1, 128>}, {pipeline_mode = #tpu.pipeline_mode<synchronous>, transform_indices = @transform_4, window_bounds = array<i64: 128, 128>}, {transform_indices = @transform_5, window_bounds = array<i64: 1000, 1>}, {transform_indices = @transform_6, window_bounds = array<i64: 1000, 128>}]} {
    %get3A = arith.constant 0 : index
    %get3A_0 = arith.constant 0 : index
    %get3A_1 = vector.load %arg2[%get3A, %get3A_0] : memref<2x128xf32, #tpu.memory_space<vmem>>, vector<1x128xf32>
    %mul3A = arith.constant 9.99999974E-5 : f32
    %mul3A_2 = vector.broadcast %mul3A : f32 to vector<1x128xf32>
    %mul3A_3 = arith.mulf %get3A_1, %mul3A_2 : vector<1x128xf32>
    %get3A_4 = arith.constant 1 : index
    %get3A_5 = arith.constant 0 : index
    %get3A_6 = vector.load %arg2[%get3A_4, %get3A_5] : memref<2x128xf32, #tpu.memory_space<vmem>>, vector<1x128xf32>
    %mul3A_7 = arith.constant 9.99999974E-5 : f32
    %mul3A_8 = vector.broadcast %mul3A_7 : f32 to vector<1x128xf32>
    %mul3A_9 = arith.mulf %get3A_6, %mul3A_8 : vector<1x128xf32>
    %mul3A_10 = arith.mulf %mul3A_3, %mul3A_3 : vector<1x128xf32>
    %sub3A = arith.subf %mul3A_9, %mul3A_10 : vector<1x128xf32>
    %get3A_11 = arith.constant 0 : index
    %get3A_12 = arith.constant 0 : index
    %get3A_13 = vector.load %arg3[%get3A_11, %get3A_12] : memref<1x128xf32, #tpu.memory_space<vmem>>, vector<1x128xf32>
    %add3A = arith.constant 9.99999974E-6 : f32
    %add3A_14 = vector.broadcast %add3A : f32 to vector<1x128xf32>
    %add3A_15 = arith.addf %sub3A, %add3A_14 : vector<1x128xf32>
    %rsqrt3A = math.rsqrt %add3A_15 : vector<1x128xf32>
    %mul3A_16 = arith.mulf %get3A_13, %rsqrt3A : vector<1x128xf32>
    %get3A_17 = arith.constant 0 : index
    %get3A_18 = arith.constant 0 : index
    %get3A_19 = vector.load %arg4[%get3A_17, %get3A_18] : memref<1x128xf32, #tpu.memory_space<vmem>>, vector<1x128xf32>
    %mul3A_20 = arith.mulf %mul3A_3, %mul3A_16 : vector<1x128xf32>
    %sub3A_21 = arith.subf %get3A_19, %mul3A_20 : vector<1x128xf32>
    %get3A_22 = arith.constant 0 : index
    %get3A_23 = arith.constant 0 : index
    %get3A_24 = vector.load %arg1[%get3A_22, %get3A_23] : memref<1000x128xf32, #tpu.memory_space<vmem>>, vector<1000x128xf32>
    %mul3A_25 = vector.broadcast %mul3A_16 : vector<1x128xf32> to vector<1000x128xf32>
    %mul3A_26 = arith.mulf %get3A_24, %mul3A_25 : vector<1000x128xf32>
    %add3A_27 = vector.broadcast %sub3A_21 : vector<1x128xf32> to vector<1000x128xf32>
    %add3A_28 = arith.addf %mul3A_26, %add3A_27 : vector<1000x128xf32>
    %max3A = arith.constant 0.000000e+00 : f32
    %max3A_29 = vector.broadcast %max3A : f32 to vector<1000x128xf32>
    %max3A_30 = arith.maximumf %add3A_28, %max3A_29 : vector<1000x128xf32>
    %get3A_31 = arith.constant 0 : index
    %get3A_32 = arith.constant 0 : index
    %get3A_33 = vector.load %arg5[%get3A_31, %get3A_32] : memref<128x128xf32, #tpu.memory_space<vmem>>, vector<128x128xf32>
    %dot_general3A = arith.constant dense<0.000000e+00> : vector<1000x128xf32>
    %dot_general3A_34 = tpu.matmul %max3A_30, %get3A_33, %dot_general3A {dimension_numbers = #tpu.dot_dimension_numbers<[1], [0], [0], [1], [0, 0, 1, 1], [], []>, transpose_lhs_hint = false} : vector<1000x128xf32>, vector<128x128xf32>, vector<1000x128xf32> -> vector<1000x128xf32>
    %get3A_35 = arith.constant 0 : index
    %get3A_36 = arith.constant 0 : index
    %get3A_37 = vector.load %arg6[%get3A_35, %get3A_36] : memref<1000x1xf32, #tpu.memory_space<vmem>>, vector<1000x1xf32>
    %mul3A_38 = vector.broadcast %get3A_37 : vector<1000x1xf32> to vector<1000x128xf32>
    %mul3A_39 = arith.mulf %dot_general3A_34, %mul3A_38 : vector<1000x128xf32>
    %swap3A = arith.constant 0 : index
    %swap3A_40 = arith.constant 0 : index
    %swap3A_41 = vector.load %arg7[%swap3A, %swap3A_40] : memref<1000x128xf32, #tpu.memory_space<vmem>>, vector<1000x128xf32>
    tpu.vector_store %arg7[%swap3A, %swap3A_40], %mul3A_39 {strides = array<i32>} : memref<1000x128xf32, #tpu.memory_space<vmem>>, vector<1000x128xf32>,
    return
  }
  func.func @transform_0(%arg0: i32) -> (i32, i32) {
    %c0_i32 = arith.constant 0 : i32
    %c0_i32_0 = arith.constant 0 : i32
    return %arg0, %c0_i32 : i32, i32
  }
  func.func @transform_1(%arg0: i32) -> (i32, i32) {
    %c0_i32 = arith.constant 0 : i32
    %c0_i32_0 = arith.constant 0 : i32
    %c0_i32_1 = arith.constant 0 : i32
    return %c0_i32, %c0_i32_0 : i32, i32
  }
  func.func @transform_2(%arg0: i32) -> (i32, i32) {
    %c0_i32 = arith.constant 0 : i32
    %c0_i32_0 = arith.constant 0 : i32
    %c0_i32_1 = arith.constant 0 : i32
    return %c0_i32, %c0_i32_0 : i32, i32
  }
  func.func @transform_3(%arg0: i32) -> (i32, i32) {
    %c0_i32 = arith.constant 0 : i32
    %c0_i32_0 = arith.constant 0 : i32
    %c0_i32_1 = arith.constant 0 : i32
    return %c0_i32, %c0_i32_0 : i32, i32
  }
  func.func @transform_4(%arg0: i32) -> (i32, i32) {
    %c0_i32 = arith.constant 0 : i32
    %c0_i32_0 = arith.constant 0 : i32
    %c0_i32_1 = arith.constant 0 : i32
    return %c0_i32, %c0_i32_0 : i32, i32
  }
  func.func @transform_5(%arg0: i32) -> (i32, i32) {
    %c0_i32 = arith.constant 0 : i32
    %c0_i32_0 = arith.constant 0 : i32
    return %arg0, %c0_i32 : i32, i32
  }
  func.func @transform_6(%arg0: i32) -> (i32, i32) {
    %c0_i32 = arith.constant 0 : i32
    %c0_i32_0 = arith.constant 0 : i32
    return %arg0, %c0_i32 : i32, i32
  }
}

module attributes {stable_mosaic.version = 14 : i64} {
  func.func @_cls1_body(%arg0: i32, %arg1: memref<1000x128xf32, #tpu.memory_space<vmem>>, %arg2: memref<2x128xf32, #tpu.memory_space<vmem>>, %arg3: memref<1x128xf32, #tpu.memory_space<vmem>>, %arg4: memref<1x128xf32, #tpu.memory_space<vmem>>, %arg5: memref<1000x128xf32, #tpu.memory_space<vmem>>, %arg6: memref<128x64xf32, #tpu.memory_space<vmem>>, %arg7: memref<1x64xf32, #tpu.memory_space<vmem>>, %arg8: memref<1000x64xf32, #tpu.memory_space<vmem>>, %arg9: memref<2x64xf32, #tpu.memory_space<vmem>>) attributes {dimension_semantics = [#tpu.dimension_semantics<arbitrary>], iteration_bounds = array<i64: 10>, scalar_prefetch = 0 : i64, scratch_operands = 0 : i64, tpu.core_type = #tpu.core_type<tc>, window_params = [{transform_indices = @transform_0, window_bounds = array<i64: 1000, 128>}, {pipeline_mode = #tpu.pipeline_mode<synchronous>, transform_indices = @transform_1, window_bounds = array<i64: 2, 128>}, {pipeline_mode = #tpu.pipeline_mode<synchronous>, transform_indices = @transform_2, window_bounds = array<i64: 1, 128>}, {pipeline_mode = #tpu.pipeline_mode<synchronous>, transform_indices = @transform_3, window_bounds = array<i64: 1, 128>}, {transform_indices = @transform_4, window_bounds = array<i64: 1000, 128>}, {pipeline_mode = #tpu.pipeline_mode<synchronous>, transform_indices = @transform_5, window_bounds = array<i64: 128, 64>}, {pipeline_mode = #tpu.pipeline_mode<synchronous>, transform_indices = @transform_6, window_bounds = array<i64: 1, 64>}, {transform_indices = @transform_7, window_bounds = array<i64: 1000, 64>}, {pipeline_mode = #tpu.pipeline_mode<synchronous>, transform_indices = @transform_8, window_bounds = array<i64: 2, 64>}]} {
    %get3A = arith.constant 0 : index
    %get3A_0 = arith.constant 0 : index
    %get3A_1 = vector.load %arg2[%get3A, %get3A_0] : memref<2x128xf32, #tpu.memory_space<vmem>>, vector<1x128xf32>
    %mul3A = arith.constant 9.99999974E-5 : f32
    %mul3A_2 = vector.broadcast %mul3A : f32 to vector<1x128xf32>
    %mul3A_3 = arith.mulf %get3A_1, %mul3A_2 : vector<1x128xf32>
    %get3A_4 = arith.constant 1 : index
    %get3A_5 = arith.constant 0 : index
    %get3A_6 = vector.load %arg2[%get3A_4, %get3A_5] : memref<2x128xf32, #tpu.memory_space<vmem>>, vector<1x128xf32>
    %mul3A_7 = arith.constant 9.99999974E-5 : f32
    %mul3A_8 = vector.broadcast %mul3A_7 : f32 to vector<1x128xf32>
    %mul3A_9 = arith.mulf %get3A_6, %mul3A_8 : vector<1x128xf32>
    %mul3A_10 = arith.mulf %mul3A_3, %mul3A_3 : vector<1x128xf32>
    %sub3A = arith.subf %mul3A_9, %mul3A_10 : vector<1x128xf32>
    %get3A_11 = arith.constant 0 : index
    %get3A_12 = arith.constant 0 : index
    %get3A_13 = vector.load %arg3[%get3A_11, %get3A_12] : memref<1x128xf32, #tpu.memory_space<vmem>>, vector<1x128xf32>
    %add3A = arith.constant 9.99999974E-6 : f32
    %add3A_14 = vector.broadcast %add3A : f32 to vector<1x128xf32>
    %add3A_15 = arith.addf %sub3A, %add3A_14 : vector<1x128xf32>
    %rsqrt3A = math.rsqrt %add3A_15 : vector<1x128xf32>
    %mul3A_16 = arith.mulf %get3A_13, %rsqrt3A : vector<1x128xf32>
    %get3A_17 = arith.constant 0 : index
    %get3A_18 = arith.constant 0 : index
    %get3A_19 = vector.load %arg4[%get3A_17, %get3A_18] : memref<1x128xf32, #tpu.memory_space<vmem>>, vector<1x128xf32>
    %mul3A_20 = arith.mulf %mul3A_3, %mul3A_16 : vector<1x128xf32>
    %sub3A_21 = arith.subf %get3A_19, %mul3A_20 : vector<1x128xf32>
    %get3A_22 = arith.constant 0 : index
    %get3A_23 = arith.constant 0 : index
    %get3A_24 = vector.load %arg1[%get3A_22, %get3A_23] : memref<1000x128xf32, #tpu.memory_space<vmem>>, vector<1000x128xf32>
    %mul3A_25 = vector.broadcast %mul3A_16 : vector<1x128xf32> to vector<1000x128xf32>
    %mul3A_26 = arith.mulf %get3A_24, %mul3A_25 : vector<1000x128xf32>
    %add3A_27 = vector.broadcast %sub3A_21 : vector<1x128xf32> to vector<1000x128xf32>
    %add3A_28 = arith.addf %mul3A_26, %add3A_27 : vector<1000x128xf32>
    %max3A = arith.constant 0.000000e+00 : f32
    %max3A_29 = vector.broadcast %max3A : f32 to vector<1000x128xf32>
    %max3A_30 = arith.maximumf %add3A_28, %max3A_29 : vector<1000x128xf32>
    %get3A_31 = arith.constant 0 : index
    %get3A_32 = arith.constant 0 : index
    %get3A_33 = vector.load %arg5[%get3A_31, %get3A_32] : memref<1000x128xf32, #tpu.memory_space<vmem>>, vector<1000x128xf32>
    %add3A_34 = arith.addf %max3A_30, %get3A_33 : vector<1000x128xf32>
    %get3A_35 = arith.constant 0 : index
    %get3A_36 = arith.constant 0 : index
    %get3A_37 = vector.load %arg6[%get3A_35, %get3A_36] : memref<128x64xf32, #tpu.memory_space<vmem>>, vector<128x64xf32>
    %dot_general3A = arith.constant dense<0.000000e+00> : vector<1000x64xf32>
    %dot_general3A_38 = tpu.matmul %add3A_34, %get3A_37, %dot_general3A {dimension_numbers = #tpu.dot_dimension_numbers<[1], [0], [0], [1], [0, 0, 1, 1], [], []>, transpose_lhs_hint = false} : vector<1000x128xf32>, vector<128x64xf32>, vector<1000x64xf32> -> vector<1000x64xf32>
    %get3A_39 = arith.constant 0 : index
    %get3A_40 = arith.constant 0 : index
    %get3A_41 = vector.load %arg7[%get3A_39, %get3A_40] : memref<1x64xf32, #tpu.memory_space<vmem>>, vector<1x64xf32>
    %add3A_42 = vector.broadcast %get3A_41 : vector<1x64xf32> to vector<1000x64xf32>
    %add3A_43 = arith.addf %dot_general3A_38, %add3A_42 : vector<1000x64xf32>
    %swap3A = arith.constant 0 : index
    %swap3A_44 = arith.constant 0 : index
    %swap3A_45 = vector.load %arg8[%swap3A, %swap3A_44] : memref<1000x64xf32, #tpu.memory_space<vmem>>, vector<1000x64xf32>
    tpu.vector_store %arg8[%swap3A, %swap3A_44], %add3A_43 {strides = array<i32>} : memref<1000x64xf32, #tpu.memory_space<vmem>>, vector<1000x64xf32>,
    %eq3A = arith.constant 0 : i32
    %eq3A_46 = arith.cmpi eq, %arg0, %eq3A : i32
    %convert_element_type3A = arith.extui %eq3A_46 : i1 to i32
    %cond3A = arith.constant 0 : i32
    %cond3A_47 = arith.cmpi ne, %convert_element_type3A, %cond3A : i32
    scf.if %cond3A_47 {
      %broadcast_in_dim3A_60 = arith.constant 0.000000e+00 : f32
      %broadcast_in_dim3A_61 = vector.broadcast %broadcast_in_dim3A_60 : f32 to vector<2x64xf32>
      %swap3A_62 = arith.constant 0 : index
      %swap3A_63 = arith.constant 0 : index
      %swap3A_64 = vector.load %arg9[%swap3A_62, %swap3A_63] : memref<2x64xf32, #tpu.memory_space<vmem>>, vector<2x64xf32>
      tpu.vector_store %arg9[%swap3A_62, %swap3A_63], %broadcast_in_dim3A_61 {strides = array<i32>} : memref<2x64xf32, #tpu.memory_space<vmem>>, vector<2x64xf32>,
    } else {
    }
    %reduce_sum3A = arith.constant dense<0.000000e+00> : vector<64xf32>
    %reduce_sum3A_48 = vector.multi_reduction <add>, %add3A_43, %reduce_sum3A [0] : vector<1000x64xf32> to vector<64xf32>
    %broadcast_in_dim3A = vector.shape_cast %reduce_sum3A_48 : vector<64xf32> to vector<1x64xf32>
    %mul3A_49 = arith.mulf %add3A_43, %add3A_43 : vector<1000x64xf32>
    %reduce_sum3A_50 = arith.constant dense<0.000000e+00> : vector<64xf32>
    %reduce_sum3A_51 = vector.multi_reduction <add>, %mul3A_49, %reduce_sum3A_50 [0] : vector<1000x64xf32> to vector<64xf32>
    %broadcast_in_dim3A_52 = vector.shape_cast %reduce_sum3A_51 : vector<64xf32> to vector<1x64xf32>
    %get3A_53 = arith.constant 0 : index
    %get3A_54 = arith.constant 0 : index
    %get3A_55 = vector.load %arg9[%get3A_53, %get3A_54] : memref<2x64xf32, #tpu.memory_space<vmem>>, vector<2x64xf32>
    %concatenate3A = tpu.concatenate %broadcast_in_dim3A, %broadcast_in_dim3A_52 in 0 : vector<1x64xf32>, vector<1x64xf32> -> vector<2x64xf32>
    %add3A_56 = arith.addf %get3A_55, %concatenate3A : vector<2x64xf32>
    %swap3A_57 = arith.constant 0 : index
    %swap3A_58 = arith.constant 0 : index
    %swap3A_59 = vector.load %arg9[%swap3A_57, %swap3A_58] : memref<2x64xf32, #tpu.memory_space<vmem>>, vector<2x64xf32>
    tpu.vector_store %arg9[%swap3A_57, %swap3A_58], %add3A_56 {strides = array<i32>} : memref<2x64xf32, #tpu.memory_space<vmem>>, vector<2x64xf32>,
    return
  }
  func.func @transform_0(%arg0: i32) -> (i32, i32) {
    %c0_i32 = arith.constant 0 : i32
    %c0_i32_0 = arith.constant 0 : i32
    return %arg0, %c0_i32 : i32, i32
  }
  func.func @transform_1(%arg0: i32) -> (i32, i32) {
    %c0_i32 = arith.constant 0 : i32
    %c0_i32_0 = arith.constant 0 : i32
    %c0_i32_1 = arith.constant 0 : i32
    return %c0_i32, %c0_i32_0 : i32, i32
  }
  func.func @transform_2(%arg0: i32) -> (i32, i32) {
    %c0_i32 = arith.constant 0 : i32
    %c0_i32_0 = arith.constant 0 : i32
    %c0_i32_1 = arith.constant 0 : i32
    return %c0_i32, %c0_i32_0 : i32, i32
  }
  func.func @transform_3(%arg0: i32) -> (i32, i32) {
    %c0_i32 = arith.constant 0 : i32
    %c0_i32_0 = arith.constant 0 : i32
    %c0_i32_1 = arith.constant 0 : i32
    return %c0_i32, %c0_i32_0 : i32, i32
  }
  func.func @transform_4(%arg0: i32) -> (i32, i32) {
    %c0_i32 = arith.constant 0 : i32
    %c0_i32_0 = arith.constant 0 : i32
    return %arg0, %c0_i32 : i32, i32
  }
  func.func @transform_5(%arg0: i32) -> (i32, i32) {
    %c0_i32 = arith.constant 0 : i32
    %c0_i32_0 = arith.constant 0 : i32
    %c0_i32_1 = arith.constant 0 : i32
    return %c0_i32, %c0_i32_0 : i32, i32
  }
  func.func @transform_6(%arg0: i32) -> (i32, i32) {
    %c0_i32 = arith.constant 0 : i32
    %c0_i32_0 = arith.constant 0 : i32
    %c0_i32_1 = arith.constant 0 : i32
    return %c0_i32, %c0_i32_0 : i32, i32
  }
  func.func @transform_7(%arg0: i32) -> (i32, i32) {
    %c0_i32 = arith.constant 0 : i32
    %c0_i32_0 = arith.constant 0 : i32
    return %arg0, %c0_i32 : i32, i32
  }
  func.func @transform_8(%arg0: i32) -> (i32, i32) {
    %c0_i32 = arith.constant 0 : i32
    %c0_i32_0 = arith.constant 0 : i32
    %c0_i32_1 = arith.constant 0 : i32
    return %c0_i32, %c0_i32_0 : i32, i32
  }
}

module attributes {stable_mosaic.version = 14 : i64} {
  func.func @_cls2_body(%arg0: i32, %arg1: memref<1000x64xf32, #tpu.memory_space<vmem>>, %arg2: memref<2x64xf32, #tpu.memory_space<vmem>>, %arg3: memref<1x64xf32, #tpu.memory_space<vmem>>, %arg4: memref<1x64xf32, #tpu.memory_space<vmem>>, %arg5: memref<64x64xf32, #tpu.memory_space<vmem>>, %arg6: memref<1x64xf32, #tpu.memory_space<vmem>>, %arg7: memref<1000x64xf32, #tpu.memory_space<vmem>>) attributes {dimension_semantics = [#tpu.dimension_semantics<arbitrary>], iteration_bounds = array<i64: 10>, scalar_prefetch = 0 : i64, scratch_operands = 0 : i64, tpu.core_type = #tpu.core_type<tc>, window_params = [{transform_indices = @transform_0, window_bounds = array<i64: 1000, 64>}, {pipeline_mode = #tpu.pipeline_mode<synchronous>, transform_indices = @transform_1, window_bounds = array<i64: 2, 64>}, {pipeline_mode = #tpu.pipeline_mode<synchronous>, transform_indices = @transform_2, window_bounds = array<i64: 1, 64>}, {pipeline_mode = #tpu.pipeline_mode<synchronous>, transform_indices = @transform_3, window_bounds = array<i64: 1, 64>}, {pipeline_mode = #tpu.pipeline_mode<synchronous>, transform_indices = @transform_4, window_bounds = array<i64: 64, 64>}, {pipeline_mode = #tpu.pipeline_mode<synchronous>, transform_indices = @transform_5, window_bounds = array<i64: 1, 64>}, {transform_indices = @transform_6, window_bounds = array<i64: 1000, 64>}]} {
    %get3A = arith.constant 0 : index
    %get3A_0 = arith.constant 0 : index
    %get3A_1 = vector.load %arg2[%get3A, %get3A_0] : memref<2x64xf32, #tpu.memory_space<vmem>>, vector<1x64xf32>
    %mul3A = arith.constant 9.99999974E-5 : f32
    %mul3A_2 = vector.broadcast %mul3A : f32 to vector<1x64xf32>
    %mul3A_3 = arith.mulf %get3A_1, %mul3A_2 : vector<1x64xf32>
    %get3A_4 = arith.constant 1 : index
    %get3A_5 = arith.constant 0 : index
    %get3A_6 = vector.load %arg2[%get3A_4, %get3A_5] : memref<2x64xf32, #tpu.memory_space<vmem>>, vector<1x64xf32>
    %mul3A_7 = arith.constant 9.99999974E-5 : f32
    %mul3A_8 = vector.broadcast %mul3A_7 : f32 to vector<1x64xf32>
    %mul3A_9 = arith.mulf %get3A_6, %mul3A_8 : vector<1x64xf32>
    %mul3A_10 = arith.mulf %mul3A_3, %mul3A_3 : vector<1x64xf32>
    %sub3A = arith.subf %mul3A_9, %mul3A_10 : vector<1x64xf32>
    %get3A_11 = arith.constant 0 : index
    %get3A_12 = arith.constant 0 : index
    %get3A_13 = vector.load %arg3[%get3A_11, %get3A_12] : memref<1x64xf32, #tpu.memory_space<vmem>>, vector<1x64xf32>
    %add3A = arith.constant 9.99999974E-6 : f32
    %add3A_14 = vector.broadcast %add3A : f32 to vector<1x64xf32>
    %add3A_15 = arith.addf %sub3A, %add3A_14 : vector<1x64xf32>
    %rsqrt3A = math.rsqrt %add3A_15 : vector<1x64xf32>
    %mul3A_16 = arith.mulf %get3A_13, %rsqrt3A : vector<1x64xf32>
    %get3A_17 = arith.constant 0 : index
    %get3A_18 = arith.constant 0 : index
    %get3A_19 = vector.load %arg4[%get3A_17, %get3A_18] : memref<1x64xf32, #tpu.memory_space<vmem>>, vector<1x64xf32>
    %mul3A_20 = arith.mulf %mul3A_3, %mul3A_16 : vector<1x64xf32>
    %sub3A_21 = arith.subf %get3A_19, %mul3A_20 : vector<1x64xf32>
    %get3A_22 = arith.constant 0 : index
    %get3A_23 = arith.constant 0 : index
    %get3A_24 = vector.load %arg1[%get3A_22, %get3A_23] : memref<1000x64xf32, #tpu.memory_space<vmem>>, vector<1000x64xf32>
    %mul3A_25 = vector.broadcast %mul3A_16 : vector<1x64xf32> to vector<1000x64xf32>
    %mul3A_26 = arith.mulf %get3A_24, %mul3A_25 : vector<1000x64xf32>
    %add3A_27 = vector.broadcast %sub3A_21 : vector<1x64xf32> to vector<1000x64xf32>
    %add3A_28 = arith.addf %mul3A_26, %add3A_27 : vector<1000x64xf32>
    %max3A = arith.constant 0.000000e+00 : f32
    %max3A_29 = vector.broadcast %max3A : f32 to vector<1000x64xf32>
    %max3A_30 = arith.maximumf %add3A_28, %max3A_29 : vector<1000x64xf32>
    %get3A_31 = arith.constant 0 : index
    %get3A_32 = arith.constant 0 : index
    %get3A_33 = vector.load %arg5[%get3A_31, %get3A_32] : memref<64x64xf32, #tpu.memory_space<vmem>>, vector<64x64xf32>
    %dot_general3A = arith.constant dense<0.000000e+00> : vector<1000x64xf32>
    %dot_general3A_34 = tpu.matmul %max3A_30, %get3A_33, %dot_general3A {dimension_numbers = #tpu.dot_dimension_numbers<[1], [0], [0], [1], [0, 0, 1, 1], [], []>, transpose_lhs_hint = false} : vector<1000x64xf32>, vector<64x64xf32>, vector<1000x64xf32> -> vector<1000x64xf32>
    %get3A_35 = arith.constant 0 : index
    %get3A_36 = arith.constant 0 : index
    %get3A_37 = vector.load %arg6[%get3A_35, %get3A_36] : memref<1x64xf32, #tpu.memory_space<vmem>>, vector<1x64xf32>
    %add3A_38 = vector.broadcast %get3A_37 : vector<1x64xf32> to vector<1000x64xf32>
    %add3A_39 = arith.addf %dot_general3A_34, %add3A_38 : vector<1000x64xf32>
    %reduce_max3A = arith.constant dense<0xFF800000> : vector<1000xf32>
    %reduce_max3A_40 = vector.multi_reduction <maximumf>, %add3A_39, %reduce_max3A [1] : vector<1000x64xf32> to vector<1000xf32>
    %broadcast_in_dim3A = vector.shape_cast %reduce_max3A_40 : vector<1000xf32> to vector<1000x1xf32>
    %sub3A_41 = vector.broadcast %broadcast_in_dim3A : vector<1000x1xf32> to vector<1000x64xf32>
    %sub3A_42 = arith.subf %add3A_39, %sub3A_41 : vector<1000x64xf32>
    %exp3A = math.exp %sub3A_42 : vector<1000x64xf32>
    %reduce_sum3A = arith.constant dense<0.000000e+00> : vector<1000xf32>
    %reduce_sum3A_43 = vector.multi_reduction <add>, %exp3A, %reduce_sum3A [1] : vector<1000x64xf32> to vector<1000xf32>
    %broadcast_in_dim3A_44 = vector.shape_cast %reduce_sum3A_43 : vector<1000xf32> to vector<1000x1xf32>
    %log3A = math.log %broadcast_in_dim3A_44 : vector<1000x1xf32>
    %add3A_45 = arith.addf %log3A, %broadcast_in_dim3A : vector<1000x1xf32>
    %sub3A_46 = vector.broadcast %add3A_45 : vector<1000x1xf32> to vector<1000x64xf32>
    %sub3A_47 = arith.subf %add3A_39, %sub3A_46 : vector<1000x64xf32>
    %swap3A = arith.constant 0 : index
    %swap3A_48 = arith.constant 0 : index
    %swap3A_49 = vector.load %arg7[%swap3A, %swap3A_48] : memref<1000x64xf32, #tpu.memory_space<vmem>>, vector<1000x64xf32>
    tpu.vector_store %arg7[%swap3A, %swap3A_48], %sub3A_47 {strides = array<i32>} : memref<1000x64xf32, #tpu.memory_space<vmem>>, vector<1000x64xf32>,
    return
  }
  func.func @transform_0(%arg0: i32) -> (i32, i32) {
    %c0_i32 = arith.constant 0 : i32
    %c0_i32_0 = arith.constant 0 : i32
    return %arg0, %c0_i32 : i32, i32
  }
  func.func @transform_1(%arg0: i32) -> (i32, i32) {
    %c0_i32 = arith.constant 0 : i32
    %c0_i32_0 = arith.constant 0 : i32
    %c0_i32_1 = arith.constant 0 : i32
    return %c0_i32, %c0_i32_0 : i32, i32
  }
  func.func @transform_2(%arg0: i32) -> (i32, i32) {
    %c0_i32 = arith.constant 0 : i32
    %c0_i32_0 = arith.constant 0 : i32
    %c0_i32_1 = arith.constant 0 : i32
    return %c0_i32, %c0_i32_0 : i32, i32
  }
  func.func @transform_3(%arg0: i32) -> (i32, i32) {
    %c0_i32 = arith.constant 0 : i32
    %c0_i32_0 = arith.constant 0 : i32
    %c0_i32_1 = arith.constant 0 : i32
    return %c0_i32, %c0_i32_0 : i32, i32
  }
  func.func @transform_4(%arg0: i32) -> (i32, i32) {
    %c0_i32 = arith.constant 0 : i32
    %c0_i32_0 = arith.constant 0 : i32
    %c0_i32_1 = arith.constant 0 : i32
    return %c0_i32, %c0_i32_0 : i32, i32
  }
  func.func @transform_5(%arg0: i32) -> (i32, i32) {
    %c0_i32 = arith.constant 0 : i32
    %c0_i32_0 = arith.constant 0 : i32
    %c0_i32_1 = arith.constant 0 : i32
    return %c0_i32, %c0_i32_0 : i32, i32
  }
  func.func @transform_6(%arg0: i32) -> (i32, i32) {
    %c0_i32 = arith.constant 0 : i32
    %c0_i32_0 = arith.constant 0 : i32
    return %arg0, %c0_i32 : i32, i32
  }
}

</mosaic_0001>

<sc_bundles>
// kernel: kernel.12.cloned.1.call-start
scs
__scs_entry_jumppad:
0x0: {  	(pc) =	sbr.rel $0x88, $3  }
0x1: {  	(tag) =	ssettag $0x0;
	lr =	simm.s32 $0x1  }
0x2: {  	[smem:$0x3F8F] =	sst lr;
	_ =	strace $0xD0000000  }
0x3: {  	_ = 	snop  }
0x4: {  	_ = 	snop  }
0x5: {  	_ = 	snop  }
0x6: {  	_ = 	snop  }
0x7: {  	_ = 	snop  }
__scs_overlays_trampoline_lowered:
0x8: {  	[smem:$0x3F9E] =	sst s0  }
0x9: {  	[smem:$0x3F9F] =	sst s1  }
0xa: {  	[smem:$0x3FA0] =	sst s2  }
0xb: {  	[smem:$0x3FA1] =	sst s3  }
0xc: {  	[smem:$0x3FA2] =	sst s4  }
0xd: {  	[smem:$0x3FA3] =	sst s5  }
0xe: {  	[smem:$0x3FA4] =	sst s6  }
0xf: {  	[smem:$0x3FA5] =	sst s7  }
0x10: {  	[smem:$0x3FA6] =	sst s8  }
0x11: {  	[smem:$0x3FA7] =	sst s9;
	s0 =	simm.s32 @!p0 $0x0  }
0x12: {  	s1 =	sld [smem:$0x3F8D];
	s0 =	simm.s32 @p0 $0x1  }
0x13: {  	[smem:$0x3FA8] =	sst s0;
	s0 =	simm.s32 @!p1 $0x0  }
0x14: {  	s2 =	sld [smem:$0x3F8C];
	s0 =	simm.s32 @p1 $0x1  }
0x15: {  	[smem:$0x3FA9] =	sst s0;
	s0 =	simm.s32 @!p2 $0x0  }
0x16: {  	s3 =	sld [smem:$0x3FDB];
	s0 =	simm.s32 @p2 $0x1  }
0x17: {  	s4 =	simm.s32 $0x1BF5;
	[smem:$0x3FAB] =	sst s0  }
0x18: {  	s0 =	sld [smem:$0x3F8E];
	_ =	swait.ge [sflag:s4], $0x0  }
0x19: {  	s7 =	sld [smem:$0x3F8F]  }
0x1a: {  	s8 =	sadd.s32 $0xFFFFE003, lr  }
0x1b: {  	s9 =	sadd.s32 $0xFFFFFEF7, lr;
	s5 =	simm.s32 $0xFFFFFFFF;
	p2 =	slt.u32 s8, $0xFFFFF086  }
0x1c: {  	p1 =	slt.u32 s9, $0xF7A;
	s5 =	simm.s32 @!p2 $0x0  }
0x1d: {  	s5 =	simm.s32 @p1 $0x1;
	p0 =	seq.s32 s7, s2  }
0x1e: {  	s7 =	smul.u32 @!p0 $0xF7A, s2;
	p2 =	seq.s32 @!p0 s5, $0x0  }
0x1f: {  	s9 =	smul.u32 $0xF7A, s1;
	s8 =	simm.s32 @!p0 $0x1BF5;
	p2 =	por !p2, p0  }
0x20: {  	[sflag:s8] =	ssyncset.s32 @!p0 $0xFFFFF086;
	s6 =	sadd.s32 @!p0 s3, s7;
	s7 =	simm.s32 @!p0 $0x108  }
0x21: {  	s3 =	sadd.s32 s3, s9;
	s6 =	sadd.s32 @!p0 $0x88, s6;
	s7 =	simm.s32 @p2 $0x1082  }
0x22: {  	[simem:s7], [sflag:s8] =	dma.local @!p0 [hbm:s6], $0xF7A  }
0x23: {  	s9 =	sor.u32 $0xD0000000, s2;
	s6 =	simm.s32 $0x108;
	_ =	swait.ge @!p0 [sflag:s8], $0x0  }
0x24: {  	s3 =	sadd.s32 $0x88, s3;
	s6 =	simm.s32 @!p1 $0x1082;
	[sflag:s4] =	ssyncset.s32 $0xFFFFF086  }
0x25: {  	[simem:s6], [sflag:s4] =	dma.local [hbm:s3], $0xF7A  }
0x26: {  	[smem:$0x3F8F] =	sst s1;
	(tag) =	ssettag s2;
	_ =	strace s9  }
0x27: {  	s1 =	sld [smem:$0x3F9F]  }
0x28: {  	s2 =	sld [smem:$0x3FA0]  }
0x29: {  	s4 =	sld [smem:$0x3FA2]  }
0x2a: {  	p0 =	seq.s32 s5, $0x0;
	s5 =	sld [smem:$0x3FA3]  }
0x2b: {  	s6 =	sld [smem:$0x3FA4]  }
0x2c: {  	s7 =	sld [smem:$0x3FA5]  }
0x2d: {  	s3 =	simm.s32 $0x108;
	s8 =	sld [smem:$0x3FA6]  }
0x2e: {  	s3 =	simm.s32 @!p0 $0x1082;
	s9 =	sld [smem:$0x3FA7]  }
0x2f: {  	lr =	sadd.s32 s0, s3;
	s0 =	sld [smem:$0x3F9E]  }
0x30: {  	s3 =	sld [smem:$0x3FA1]  }
0x31: {  	[smem:$0x3FAA] =	sst s10  }
0x32: {  	s10 =	sld [smem:$0x3FA8];
	_ =	sdelay $0x3  }
0x33: {  	p0 =	seq.s32 s10, $0x1;
	s10 =	sld [smem:$0x3FAA];
	_ =	sdelay $0x3  }
0x34: {  	[smem:$0x3FAA] =	sst s10  }
0x35: {  	s10 =	sld [smem:$0x3FA9];
	_ =	sdelay $0x3  }
0x36: {  	p1 =	seq.s32 s10, $0x1;
	s10 =	sld [smem:$0x3FAA];
	_ =	sdelay $0x3  }
0x37: {  	[smem:$0x3FAA] =	sst s10  }
0x38: {  	s10 =	sld [smem:$0x3FAB]  }
0x39: {  	_ = 	snop;
	(pc) =	sbr.ind lr, $3  }
0x3a: {  	_ = 	snop  }
0x3b: {  	_ = 	snop  }
0x3c: {  	p2 =	seq.s32 s10, $0x1;
	s10 =	sld [smem:$0x3FAA]  }
0x3d: {  	_ =	shalt  }
0x3e: {  	_ =	shalt  }
0x3f: {  	_ =	shalt  }
0x40: {  	_ =	shalt  }
0x41: {  	_ =	shalt  }
0x42: {  	_ =	shalt  }
0x43: {  	_ =	shalt  }
0x44: {  	_ =	shalt  }
0x45: {  	_ =	shalt  }
0x46: {  	_ =	shalt  }
0x47: {  	_ =	shalt  }
0x48: {  	_ =	shalt  }
0x49: {  	_ =	shalt  }
0x4a: {  	_ =	shalt  }
0x4b: {  	_ =	shalt  }
0x4c: {  	_ =	shalt  }
0x4d: {  	_ =	shalt  }
0x4e: {  	_ =	shalt  }
0x4f: {  	_ =	shalt  }
0x50: {  	_ =	shalt  }
0x51: {  	_ =	shalt  }
0x52: {  	_ =	shalt  }
0x53: {  	_ =	shalt  }
0x54: {  	_ =	shalt  }
0x55: {  	_ =	shalt  }
0x56: {  	_ =	shalt  }
0x57: {  	_ =	shalt  }
0x58: {  	_ =	shalt  }
0x59: {  	_ =	shalt  }
0x5a: {  	_ =	shalt  }
0x5b: {  	_ =	shalt  }
0x5c: {  	_ =	shalt  }
0x5d: {  	_ =	shalt  }
0x5e: {  	_ =	shalt  }
0x5f: {  	_ =	shalt  }
0x60: {  	_ =	shalt  }
0x61: {  	_ =	shalt  }
0x62: {  	_ =	shalt  }
0x63: {  	_ =	shalt  }
0x64: {  	_ =	shalt  }
0x65: {  	_ =	shalt  }
0x66: {  	_ =	shalt  }
0x67: {  	_ =	shalt  }
0x68: {  	_ =	shalt  }
0x69: {  	_ =	shalt  }
0x6a: {  	_ =	shalt  }
0x6b: {  	_ =	shalt  }
0x6c: {  	_ =	shalt  }
0x6d: {  	_ =	shalt  }
0x6e: {  	_ =	shalt  }
0x6f: {  	_ =	shalt  }
0x70: {  	_ =	shalt  }
0x71: {  	_ =	shalt  }
0x72: {  	_ =	shalt  }
0x73: {  	_ =	shalt  }
0x74: {  	_ =	shalt  }
0x75: {  	_ =	shalt  }
0x76: {  	_ =	shalt  }
0x77: {  	_ =	shalt  }
0x78: {  	_ =	shalt  }
0x79: {  	_ =	shalt  }
0x7a: {  	_ =	shalt  }
0x7b: {  	_ =	shalt  }
0x7c: {  	_ =	shalt  }
0x7d: {  	_ =	shalt  }
0x7e: {  	_ =	shalt  }
0x7f: {  	_ =	shalt  }
0x80: {  	_ =	shalt  }
0x81: {  	_ =	shalt  }
0x82: {  	_ =	shalt  }
0x83: {  	_ =	shalt  }
0x84: {  	_ =	shalt  }
0x85: {  	_ =	shalt  }
0x86: {  	_ =	shalt  }
0x87: {  	_ =	shalt  }
.Lfunc_end0:
.L_simem_size_0:
called_computation_lowered:
.L_overlay_start_0:
0x88: {  	s2 =	sld [smem:$0x3FD9]  }
0x89: {  	s3 =	sld [smem:$0x3FFE];
	_ =	sdelay $0x1  }
0x8a: {  	s1 =	srdreg.scid  }
0x8b: {  	s0 =	sand.u32 $0x1, s1  }
0x8c: {  	s16 =	sshll.u32 s0, $0xA;
	s2 =	sadd.s32 s3, s2  }
0x8d: {  	s2 =	sadd.s32 s2, s16  }
0x8e: {  	[smem:$0x3FB6] =	sst s2  }
0x8f: {  	_ = 	snop  }
0x90: {  	(tm) =	ssettm $0x1  }
0x91: {  	s17 =	sld [smem:$0x3FFB];
	_ =	sdelay $0x3  }
0x92: {  	_ =	strace s17  }
0x93: {  	s2 =	sld [smem:$0x3FFC];
	_ =	sdelay $0x3  }
0x94: {  	_ =	strace s2  }
0x95: {  	s2 =	sld [smem:$0x3FFD];
	_ =	sdelay $0x3  }
0x96: {  	_ =	strace s2  }
0x97: {  	_ =	strace $0x8FFFFFFF  }
0x98: {  	s18 =	sld [smem:$0x3FDB];
	_ =	sdelay $0x1  }
0x99: {  	s19 =	simm.s32 $_scs_section_size  }
0x9a: {  	s4 =	simm.s32 $_size__tile_overlayer_lowered;
	s5 =	simm.s32 $_tile_overlayer_lowered  }
0x9b: {  	s22 =	simm.s32 $0x1BFF;
	s21 =	sshll.u32 s5, $0x1;
	s2 =	sadd.s32 s19, s18  }
0x9c: {  	s6 =	simm.s32 $0x0;
	s20 =	sshll.u32 s4, $0x1;
	s4 =	sadd.s32 s21, s2  }
0x9d: {  	[timem:s6], [sflag:s22] =	dma.local [hbm:s4], s20  }
0x9e: {  	_ =	swait.ge [sflag:s22], s20  }
0x9f: {  	s3 =	ssub.s32 $0x0, s20;
	[sflag:s22] =	ssyncset.done $0x0  }
0xa0: {  	[sflag:s22] =	ssyncadd.s32 s3;
	_ =	sdelay $0x1  }
0xa1: {  	s23 =	simm.s32 $0x1B8B  }
0xa2: {  	_ =	swait.ge [sflag:s23], $0x1  }
0xa3: {  	[sflag:s23] =	ssyncset.done $0x0  }
0xa4: {  	s25 =	simm.s32 $0x1B8E;
	s24 =	sld [smem:$0x3FFE];
	[sflag:s23] =	ssyncadd.s32 $0xFFFFFFFF  }
0xa5: {  	s26 =	simm.s32 $execute0_lowered;
	[smem:$0x3FD2] =	sst s25  }
0xa6: {  	s4 =	sshll.u32 s26, $0x1;
	_ =	strace $0x80000046;
	[dreg:$0x1] =	wrdreg $0xFFFFFFFF  }
0xa7: {  	s28 =	simm.s32 $_size_execute0_lowered;
	s2 =	sadd.s32 s2, s4;
	[dreg:$0x0] =	wrdreg $0x0  }
0xa8: {  	s4 =	sshll.u32 s28, $0x1;
	[dreg:$0x2] =	wrdreg s2  }
0xa9: {  	[dreg:$0x3] =	wrdreg s4  }
0xaa: {  	[dreg:$0x4] =	wrdreg $0xC0  }
0xab: {  	_ =	task [dreg:s6], $0x5FFFF  }
0xac: {  	[dreg:$0x1] =	wrdreg $0xFFFFFFFF  }
0xad: {  	[dreg:$0x0] =	wrdreg $0x60  }
0xae: {  	[dreg:$0x2] =	wrdreg s24  }
0xaf: {  	[dreg:$0x3] =	wrdreg $0x55000  }
0xb0: {  	[dreg:$0x4] =	wrdreg $0x9  }
0xb1: {  	_ =	task.clear_ibuf [dreg:s6], $0x5FFFF;
	_ =	strace $0x90000046  }
0xb2: {  	s29 =	simm.s32 $0x9;
	_ =	strace $0x80000048  }
0xb3: {  	_ =	swait.ge [sflag:s29], $0x1  }
0xb4: {  	[sflag:s29] =	ssyncadd.s32 $0xFFFFFFFF  }
0xb5: {  	_ =	strace $0x90000048  }
0xb6: {  	_ =	sfence  }
0xb7: {  	s30 =	sld [smem:$0x0];
	_ =	sdelay $0x2  }
0xb8: {  	s31 =	sshll.u32 s1, $0xD;
	s1 =	sshrl.u32 s1, $0x2  }
0xb9: {  	s3 =	sand.u32 $0x4000, s31;
	s1 =	sadd.s32 s1, s30  }
0xba: {  	s0 =	sor.u32 s3, s0;
	s1 =	sshll.u32 s1, $0x11  }
0xbb: {  	s0 =	sor.u32 s1, s0  }
0xbc: {  	s0 =	sadd.s32 $0x8F2B, s0  }
0xbd: {  	[sflag:s0] =	ssyncadd.remote.s32 $0x1  }
0xbe: {  	_ =	sfence.sel $0xFFFF  }
0xbf: {  	[dreg:$0x0] =	wrdreg $0xFFFFFFFF;
	(pc) =	sbr.abs _section_cstart, $3  }
0xc0: {  	[dreg:$0x1] =	wrdreg $0xFFFFFFFF  }
0xc1: {  	_ =	task.clear_ibuf [dreg:s6], $0x2FFFF;
	_ =	strace $0x9FFFFFFF  }
0xc2: {  	(tm) =	ssettm $0x7FFFFFFF  }
0xc3: {  	_ =	shalt  }
tec
execute0_lowered:
.L_overlay_start_1:
0x0: {  	(tag) =	ssettag $0x1  }
0x1: {  	s0 =	srdreg.scid;
	s4 =	rddreg [dreg:$0x0]  }
0x2: {  	s6 =	rddreg [dreg:$0x1];
	s1 =	stileid.u32  }
0x3: {  	s2 =	simm.s32 $0x0;
	s12 =	simm.s32 $0x400;
	s13 =	simm.s32 $0x5000  }
0x4: {  	s14 =	simm.s32 $0x5280;
	s15 =	simm.s32 $0x100;
	s16 =	simm.s32 $0x0  }
0x5: {  	s5 =	sand.u32 $0x1, s0;
	s0 =	rddreg [dreg:$0x2];
	s7 =	smul.u32 $0x500, s1  }
0x6: {  	[smem:$0x7FF] =	sst s2;
	s29 =	sshrl.u32 s1, $0x3;
	s30 =	smul.u32 $0x5000, s1  }
0x7: {  	s31 =	sshll.u32 s1, $0x7;
	s3 =	sshll.u32 s5, $0x4;
	_ =	strace $0x80000047  }
0x8: {  	s9 =	sshll.u32 s5, $0x7;
	s5 =	ssub.s32 $0x2, s5;
	s3 =	sor.u32 s1, s3  }
0x9: {  	s7 =	sor.u32 s9, s7;
	s10 =	sshrl.u32 s5, $0x1;
	s9 =	smul.u32 $0x50000, s29  }
0xa: {  	s11 =	sshrl.u32 s30, $0x2;
	s3 =	smul.u32 $0x500, s3;
	s7 =	sshrl.u32 s7, $0x3  }
0xb: {  	s10 =	ssub.s32 s5, s10;
	s7 =	sadd.s32 s7, s4;
	s9 =	sshrl.u32 s9, $0x2  }
0xc: {  	s8 =	sadd.s32 s3, s4;
	s3 =	sadd.s32 $0xE600, s4;
	s9 =	sadd.s32 s9, s6  }
0xd: {  	s6 =	sadd.s32 s11, s6;
	s4 =	sadd.s32 $0x4600, s8;
	s8 =	sand.u32 $0x380, s31  }
0xe: {  	s7 =	sadd.s32 $0xEC00, s7;
	s11 =	simm.s32 $0x80;
	s5 =	sadd.s32 s8, s9  }
0xf: {  	v0 =	vimm.f32 $1.000000000e+00;
	s8 =	smax.u32 s10, $0x1;
	s9 =	simm.s32 $0x2800;
	s10 =	simm.s32 $0x1  }
.LBB2_1:
0x10: {  	[tilespmem:s9], [sflag:$0x1] =	stream.linear.gather [hbm4b:s3+s2], $0x2800, $0x38;
	[tilespmem:$0x7D00] =	vst v63  }
0x11: {  	_ =	swait.ge [sflag:s10], $0x2800  }
0x12: {  	[sflag:s10] =	ssyncset.done $0x0  }
0x13: {  	[sflag:s10] =	ssyncadd.s32 $0xFFFFD800  }
0x14: {  	[tilespmem:s2], [sflag:$0x1] =	stream.linear.gather [hbm4b:s4+s2], $0x2800, $0x38;
	[tilespmem:$0x7D00] =	vst v63  }
0x15: {  	_ =	swait.ge [sflag:s10], $0x2800  }
0x16: {  	[sflag:s10] =	ssyncset.done $0x0  }
0x17: {  	s17 =	simm.s32 $0x0;
	[sflag:s10] =	ssyncadd.s32 $0xFFFFD800  }
.LBB2_2:
0x18: {  	s18 =	sshra.s32 s17, $0x2  }
0x19: {  	v1 =	vld [tilespmem:s18+$0x0];
	_ =	sdelay $0x7  }
0x1a: {  	[tilespmem:v1+s9+$0x0] =	vst.idx.add.f32.msk $0xffff, v0  }
0x1b: {  	v1 =	vld [tilespmem:s18+$0x10];
	_ =	sdelay $0x7  }
0x1c: {  	[tilespmem:v1+s9+$0x0] =	vst.idx.add.f32.msk $0xffff, v0  }
0x1d: {  	v1 =	vld [tilespmem:s18+$0x20];
	_ =	sdelay $0x7  }
0x1e: {  	[tilespmem:v1+s9+$0x0] =	vst.idx.add.f32.msk $0xffff, v0  }
0x1f: {  	v1 =	vld [tilespmem:s18+$0x30];
	_ =	sdelay $0x2  }
0x20: {  	p0 =	sne.s32 s17, $0x9F00  }
.Ltmp0:
0x21: {  	_ = 	snop;
	(pc) =	sbr.rel @p0 .LBB2_2-.Ltmp0, $2  }
0x22: {  	_ =	sdelay $0x2  }
0x23: {  	s17 =	sadd.s32 $0x100, s17;
	[tilespmem:v1+s9+$0x0] =	vst.idx.add.f32.msk $0xffff, v0  }
0x24: {  	[spmem:s5] =	stream.strided.scatter [tilespmem:s9], [sflag:$0x1], $0x2800, s12, s11, $0x38;
	[tilespmem:$0x7D00] =	vst v63  }
0x25: {  	_ =	swait.ge [sflag:s10], $0x2800  }
0x26: {  	[sflag:s10] =	ssyncset.done $0x0  }
0x27: {  	[sflag:s10] =	ssyncadd.s32 $0xFFFFD800  }
0x28: {  	s17 =	simm.s32 $0x0;
	[bflag:$0x0] =	sbarrier.arrive $0xFFFF  }
0x29: {  	[tilespmem:s13], [sflag:$0x1] =	stream.linear.gather [hbm4b:s3+s17], $0x280, $0x38;
	[tilespmem:$0x7D00] =	vst v63  }
0x2a: {  	_ =	swait.ge [sflag:s10], $0x280  }
0x2b: {  	[sflag:s10] =	ssyncset.done $0x0  }
0x2c: {  	s18 =	simm.s32 $0x0;
	[sflag:s10] =	ssyncadd.s32 $0xFFFFFD80  }
.LBB2_4:
0x2d: {  	s19 =	sshrl.u32 s18, $0x3  }
0x2e: {  	s19 =	smul.u32 $0x50000, s19;
	_ =	sdelay $0x1  }
0x2f: {  	s19 =	sshra.s32 s19, $0x2  }
0x30: {  	s20 =	sand.u32 $0x380, s17;
	s19 =	sadd.s32 s19, s6  }
0x31: {  	s19 =	sadd.s32 s20, s19  }
0x32: {  	[tilespmem:s14], [sflag:$0x1] =	stream.strided.gather [spmem:s19], $0x280, s12, s11, $0x38;
	[tilespmem:$0x7D00] =	vst v63  }
0x33: {  	_ =	swait.ge [sflag:s10], $0x280  }
0x34: {  	[sflag:s10] =	ssyncset.done $0x0  }
0x35: {  	[sflag:s10] =	ssyncadd.s32 $0xFFFFFD80  }
0x36: {  	v1 =	vld [tilespmem:$0x5000]  }
0x37: {  	v2 =	vld [tilespmem:$0x5280]  }
0x38: {  	v3 =	vld [tilespmem:$0x5010]  }
0x39: {  	v4 =	vld [tilespmem:$0x5290]  }
0x3a: {  	v5 =	vld [tilespmem:$0x5020]  }
0x3b: {  	v6 =	vld [tilespmem:$0x52A0]  }
0x3c: {  	v7 =	vld [tilespmem:$0x5030]  }
0x3d: {  	v8 =	vld [tilespmem:$0x52B0]  }
0x3e: {  	v9 =	vld [tilespmem:$0x5040]  }
0x3f: {  	v10 =	vld [tilespmem:$0x52C0]  }
0x40: {  	v11 =	vld [tilespmem:$0x5050]  }
0x41: {  	v12 =	vld [tilespmem:$0x52D0]  }
0x42: {  	v13 =	vld [tilespmem:$0x5060]  }
0x43: {  	v14 =	vld [tilespmem:$0x52E0]  }
0x44: {  	v15 =	vld [tilespmem:$0x5070]  }
0x45: {  	v16 =	vld [tilespmem:$0x52F0]  }
0x46: {  	v17 =	vld [tilespmem:$0x5080]  }
0x47: {  	v18 =	vld [tilespmem:$0x5300]  }
0x48: {  	v19 =	vld [tilespmem:$0x5090]  }
0x49: {  	v20 =	vld [tilespmem:$0x5310]  }
0x4a: {  	v21 =	vld [tilespmem:$0x50A0]  }
0x4b: {  	v22 =	vld [tilespmem:$0x5320]  }
0x4c: {  	v23 =	vld [tilespmem:$0x50B0]  }
0x4d: {  	v24 =	vld [tilespmem:$0x5330]  }
0x4e: {  	v25 =	vld [tilespmem:$0x50C0]  }
0x4f: {  	v26 =	vld [tilespmem:$0x5340]  }
0x50: {  	v27 =	vld [tilespmem:$0x50D0]  }
0x51: {  	v28 =	vld [tilespmem:$0x5350]  }
0x52: {  	v29 =	vld [tilespmem:$0x50E0]  }
0x53: {  	v30 =	vld [tilespmem:$0x5360]  }
0x54: {  	v31 =	vld [tilespmem:$0x50F0]  }
0x55: {  	v32 =	vld [tilespmem:$0x5370]  }
0x56: {  	v33 =	vld [tilespmem:$0x5100]  }
0x57: {  	v34 =	vld [tilespmem:$0x5380]  }
0x58: {  	v35 =	vld [tilespmem:$0x5110]  }
0x59: {  	v36 =	vld [tilespmem:$0x5390]  }
0x5a: {  	v37 =	vld [tilespmem:$0x5120]  }
0x5b: {  	v38 =	vld [tilespmem:$0x53A0]  }
0x5c: {  	v39 =	vld [tilespmem:$0x5130]  }
0x5d: {  	v40 =	vld [tilespmem:$0x53B0]  }
0x5e: {  	v41 =	vld [tilespmem:$0x5140]  }
0x5f: {  	v42 =	vld [tilespmem:$0x53C0]  }
0x60: {  	v43 =	vld [tilespmem:$0x5150]  }
0x61: {  	v44 =	vld [tilespmem:$0x53D0]  }
0x62: {  	v45 =	vld [tilespmem:$0x5160]  }
0x63: {  	v53 =	vld [tilespmem:$0x53F0];
	v1 =	vadd.f32 v2, v1  }
0x64: {  	v54 =	vld [tilespmem:$0x5180];
	v3 =	vadd.f32 v4, v3  }
0x65: {  	v55 =	vld [tilespmem:$0x5400];
	[tilespmem:$0x5000] =	vst v1;
	v1 =	vadd.f32 v6, v5  }
0x66: {  	v56 =	vld [tilespmem:$0x5190];
	[tilespmem:$0x5010] =	vst v3;
	v3 =	vadd.f32 v8, v7  }
0x67: {  	v57 =	vld [tilespmem:$0x5410];
	[tilespmem:$0x5020] =	vst v1;
	v1 =	vadd.f32 v10, v9  }
0x68: {  	v58 =	vld [tilespmem:$0x51A0];
	[tilespmem:$0x5030] =	vst v3;
	v3 =	vadd.f32 v12, v11  }
0x69: {  	v59 =	vld [tilespmem:$0x5420];
	[tilespmem:$0x5040] =	vst v1;
	v1 =	vadd.f32 v14, v13  }
0x6a: {  	v60 =	vld [tilespmem:$0x51B0];
	[tilespmem:$0x5050] =	vst v3;
	v3 =	vadd.f32 v16, v15  }
0x6b: {  	v61 =	vld [tilespmem:$0x5430];
	[tilespmem:$0x5060] =	vst v1;
	v1 =	vadd.f32 v18, v17  }
0x6c: {  	v62 =	vld [tilespmem:$0x51C0];
	[tilespmem:$0x5070] =	vst v3;
	v3 =	vadd.f32 v20, v19  }
0x6d: {  	v63 =	vld [tilespmem:$0x5440];
	[tilespmem:$0x5080] =	vst v1;
	v1 =	vadd.f32 v22, v21  }
0x6e: {  	v46 =	vld [tilespmem:$0x51E0];
	[tilespmem:$0x5090] =	vst v3;
	v3 =	vadd.f32 v24, v23  }
0x6f: {  	v47 =	vld [tilespmem:$0x5460];
	[tilespmem:$0x50A0] =	vst v1;
	v1 =	vadd.f32 v26, v25  }
0x70: {  	v48 =	vld [tilespmem:$0x51F0];
	[tilespmem:$0x50B0] =	vst v3;
	v3 =	vadd.f32 v28, v27  }
0x71: {  	v49 =	vld [tilespmem:$0x5470];
	[tilespmem:$0x50C0] =	vst v1;
	v1 =	vadd.f32 v30, v29  }
0x72: {  	v50 =	vld [tilespmem:$0x5200];
	[tilespmem:$0x50D0] =	vst v3;
	v3 =	vadd.f32 v32, v31  }
0x73: {  	v51 =	vld [tilespmem:$0x5480];
	[tilespmem:$0x50E0] =	vst v1;
	v1 =	vadd.f32 v34, v33  }
0x74: {  	v2 =	vld [tilespmem:$0x53E0];
	[tilespmem:$0x50F0] =	vst v3;
	v3 =	vadd.f32 v36, v35  }
0x75: {  	v4 =	vld [tilespmem:$0x5170];
	[tilespmem:$0x5100] =	vst v1;
	v1 =	vadd.f32 v38, v37  }
0x76: {  	v52 =	vld [tilespmem:$0x5210];
	[tilespmem:$0x5110] =	vst v3;
	v3 =	vadd.f32 v40, v39  }
0x77: {  	v28 =	vld [tilespmem:$0x51D0];
	[tilespmem:$0x5120] =	vst v1;
	v1 =	vadd.f32 v42, v41  }
0x78: {  	v30 =	vld [tilespmem:$0x5450];
	[tilespmem:$0x5130] =	vst v3;
	v3 =	vadd.f32 v44, v43  }
0x79: {  	[tilespmem:$0x5140] =	vst v1;
	v1 =	vadd.f32 v2, v45;
	v2 =	vld [tilespmem:$0x5490]  }
0x7a: {  	[tilespmem:$0x5150] =	vst v3;
	v3 =	vadd.f32 v53, v4;
	v53 =	vld [tilespmem:$0x5220]  }
0x7b: {  	[tilespmem:$0x5160] =	vst v1;
	v1 =	vadd.f32 v55, v54;
	v54 =	vld [tilespmem:$0x54A0]  }
0x7c: {  	[tilespmem:$0x5170] =	vst v3;
	v3 =	vadd.f32 v57, v56;
	v55 =	vld [tilespmem:$0x5230]  }
0x7d: {  	v56 =	vld [tilespmem:$0x54B0];
	[tilespmem:$0x5180] =	vst v1;
	v1 =	vadd.f32 v59, v58  }
0x7e: {  	v57 =	vld [tilespmem:$0x5240];
	[tilespmem:$0x5190] =	vst v3;
	v3 =	vadd.f32 v61, v60  }
0x7f: {  	v58 =	vld [tilespmem:$0x54C0];
	[tilespmem:$0x51A0] =	vst v1;
	v1 =	vadd.f32 v63, v62  }
0x80: {  	v59 =	vld [tilespmem:$0x5250];
	[tilespmem:$0x51B0] =	vst v3;
	v3 =	vadd.f32 v30, v28  }
0x81: {  	v60 =	vld [tilespmem:$0x54D0];
	[tilespmem:$0x51C0] =	vst v1;
	v1 =	vadd.f32 v47, v46  }
0x82: {  	v61 =	vld [tilespmem:$0x5260];
	[tilespmem:$0x51D0] =	vst v3;
	v3 =	vadd.f32 v49, v48  }
0x83: {  	v2 =	vadd.f32 v2, v52;
	v63 =	vld [tilespmem:$0x54F0];
	[tilespmem:$0x51E0] =	vst v1  }
0x84: {  	v1 =	vadd.f32 v51, v50;
	[tilespmem:$0x51F0] =	vst v3;
	v3 =	vld [tilespmem:$0x5270]  }
0x85: {  	v62 =	vld [tilespmem:$0x54E0];
	[tilespmem:$0x5210] =	vst v2;
	v2 =	vadd.f32 v56, v55  }
0x86: {  	[tilespmem:$0x5200] =	vst v1;
	v1 =	vadd.f32 v54, v53  }
0x87: {  	p0 =	sne.s32 s18, $0xF;
	[tilespmem:$0x5230] =	vst v2;
	v2 =	vadd.f32 v60, v59  }
.Ltmp1:
0x88: {  	[tilespmem:$0x5220] =	vst v1;
	v1 =	vadd.f32 v58, v57;
	(pc) =	sbr.rel @p0 .LBB2_4-.Ltmp1, $4  }
0x89: {  	[tilespmem:$0x5250] =	vst v2;
	v2 =	vadd.f32 v63, v3  }
0x8a: {  	[tilespmem:$0x5240] =	vst v1;
	v1 =	vadd.f32 v62, v61  }
0x8b: {  	[tilespmem:$0x5270] =	vst v2  }
0x8c: {  	s17 =	sadd.s32 $0x80, s17;
	s18 =	sadd.s32 $0x1, s18;
	[tilespmem:$0x5260] =	vst v1  }
0x8d: {  	s16 =	sadd.s32 $0x1, s16  }
0x8e: {  	p0 =	sne.s32 s16, s8  }
.Ltmp2:
0x8f: {  	_ = 	snop;
	(pc) =	sbr.rel @p0 .LBB2_1-.Ltmp2, $4  }
0x90: {  	[hbm4b:s7+s11] =	stream.strided.scatter [tilespmem:s13], [sflag:$0x1], $0x280, s15, s11, $0x38;
	[tilespmem:$0x7D00] =	vst v63  }
0x91: {  	_ =	swait.ge [sflag:s10], $0x280  }
0x92: {  	[sflag:s10] =	ssyncset.done $0x0  }
0x93: {  	[sflag:s10] =	ssyncadd.s32 $0xFFFFFD80  }
0x94: {  	_ =	sfence.sel $0x180000  }
0x95: {  	[bflag:$0x0] =	sbarrier.arrive $0xFFFF  }
0x96: {  	p0 =	sne.s32 s1, $0x0;
	_ =	strace $0x90000047  }
0x97: {  	s0 =	sadd.s32 @!p0 $0x100000, s0;
	[bflag:$0x2] =	sbarrier.arrive $0xFFFF  }
0x98: {  	[sflag:s0] =	ssyncadd.tile.s32 @!p0 $0x1;
	_ =	shalt  }
.Lfunc_end2:
_tile_overlayer_lowered:
.L_overlay_start_2:
0x99: {  	(tag) =	ssettag $0x2  }
0x9a: {  	s0 =	rddreg [dreg:$0x0];
	s2 =	stileid.u32  }
0x9b: {  	s1 =	rddreg [dreg:$0x1];
	p0 =	sne.s32 s2, $0x0  }
0x9c: {  	s3 =	rddreg [dreg:$0x2];
	[bflag:$0x3] =	sbarrier.arrive $0xFFFF;
	s2 =	simm.s32 @!p0 $0x1C01  }
0x9d: {  	[timem:s3], [sflag:s2] =	dma.local @!p0 [hbm:s0], s1  }
0x9e: {  	s0 =	simm.s32 @!p0 $0x1  }
0x9f: {  	_ =	swait.ge @!p0 [sflag:s0], s1  }
0xa0: {  	s1 =	ssub.s32 @!p0 $0x0, s1;
	[sflag:s0] =	ssyncset.done @!p0 $0x0  }
0xa1: {  	[sflag:s0] =	ssyncadd.s32 @!p0 s1  }
0xa2: {  	[bflag:$0x3] =	sbarrier.arrive $0xFFFF  }
0xa3: {  	_ =	shalt  }

// kernel: kernel.15.cloned.1.call-start
scs
__scs_entry_jumppad:
0x0: {  	(pc) =	sbr.rel $0x88, $3  }
0x1: {  	(tag) =	ssettag $0x0;
	lr =	simm.s32 $0x1  }
0x2: {  	[smem:$0x3F8F] =	sst lr;
	_ =	strace $0xD0000000  }
0x3: {  	_ = 	snop  }
0x4: {  	_ = 	snop  }
0x5: {  	_ = 	snop  }
0x6: {  	_ = 	snop  }
0x7: {  	_ = 	snop  }
__scs_overlays_trampoline_lowered:
0x8: {  	[smem:$0x3F9E] =	sst s0  }
0x9: {  	[smem:$0x3F9F] =	sst s1  }
0xa: {  	[smem:$0x3FA0] =	sst s2  }
0xb: {  	[smem:$0x3FA1] =	sst s3  }
0xc: {  	[smem:$0x3FA2] =	sst s4  }
0xd: {  	[smem:$0x3FA3] =	sst s5  }
0xe: {  	[smem:$0x3FA4] =	sst s6  }
0xf: {  	[smem:$0x3FA5] =	sst s7  }
0x10: {  	[smem:$0x3FA6] =	sst s8  }
0x11: {  	[smem:$0x3FA7] =	sst s9;
	s0 =	simm.s32 @!p0 $0x0  }
0x12: {  	s1 =	sld [smem:$0x3F8D];
	s0 =	simm.s32 @p0 $0x1  }
0x13: {  	[smem:$0x3FA8] =	sst s0;
	s0 =	simm.s32 @!p1 $0x0  }
0x14: {  	s2 =	sld [smem:$0x3F8C];
	s0 =	simm.s32 @p1 $0x1  }
0x15: {  	[smem:$0x3FA9] =	sst s0;
	s0 =	simm.s32 @!p2 $0x0  }
0x16: {  	s3 =	sld [smem:$0x3FDB];
	s0 =	simm.s32 @p2 $0x1  }
0x17: {  	s4 =	simm.s32 $0x1BF5;
	[smem:$0x3FAB] =	sst s0  }
0x18: {  	s0 =	sld [smem:$0x3F8E];
	_ =	swait.ge [sflag:s4], $0x0  }
0x19: {  	s7 =	sld [smem:$0x3F8F]  }
0x1a: {  	s8 =	sadd.s32 $0xFFFFE003, lr  }
0x1b: {  	s9 =	sadd.s32 $0xFFFFFEF7, lr;
	s5 =	simm.s32 $0xFFFFFFFF;
	p2 =	slt.u32 s8, $0xFFFFF086  }
0x1c: {  	p1 =	slt.u32 s9, $0xF7A;
	s5 =	simm.s32 @!p2 $0x0  }
0x1d: {  	s5 =	simm.s32 @p1 $0x1;
	p0 =	seq.s32 s7, s2  }
0x1e: {  	s7 =	smul.u32 @!p0 $0xF7A, s2;
	p2 =	seq.s32 @!p0 s5, $0x0  }
0x1f: {  	s9 =	smul.u32 $0xF7A, s1;
	s8 =	simm.s32 @!p0 $0x1BF5;
	p2 =	por !p2, p0  }
0x20: {  	[sflag:s8] =	ssyncset.s32 @!p0 $0xFFFFF086;
	s6 =	sadd.s32 @!p0 s3, s7;
	s7 =	simm.s32 @!p0 $0x108  }
0x21: {  	s3 =	sadd.s32 s3, s9;
	s6 =	sadd.s32 @!p0 $0x88, s6;
	s7 =	simm.s32 @p2 $0x1082  }
0x22: {  	[simem:s7], [sflag:s8] =	dma.local @!p0 [hbm:s6], $0xF7A  }
0x23: {  	s9 =	sor.u32 $0xD0000000, s2;
	s6 =	simm.s32 $0x108;
	_ =	swait.ge @!p0 [sflag:s8], $0x0  }
0x24: {  	s3 =	sadd.s32 $0x88, s3;
	s6 =	simm.s32 @!p1 $0x1082;
	[sflag:s4] =	ssyncset.s32 $0xFFFFF086  }
0x25: {  	[simem:s6], [sflag:s4] =	dma.local [hbm:s3], $0xF7A  }
0x26: {  	[smem:$0x3F8F] =	sst s1;
	(tag) =	ssettag s2;
	_ =	strace s9  }
0x27: {  	s1 =	sld [smem:$0x3F9F]  }
0x28: {  	s2 =	sld [smem:$0x3FA0]  }
0x29: {  	s4 =	sld [smem:$0x3FA2]  }
0x2a: {  	p0 =	seq.s32 s5, $0x0;
	s5 =	sld [smem:$0x3FA3]  }
0x2b: {  	s6 =	sld [smem:$0x3FA4]  }
0x2c: {  	s7 =	sld [smem:$0x3FA5]  }
0x2d: {  	s3 =	simm.s32 $0x108;
	s8 =	sld [smem:$0x3FA6]  }
0x2e: {  	s3 =	simm.s32 @!p0 $0x1082;
	s9 =	sld [smem:$0x3FA7]  }
0x2f: {  	lr =	sadd.s32 s0, s3;
	s0 =	sld [smem:$0x3F9E]  }
0x30: {  	s3 =	sld [smem:$0x3FA1]  }
0x31: {  	[smem:$0x3FAA] =	sst s10  }
0x32: {  	s10 =	sld [smem:$0x3FA8];
	_ =	sdelay $0x3  }
0x33: {  	p0 =	seq.s32 s10, $0x1;
	s10 =	sld [smem:$0x3FAA];
	_ =	sdelay $0x3  }
0x34: {  	[smem:$0x3FAA] =	sst s10  }
0x35: {  	s10 =	sld [smem:$0x3FA9];
	_ =	sdelay $0x3  }
0x36: {  	p1 =	seq.s32 s10, $0x1;
	s10 =	sld [smem:$0x3FAA];
	_ =	sdelay $0x3  }
0x37: {  	[smem:$0x3FAA] =	sst s10  }
0x38: {  	s10 =	sld [smem:$0x3FAB]  }
0x39: {  	_ = 	snop;
	(pc) =	sbr.ind lr, $3  }
0x3a: {  	_ = 	snop  }
0x3b: {  	_ = 	snop  }
0x3c: {  	p2 =	seq.s32 s10, $0x1;
	s10 =	sld [smem:$0x3FAA]  }
0x3d: {  	_ =	shalt  }
0x3e: {  	_ =	shalt  }
0x3f: {  	_ =	shalt  }
0x40: {  	_ =	shalt  }
0x41: {  	_ =	shalt  }
0x42: {  	_ =	shalt  }
0x43: {  	_ =	shalt  }
0x44: {  	_ =	shalt  }
0x45: {  	_ =	shalt  }
0x46: {  	_ =	shalt  }
0x47: {  	_ =	shalt  }
0x48: {  	_ =	shalt  }
0x49: {  	_ =	shalt  }
0x4a: {  	_ =	shalt  }
0x4b: {  	_ =	shalt  }
0x4c: {  	_ =	shalt  }
0x4d: {  	_ =	shalt  }
0x4e: {  	_ =	shalt  }
0x4f: {  	_ =	shalt  }
0x50: {  	_ =	shalt  }
0x51: {  	_ =	shalt  }
0x52: {  	_ =	shalt  }
0x53: {  	_ =	shalt  }
0x54: {  	_ =	shalt  }
0x55: {  	_ =	shalt  }
0x56: {  	_ =	shalt  }
0x57: {  	_ =	shalt  }
0x58: {  	_ =	shalt  }
0x59: {  	_ =	shalt  }
0x5a: {  	_ =	shalt  }
0x5b: {  	_ =	shalt  }
0x5c: {  	_ =	shalt  }
0x5d: {  	_ =	shalt  }
0x5e: {  	_ =	shalt  }
0x5f: {  	_ =	shalt  }
0x60: {  	_ =	shalt  }
0x61: {  	_ =	shalt  }
0x62: {  	_ =	shalt  }
0x63: {  	_ =	shalt  }
0x64: {  	_ =	shalt  }
0x65: {  	_ =	shalt  }
0x66: {  	_ =	shalt  }
0x67: {  	_ =	shalt  }
0x68: {  	_ =	shalt  }
0x69: {  	_ =	shalt  }
0x6a: {  	_ =	shalt  }
0x6b: {  	_ =	shalt  }
0x6c: {  	_ =	shalt  }
0x6d: {  	_ =	shalt  }
0x6e: {  	_ =	shalt  }
0x6f: {  	_ =	shalt  }
0x70: {  	_ =	shalt  }
0x71: {  	_ =	shalt  }
0x72: {  	_ =	shalt  }
0x73: {  	_ =	shalt  }
0x74: {  	_ =	shalt  }
0x75: {  	_ =	shalt  }
0x76: {  	_ =	shalt  }
0x77: {  	_ =	shalt  }
0x78: {  	_ =	shalt  }
0x79: {  	_ =	shalt  }
0x7a: {  	_ =	shalt  }
0x7b: {  	_ =	shalt  }
0x7c: {  	_ =	shalt  }
0x7d: {  	_ =	shalt  }
0x7e: {  	_ =	shalt  }
0x7f: {  	_ =	shalt  }
0x80: {  	_ =	shalt  }
0x81: {  	_ =	shalt  }
0x82: {  	_ =	shalt  }
0x83: {  	_ =	shalt  }
0x84: {  	_ =	shalt  }
0x85: {  	_ =	shalt  }
0x86: {  	_ =	shalt  }
0x87: {  	_ =	shalt  }
.Lfunc_end0:
.L_simem_size_0:
called_computation.1_lowered:
.L_overlay_start_0:
0x88: {  	s2 =	sld [smem:$0x3FD9]  }
0x89: {  	s3 =	sld [smem:$0x3FFE];
	_ =	sdelay $0x1  }
0x8a: {  	s1 =	srdreg.scid  }
0x8b: {  	s0 =	sand.u32 $0x1, s1  }
0x8c: {  	s17 =	sshll.u32 s0, $0xA;
	s2 =	sadd.s32 s3, s2  }
0x8d: {  	s2 =	sadd.s32 s2, s17  }
0x8e: {  	[smem:$0x3FB6] =	sst s2  }
0x8f: {  	_ = 	snop  }
0x90: {  	s2 =	sld [smem:$0x3FD0];
	(tm) =	ssettm $0x1  }
0x91: {  	s18 =	sld [smem:$0x3FFB];
	_ =	sdelay $0x3  }
0x92: {  	_ =	strace s18  }
0x93: {  	s3 =	sld [smem:$0x3FFC];
	_ =	sdelay $0x3  }
0x94: {  	_ =	strace s3  }
0x95: {  	s3 =	sld [smem:$0x3FFD];
	_ =	sdelay $0x3  }
0x96: {  	_ =	strace s3  }
0x97: {  	_ =	strace $0x8FFFFFFF  }
0x98: {  	s19 =	sld [smem:$0x3FDB];
	_ =	sdelay $0x1  }
0x99: {  	s4 =	simm.s32 $_scs_section_size  }
0x9a: {  	s5 =	simm.s32 $_size__tile_overlayer_lowered;
	s6 =	simm.s32 $_tile_overlayer_lowered  }
0x9b: {  	s22 =	simm.s32 $0x1BFF;
	s21 =	sshll.u32 s6, $0x1;
	s3 =	sadd.s32 s4, s19  }
0x9c: {  	s7 =	simm.s32 $0x0;
	s20 =	sshll.u32 s5, $0x1;
	s5 =	sadd.s32 s21, s3  }
0x9d: {  	[timem:s7], [sflag:s22] =	dma.local [hbm:s5], s20  }
0x9e: {  	_ =	swait.ge [sflag:s22], s20  }
0x9f: {  	s4 =	ssub.s32 $0x0, s20;
	[sflag:s22] =	ssyncset.done $0x0  }
0xa0: {  	[sflag:s22] =	ssyncadd.s32 s4;
	_ =	sdelay $0x1  }
0xa1: {  	s23 =	simm.s32 $0x1B8B  }
0xa2: {  	_ =	swait.ge [sflag:s23], $0x1  }
0xa3: {  	[sflag:s23] =	ssyncset.done $0x0  }
0xa4: {  	s25 =	simm.s32 $0x1B8E;
	s24 =	sld [smem:$0x3FFE];
	[sflag:s23] =	ssyncadd.s32 $0xFFFFFFFF  }
0xa5: {  	s26 =	simm.s32 $execute0_lowered;
	[smem:$0x3FD2] =	sst s25  }
0xa6: {  	s5 =	sshll.u32 s26, $0x1;
	_ =	strace $0x80000049;
	[dreg:$0x1] =	wrdreg $0xFFFFFFFF  }
0xa7: {  	s28 =	simm.s32 $_size_execute0_lowered;
	s3 =	sadd.s32 s3, s5;
	[dreg:$0x0] =	wrdreg $0x0  }
0xa8: {  	s5 =	sshll.u32 s28, $0x1;
	[dreg:$0x2] =	wrdreg s3  }
0xa9: {  	[dreg:$0x3] =	wrdreg s5  }
0xaa: {  	[dreg:$0x4] =	wrdreg $0xC0  }
0xab: {  	_ =	task [dreg:s7], $0x5FFFF  }
0xac: {  	[dreg:$0x1] =	wrdreg $0xFFFFFFFF  }
0xad: {  	[dreg:$0x0] =	wrdreg $0x60  }
0xae: {  	[dreg:$0x2] =	wrdreg s24  }
0xaf: {  	[dreg:$0x3] =	wrdreg s2  }
0xb0: {  	[dreg:$0x4] =	wrdreg $0xA8000  }
0xb1: {  	[dreg:$0x5] =	wrdreg $0x9  }
0xb2: {  	_ =	task.clear_ibuf [dreg:s7], $0x6FFFF;
	_ =	strace $0x90000049  }
0xb3: {  	s29 =	simm.s32 $0x9;
	_ =	strace $0x8000004B  }
0xb4: {  	_ =	swait.ge [sflag:s29], $0x1  }
0xb5: {  	[sflag:s29] =	ssyncadd.s32 $0xFFFFFFFF  }
0xb6: {  	_ =	strace $0x9000004B  }
0xb7: {  	_ =	sfence  }
0xb8: {  	s30 =	sld [smem:$0x0];
	_ =	sdelay $0x2  }
0xb9: {  	s31 =	sshll.u32 s1, $0xD;
	s1 =	sshrl.u32 s1, $0x2  }
0xba: {  	s3 =	sand.u32 $0x4000, s31;
	s1 =	sadd.s32 s1, s30  }
0xbb: {  	s0 =	sor.u32 s3, s0;
	s1 =	sshll.u32 s1, $0x11  }
0xbc: {  	s0 =	sor.u32 s1, s0  }
0xbd: {  	s0 =	sadd.s32 $0x8F2B, s0  }
0xbe: {  	[sflag:s0] =	ssyncadd.remote.s32 $0x1  }
0xbf: {  	_ =	sfence.sel $0xFFFF  }
0xc0: {  	[dreg:$0x0] =	wrdreg $0xFFFFFFFF;
	(pc) =	sbr.abs _section_cstart, $3  }
0xc1: {  	[dreg:$0x1] =	wrdreg $0xFFFFFFFF  }
0xc2: {  	_ =	task.clear_ibuf [dreg:s7], $0x2FFFF;
	_ =	strace $0x9FFFFFFF  }
0xc3: {  	(tm) =	ssettm $0x7FFFFFFF  }
tec
execute0_lowered:
.L_overlay_start_1:
0x0: {  	(tag) =	ssettag $0x1  }
0x1: {  	s8 =	rddreg [dreg:$0x0]  }
0x2: {  	s2 =	rddreg [dreg:$0x1];
	s0 =	srdreg.scid  }
0x3: {  	s3 =	rddreg [dreg:$0x2];
	s1 =	stileid.u32  }
0x4: {  	s4 =	simm.s32 $0x0;
	s15 =	simm.s32 $0x80;
	s16 =	simm.s32 $0x2800  }
0x5: {  	s17 =	simm.s32 $0x6800;
	s18 =	simm.s32 $0x1;
	s19 =	simm.s32 $0x2  }
0x6: {  	s20 =	sand.u32 $0x1, s0;
	s0 =	rddreg [dreg:$0x3];
	s7 =	smul.u32 $0x14000, s1  }
0x7: {  	s21 =	simm.s32 $0x2780;
	[smem:$0x7FF] =	sst s4;
	s10 =	smul.u32 $0x50000, s1  }
0x8: {  	s5 =	sadd.s32 $0x19600, s8;
	s12 =	smul.u32 $0x28, s1;
	s31 =	sshll.u32 s1, $0x6  }
0x9: {  	s6 =	smul.u32 $0x140000, s20;
	_ =	strace $0x8000004A;
	s29 =	ssub.s32 $0x2, s20  }
0xa: {  	p0 =	seq.s32 s20, $0x0;
	s30 =	sshrl.u32 s29, $0x1;
	s10 =	sshrl.u32 s10, $0x2  }
0xb: {  	s7 =	sadd.s32 s7, s6;
	s6 =	sadd.s32 $0xF600, s8;
	s13 =	ssub.s32 s29, s30  }
0xc: {  	s14 =	sadd.s32 s10, s3;
	s10 =	smul.u32 $0x78, s1;
	s9 =	sshrl.u32 s7, $0x3  }
0xd: {  	s7 =	sadd.s32 $0x4600, s8;
	s11 =	sadd.s32 s9, s8;
	s8 =	sadd.s32 $0x780, s12  }
0xe: {  	s9 =	sor.u32 $0x1C03, s31;
	s12 =	sshrl.u32 s14, $0x3;
	s14 =	simm.s32 $0x1400  }
0xf: {  	s8 =	smov.u32 @p0 s10;
	s10 =	sadd.s32 $0x41600, s11;
	s11 =	smax.u32 s13, $0x1  }
0x10: {  	s13 =	simm.s32 $0x3;
	p0 =	sne.s32 s20, $0x0;
	s20 =	simm.s32 $0x2700  }
.LBB2_1:
0x11: {  	[spmem:s12], [sflag:s9] =	dma.local [hbm:s7], $0x2800  }
0x12: {  	_ =	swait.ge [sflag:s13], $0x2800  }
0x13: {  	[sflag:s13] =	ssyncset.done $0x0  }
0x14: {  	[sflag:s13] =	ssyncadd.s32 $0xFFFFD800  }
0x15: {  	s22 =	simm.s32 $0x0;
	[bflag:$0x0] =	sbarrier.arrive $0xFFFF  }
.LBB2_2:
0x16: {  	s23 =	smul.u32 $0x28, s22;
	_ =	sdelay $0x1  }
0x17: {  	s23 =	sadd.s32 s8, s23  }
0x18: {  	s23 =	sshll.u32 s23, $0x4  }
0x19: {  	s25 =	simm.s32 $0x0;
	s24 =	sadd.s32 s6, s23  }
0x1a: {  	[tilespmem:s25], [sflag:$0x3] =	stream.linear.gather [hbm4b:s24+s25], $0x1400, $0x38;
	[tilespmem:$0x1E800] =	vst v63  }
0x1b: {  	_ =	swait.ge [sflag:s13], $0x1400  }
0x1c: {  	[sflag:s13] =	ssyncset.done $0x0  }
0x1d: {  	s23 =	sadd.s32 s2, s23;
	[sflag:s13] =	ssyncadd.s32 $0xFFFFEC00  }
0x1e: {  	[tilespmem:s14], [sflag:$0x3] =	stream.linear.gather [hbm4b:s23+s25], $0x1400, $0x38;
	[tilespmem:$0x1E800] =	vst v63  }
0x1f: {  	_ =	swait.ge [sflag:s13], $0x1400  }
0x20: {  	[sflag:s13] =	ssyncset.done $0x0  }
0x21: {  	[sflag:s13] =	ssyncadd.s32 $0xFFFFEC00  }
0x22: {  	[tilespmem:s16], [sflag:$0x1] =	stream.indirect.gather [hbm4b:s5+s15], $0x80, s25, s15, $0xb8;
	[tilespmem:$0x1E800] =	vst v63  }
0x23: {  	_ = 	snop  }
0x24: {  	[tilespmem:s17], [sflag:$0x2] =	stream.indirect.gather [hbm4b:s5+s15], $0x80, s15, s15, $0xb8;
	[tilespmem:$0x1E800] =	vst v63  }
0x25: {  	_ =	swait.ge [sflag:s18], $0x4000  }
0x26: {  	[sflag:s18] =	ssyncset.done $0x0  }
0x27: {  	s29 =	simm.s32 $0x1400;
	[sflag:s18] =	ssyncadd.s32 $0xFFFFC000  }
0x28: {  	[spmem:s3] =	stream.indirect.scatter.add.f32 [tilespmem:s16], [sflag:$0x3], $0x80, s29, s15, $0xb8;
	[tilespmem:$0x1E800] =	vst v63  }
0x29: {  	_ =	swait.ge [sflag:s13], $0x4000  }
0x2a: {  	[sflag:s13] =	ssyncset.done $0x0  }
0x2b: {  	s30 =	simm.s32 $0x100;
	[sflag:s13] =	ssyncadd.s32 $0xFFFFC000  }
0x2c: {  	[tilespmem:s16], [sflag:$0x1] =	stream.indirect.gather [hbm4b:s5+s15], $0x80, s30, s15, $0xb8;
	[tilespmem:$0x1E800] =	vst v63  }
0x2d: {  	_ =	swait.ge [sflag:s19], $0x4000  }
0x2e: {  	[sflag:s19] =	ssyncset.done $0x0  }
0x2f: {  	s31 =	simm.s32 $0x1480;
	[sflag:s19] =	ssyncadd.s32 $0xFFFFC000  }
0x30: {  	[spmem:s3] =	stream.indirect.scatter.add.f32 [tilespmem:s17], [sflag:$0x3], $0x80, s31, s15, $0xb8;
	[tilespmem:$0x1E800] =	vst v63  }
0x31: {  	_ =	swait.ge [sflag:s13], $0x4000  }
0x32: {  	[sflag:s13] =	ssyncset.done $0x0  }
0x33: {  	s24 =	simm.s32 $0x180;
	s23 =	simm.s32 $0x400;
	[sflag:s13] =	ssyncadd.s32 $0xFFFFC000  }
.LBB2_3:
0x34: {  	[tilespmem:s17], [sflag:$0x2] =	stream.indirect.gather [hbm4b:s5+s15], $0x80, s24, s15, $0xb8;
	[tilespmem:$0x1E800] =	vst v63  }
0x35: {  	s24 =	smov.u32 s23  }
0x36: {  	p1 =	sne.s32 s23, $0x4800;
	s23 =	sadd.s32 $0x400, s23;
	_ =	swait.ge [sflag:s18], $0x4000  }
0x37: {  	s24 =	sshra.s32 s24, $0x2;
	[sflag:s18] =	ssyncset.done $0x0  }
0x38: {  	s25 =	sadd.s32 $0x1400, s24;
	[sflag:s18] =	ssyncadd.s32 $0xFFFFC000  }
0x39: {  	[spmem:s3] =	stream.indirect.scatter.add.f32 [tilespmem:s16], [sflag:$0x3], $0x80, s25, s15, $0xb8;
	[tilespmem:$0x1E800] =	vst v63  }
0x3a: {  	_ =	swait.ge [sflag:s13], $0x4000  }
0x3b: {  	[sflag:s13] =	ssyncset.done $0x0  }
0x3c: {  	s25 =	sadd.s32 $0x100, s24;
	[sflag:s13] =	ssyncadd.s32 $0xFFFFC000  }
0x3d: {  	[tilespmem:s16], [sflag:$0x1] =	stream.indirect.gather [hbm4b:s5+s15], $0x80, s25, s15, $0xb8;
	[tilespmem:$0x1E800] =	vst v63  }
0x3e: {  	_ =	swait.ge [sflag:s19], $0x4000  }
0x3f: {  	[sflag:s19] =	ssyncset.done $0x0  }
.Ltmp0:
0x40: {  	s25 =	sadd.s32 $0x1480, s24;
	[sflag:s19] =	ssyncadd.s32 $0xFFFFC000;
	(pc) =	sbr.rel @p1 .LBB2_3-.Ltmp0, $4  }
0x41: {  	[spmem:s3] =	stream.indirect.scatter.add.f32 [tilespmem:s17], [sflag:$0x3], $0x80, s25, s15, $0xb8;
	[tilespmem:$0x1E800] =	vst v63  }
0x42: {  	_ =	swait.ge [sflag:s13], $0x4000  }
0x43: {  	[sflag:s13] =	ssyncset.done $0x0  }
0x44: {  	s24 =	sadd.s32 $0x180, s24;
	[sflag:s13] =	ssyncadd.s32 $0xFFFFC000  }
0x45: {  	[tilespmem:s17], [sflag:$0x2] =	stream.indirect.gather [hbm4b:s5+s15], $0x80, s24, s15, $0xb8;
	[tilespmem:$0x1E800] =	vst v63  }
0x46: {  	_ =	swait.ge [sflag:s18], $0x4000  }
0x47: {  	[sflag:s18] =	ssyncset.done $0x0  }
0x48: {  	[sflag:s18] =	ssyncadd.s32 $0xFFFFC000  }
0x49: {  	[spmem:s3] =	stream.indirect.scatter.add.f32 [tilespmem:s16], [sflag:$0x3], $0x80, s20, s15, $0xb8;
	[tilespmem:$0x1E800] =	vst v63  }
0x4a: {  	_ =	swait.ge [sflag:s13], $0x4000  }
0x4b: {  	[sflag:s13] =	ssyncset.done $0x0  }
0x4c: {  	[sflag:s13] =	ssyncadd.s32 $0xFFFFC000  }
0x4d: {  	p1 =	slt.u32 @!p0 s22, $0x2;
	_ =	swait.ge [sflag:s19], $0x4000  }
0x4e: {  	p1 =	por p0, !p1;
	[sflag:s19] =	ssyncset.done $0x0  }
.Ltmp1:
0x4f: {  	[sflag:s19] =	ssyncadd.s32 $0xFFFFC000;
	(pc) =	sbr.rel @!p1 .LBB2_2-.Ltmp1, $4  }
0x50: {  	[spmem:s3] =	stream.indirect.scatter.add.f32 [tilespmem:s17], [sflag:$0x3], $0x80, s21, s15, $0xb8;
	[tilespmem:$0x1E800] =	vst v63  }
0x51: {  	_ =	swait.ge [sflag:s13], $0x4000  }
0x52: {  	[sflag:s13] =	ssyncset.done $0x0  }
0x53: {  	s22 =	sadd.s32 $0x1, s22;
	[sflag:s13] =	ssyncadd.s32 $0xFFFFC000  }
0x54: {  	s4 =	sadd.s32 $0x1, s4  }
0x55: {  	p1 =	sne.s32 s4, s11  }
.Ltmp2:
0x56: {  	[bflag:$0x0] =	sbarrier.arrive $0xFFFF;
	(pc) =	sbr.rel @p1 .LBB2_1-.Ltmp2, $4  }
0x57: {  	[hbm:s10], [sflag:s9] =	dma.local [spmem:s12], $0x2800  }
0x58: {  	_ =	swait.ge [sflag:s13], $0x2800  }
0x59: {  	[sflag:s13] =	ssyncset.done $0x0  }
0x5a: {  	[sflag:s13] =	ssyncadd.s32 $0xFFFFD800  }
0x5b: {  	_ =	sfence.sel $0x180000  }
0x5c: {  	[bflag:$0x0] =	sbarrier.arrive $0xFFFF  }
0x5d: {  	p0 =	sne.s32 s1, $0x0;
	_ =	strace $0x9000004A  }
0x5e: {  	s0 =	sadd.s32 @!p0 $0x100000, s0;
	[bflag:$0x2] =	sbarrier.arrive $0xFFFF  }
0x5f: {  	[sflag:s0] =	ssyncadd.tile.s32 @!p0 $0x1;
	_ =	shalt  }
.Lfunc_end2:
_tile_overlayer_lowered:
.L_overlay_start_2:
0x60: {  	(tag) =	ssettag $0x2  }
0x61: {  	s0 =	rddreg [dreg:$0x0];
	s2 =	stileid.u32  }
0x62: {  	s1 =	rddreg [dreg:$0x1];
	p0 =	sne.s32 s2, $0x0  }
0x63: {  	s3 =	rddreg [dreg:$0x2];
	[bflag:$0x3] =	sbarrier.arrive $0xFFFF;
	s2 =	simm.s32 @!p0 $0x1C03  }
0x64: {  	[timem:s3], [sflag:s2] =	dma.local @!p0 [hbm:s0], s1  }
0x65: {  	s0 =	simm.s32 @!p0 $0x3  }
0x66: {  	_ =	swait.ge @!p0 [sflag:s0], s1  }
0x67: {  	s1 =	ssub.s32 @!p0 $0x0, s1;
	[sflag:s0] =	ssyncset.done @!p0 $0x0  }
0x68: {  	[sflag:s0] =	ssyncadd.s32 @!p0 s1  }
0x69: {  	[bflag:$0x3] =	sbarrier.arrive $0xFFFF  }
0x6a: {  	_ =	shalt  }

// kernel: kernel.18.cloned.1.call-start
scs
__scs_entry_jumppad:
0x0: {  	(pc) =	sbr.rel $0x88, $3  }
0x1: {  	(tag) =	ssettag $0x0;
	lr =	simm.s32 $0x1  }
0x2: {  	[smem:$0x3F8F] =	sst lr;
	_ =	strace $0xD0000000  }
0x3: {  	_ = 	snop  }
0x4: {  	_ = 	snop  }
0x5: {  	_ = 	snop  }
0x6: {  	_ = 	snop  }
0x7: {  	_ = 	snop  }
__scs_overlays_trampoline_lowered:
0x8: {  	[smem:$0x3F9E] =	sst s0  }
0x9: {  	[smem:$0x3F9F] =	sst s1  }
0xa: {  	[smem:$0x3FA0] =	sst s2  }
0xb: {  	[smem:$0x3FA1] =	sst s3  }
0xc: {  	[smem:$0x3FA2] =	sst s4  }
0xd: {  	[smem:$0x3FA3] =	sst s5  }
0xe: {  	[smem:$0x3FA4] =	sst s6  }
0xf: {  	[smem:$0x3FA5] =	sst s7  }
0x10: {  	[smem:$0x3FA6] =	sst s8  }
0x11: {  	[smem:$0x3FA7] =	sst s9;
	s0 =	simm.s32 @!p0 $0x0  }
0x12: {  	s1 =	sld [smem:$0x3F8D];
	s0 =	simm.s32 @p0 $0x1  }
0x13: {  	[smem:$0x3FA8] =	sst s0;
	s0 =	simm.s32 @!p1 $0x0  }
0x14: {  	s2 =	sld [smem:$0x3F8C];
	s0 =	simm.s32 @p1 $0x1  }
0x15: {  	[smem:$0x3FA9] =	sst s0;
	s0 =	simm.s32 @!p2 $0x0  }
0x16: {  	s3 =	sld [smem:$0x3FDB];
	s0 =	simm.s32 @p2 $0x1  }
0x17: {  	s4 =	simm.s32 $0x1BF5;
	[smem:$0x3FAB] =	sst s0  }
0x18: {  	s0 =	sld [smem:$0x3F8E];
	_ =	swait.ge [sflag:s4], $0x0  }
0x19: {  	s7 =	sld [smem:$0x3F8F]  }
0x1a: {  	s8 =	sadd.s32 $0xFFFFE003, lr  }
0x1b: {  	s9 =	sadd.s32 $0xFFFFFEF7, lr;
	s5 =	simm.s32 $0xFFFFFFFF;
	p2 =	slt.u32 s8, $0xFFFFF086  }
0x1c: {  	p1 =	slt.u32 s9, $0xF7A;
	s5 =	simm.s32 @!p2 $0x0  }
0x1d: {  	s5 =	simm.s32 @p1 $0x1;
	p0 =	seq.s32 s7, s2  }
0x1e: {  	s7 =	smul.u32 @!p0 $0xF7A, s2;
	p2 =	seq.s32 @!p0 s5, $0x0  }
0x1f: {  	s9 =	smul.u32 $0xF7A, s1;
	s8 =	simm.s32 @!p0 $0x1BF5;
	p2 =	por !p2, p0  }
0x20: {  	[sflag:s8] =	ssyncset.s32 @!p0 $0xFFFFF086;
	s6 =	sadd.s32 @!p0 s3, s7;
	s7 =	simm.s32 @!p0 $0x108  }
0x21: {  	s3 =	sadd.s32 s3, s9;
	s6 =	sadd.s32 @!p0 $0x88, s6;
	s7 =	simm.s32 @p2 $0x1082  }
0x22: {  	[simem:s7], [sflag:s8] =	dma.local @!p0 [hbm:s6], $0xF7A  }
0x23: {  	s9 =	sor.u32 $0xD0000000, s2;
	s6 =	simm.s32 $0x108;
	_ =	swait.ge @!p0 [sflag:s8], $0x0  }
0x24: {  	s3 =	sadd.s32 $0x88, s3;
	s6 =	simm.s32 @!p1 $0x1082;
	[sflag:s4] =	ssyncset.s32 $0xFFFFF086  }
0x25: {  	[simem:s6], [sflag:s4] =	dma.local [hbm:s3], $0xF7A  }
0x26: {  	[smem:$0x3F8F] =	sst s1;
	(tag) =	ssettag s2;
	_ =	strace s9  }
0x27: {  	s1 =	sld [smem:$0x3F9F]  }
0x28: {  	s2 =	sld [smem:$0x3FA0]  }
0x29: {  	s4 =	sld [smem:$0x3FA2]  }
0x2a: {  	p0 =	seq.s32 s5, $0x0;
	s5 =	sld [smem:$0x3FA3]  }
0x2b: {  	s6 =	sld [smem:$0x3FA4]  }
0x2c: {  	s7 =	sld [smem:$0x3FA5]  }
0x2d: {  	s3 =	simm.s32 $0x108;
	s8 =	sld [smem:$0x3FA6]  }
0x2e: {  	s3 =	simm.s32 @!p0 $0x1082;
	s9 =	sld [smem:$0x3FA7]  }
0x2f: {  	lr =	sadd.s32 s0, s3;
	s0 =	sld [smem:$0x3F9E]  }
0x30: {  	s3 =	sld [smem:$0x3FA1]  }
0x31: {  	[smem:$0x3FAA] =	sst s10  }
0x32: {  	s10 =	sld [smem:$0x3FA8];
	_ =	sdelay $0x3  }
0x33: {  	p0 =	seq.s32 s10, $0x1;
	s10 =	sld [smem:$0x3FAA];
	_ =	sdelay $0x3  }
0x34: {  	[smem:$0x3FAA] =	sst s10  }
0x35: {  	s10 =	sld [smem:$0x3FA9];
	_ =	sdelay $0x3  }
0x36: {  	p1 =	seq.s32 s10, $0x1;
	s10 =	sld [smem:$0x3FAA];
	_ =	sdelay $0x3  }
0x37: {  	[smem:$0x3FAA] =	sst s10  }
0x38: {  	s10 =	sld [smem:$0x3FAB]  }
0x39: {  	_ = 	snop;
	(pc) =	sbr.ind lr, $3  }
0x3a: {  	_ = 	snop  }
0x3b: {  	_ = 	snop  }
0x3c: {  	p2 =	seq.s32 s10, $0x1;
	s10 =	sld [smem:$0x3FAA]  }
0x3d: {  	_ =	shalt  }
0x3e: {  	_ =	shalt  }
0x3f: {  	_ =	shalt  }
0x40: {  	_ =	shalt  }
0x41: {  	_ =	shalt  }
0x42: {  	_ =	shalt  }
0x43: {  	_ =	shalt  }
0x44: {  	_ =	shalt  }
0x45: {  	_ =	shalt  }
0x46: {  	_ =	shalt  }
0x47: {  	_ =	shalt  }
0x48: {  	_ =	shalt  }
0x49: {  	_ =	shalt  }
0x4a: {  	_ =	shalt  }
0x4b: {  	_ =	shalt  }
0x4c: {  	_ =	shalt  }
0x4d: {  	_ =	shalt  }
0x4e: {  	_ =	shalt  }
0x4f: {  	_ =	shalt  }
0x50: {  	_ =	shalt  }
0x51: {  	_ =	shalt  }
0x52: {  	_ =	shalt  }
0x53: {  	_ =	shalt  }
0x54: {  	_ =	shalt  }
0x55: {  	_ =	shalt  }
0x56: {  	_ =	shalt  }
0x57: {  	_ =	shalt  }
0x58: {  	_ =	shalt  }
0x59: {  	_ =	shalt  }
0x5a: {  	_ =	shalt  }
0x5b: {  	_ =	shalt  }
0x5c: {  	_ =	shalt  }
0x5d: {  	_ =	shalt  }
0x5e: {  	_ =	shalt  }
0x5f: {  	_ =	shalt  }
0x60: {  	_ =	shalt  }
0x61: {  	_ =	shalt  }
0x62: {  	_ =	shalt  }
0x63: {  	_ =	shalt  }
0x64: {  	_ =	shalt  }
0x65: {  	_ =	shalt  }
0x66: {  	_ =	shalt  }
0x67: {  	_ =	shalt  }
0x68: {  	_ =	shalt  }
0x69: {  	_ =	shalt  }
0x6a: {  	_ =	shalt  }
0x6b: {  	_ =	shalt  }
0x6c: {  	_ =	shalt  }
0x6d: {  	_ =	shalt  }
0x6e: {  	_ =	shalt  }
0x6f: {  	_ =	shalt  }
0x70: {  	_ =	shalt  }
0x71: {  	_ =	shalt  }
0x72: {  	_ =	shalt  }
0x73: {  	_ =	shalt  }
0x74: {  	_ =	shalt  }
0x75: {  	_ =	shalt  }
0x76: {  	_ =	shalt  }
0x77: {  	_ =	shalt  }
0x78: {  	_ =	shalt  }
0x79: {  	_ =	shalt  }
0x7a: {  	_ =	shalt  }
0x7b: {  	_ =	shalt  }
0x7c: {  	_ =	shalt  }
0x7d: {  	_ =	shalt  }
0x7e: {  	_ =	shalt  }
0x7f: {  	_ =	shalt  }
0x80: {  	_ =	shalt  }
0x81: {  	_ =	shalt  }
0x82: {  	_ =	shalt  }
0x83: {  	_ =	shalt  }
0x84: {  	_ =	shalt  }
0x85: {  	_ =	shalt  }
0x86: {  	_ =	shalt  }
0x87: {  	_ =	shalt  }
.Lfunc_end0:
.L_simem_size_0:
called_computation.2_lowered:
.L_overlay_start_0:
0x88: {  	s2 =	sld [smem:$0x3FD9]  }
0x89: {  	s3 =	sld [smem:$0x3FFE];
	_ =	sdelay $0x1  }
0x8a: {  	s1 =	srdreg.scid  }
0x8b: {  	s0 =	sand.u32 $0x1, s1  }
0x8c: {  	s17 =	sshll.u32 s0, $0xA;
	s2 =	sadd.s32 s3, s2  }
0x8d: {  	s2 =	sadd.s32 s2, s17  }
0x8e: {  	[smem:$0x3FB6] =	sst s2  }
0x8f: {  	_ = 	snop  }
0x90: {  	s2 =	sld [smem:$0x3FD0];
	(tm) =	ssettm $0x1  }
0x91: {  	s18 =	sld [smem:$0x3FFB];
	_ =	sdelay $0x3  }
0x92: {  	_ =	strace s18  }
0x93: {  	s3 =	sld [smem:$0x3FFC];
	_ =	sdelay $0x3  }
0x94: {  	_ =	strace s3  }
0x95: {  	s3 =	sld [smem:$0x3FFD];
	_ =	sdelay $0x3  }
0x96: {  	_ =	strace s3  }
0x97: {  	_ =	strace $0x8FFFFFFF  }
0x98: {  	s19 =	sld [smem:$0x3FDB];
	_ =	sdelay $0x1  }
0x99: {  	s4 =	simm.s32 $_scs_section_size  }
0x9a: {  	s5 =	simm.s32 $_size__tile_overlayer_lowered;
	s6 =	simm.s32 $_tile_overlayer_lowered  }
0x9b: {  	s22 =	simm.s32 $0x1BFF;
	s21 =	sshll.u32 s6, $0x1;
	s3 =	sadd.s32 s4, s19  }
0x9c: {  	s7 =	simm.s32 $0x0;
	s20 =	sshll.u32 s5, $0x1;
	s5 =	sadd.s32 s21, s3  }
0x9d: {  	[timem:s7], [sflag:s22] =	dma.local [hbm:s5], s20  }
0x9e: {  	_ =	swait.ge [sflag:s22], s20  }
0x9f: {  	s4 =	ssub.s32 $0x0, s20;
	[sflag:s22] =	ssyncset.done $0x0  }
0xa0: {  	[sflag:s22] =	ssyncadd.s32 s4;
	_ =	sdelay $0x1  }
0xa1: {  	s23 =	simm.s32 $0x1B8B  }
0xa2: {  	_ =	swait.ge [sflag:s23], $0x1  }
0xa3: {  	[sflag:s23] =	ssyncset.done $0x0  }
0xa4: {  	s25 =	simm.s32 $0x1B8E;
	s24 =	sld [smem:$0x3FFE];
	[sflag:s23] =	ssyncadd.s32 $0xFFFFFFFF  }
0xa5: {  	s26 =	simm.s32 $execute0_lowered;
	[smem:$0x3FD2] =	sst s25  }
0xa6: {  	s5 =	sshll.u32 s26, $0x1;
	_ =	strace $0x8000004C;
	[dreg:$0x1] =	wrdreg $0xFFFFFFFF  }
0xa7: {  	s28 =	simm.s32 $_size_execute0_lowered;
	s3 =	sadd.s32 s3, s5;
	[dreg:$0x0] =	wrdreg $0x0  }
0xa8: {  	s5 =	sshll.u32 s28, $0x1;
	[dreg:$0x2] =	wrdreg s3  }
0xa9: {  	[dreg:$0x3] =	wrdreg s5  }
0xaa: {  	[dreg:$0x4] =	wrdreg $0xC0  }
0xab: {  	_ =	task [dreg:s7], $0x5FFFF  }
0xac: {  	[dreg:$0x1] =	wrdreg $0xFFFFFFFF  }
0xad: {  	[dreg:$0x0] =	wrdreg $0x60  }
0xae: {  	[dreg:$0x2] =	wrdreg s24  }
0xaf: {  	[dreg:$0x3] =	wrdreg s2  }
0xb0: {  	[dreg:$0x4] =	wrdreg $0xA8000  }
0xb1: {  	[dreg:$0x5] =	wrdreg $0x9  }
0xb2: {  	_ =	task.clear_ibuf [dreg:s7], $0x6FFFF;
	_ =	strace $0x9000004C  }
0xb3: {  	s29 =	simm.s32 $0x9;
	_ =	strace $0x8000004E  }
0xb4: {  	_ =	swait.ge [sflag:s29], $0x1  }
0xb5: {  	[sflag:s29] =	ssyncadd.s32 $0xFFFFFFFF  }
0xb6: {  	_ =	strace $0x9000004E  }
0xb7: {  	_ =	sfence  }
0xb8: {  	s30 =	sld [smem:$0x0];
	_ =	sdelay $0x2  }
0xb9: {  	s31 =	sshll.u32 s1, $0xD;
	s1 =	sshrl.u32 s1, $0x2  }
0xba: {  	s3 =	sand.u32 $0x4000, s31;
	s1 =	sadd.s32 s1, s30  }
0xbb: {  	s0 =	sor.u32 s3, s0;
	s1 =	sshll.u32 s1, $0x11  }
0xbc: {  	s0 =	sor.u32 s1, s0  }
0xbd: {  	s0 =	sadd.s32 $0x8F2B, s0  }
0xbe: {  	[sflag:s0] =	ssyncadd.remote.s32 $0x1  }
0xbf: {  	_ =	sfence.sel $0xFFFF  }
0xc0: {  	[dreg:$0x0] =	wrdreg $0xFFFFFFFF;
	(pc) =	sbr.abs _section_cstart, $3  }
0xc1: {  	[dreg:$0x1] =	wrdreg $0xFFFFFFFF  }
0xc2: {  	_ =	task.clear_ibuf [dreg:s7], $0x2FFFF;
	_ =	strace $0x9FFFFFFF  }
0xc3: {  	(tm) =	ssettm $0x7FFFFFFF  }
tec
execute0_lowered:
.L_overlay_start_1:
0x0: {  	(tag) =	ssettag $0x1  }
0x1: {  	s8 =	rddreg [dreg:$0x0]  }
0x2: {  	s2 =	rddreg [dreg:$0x1];
	s0 =	srdreg.scid  }
0x3: {  	s3 =	rddreg [dreg:$0x2];
	s1 =	stileid.u32  }
0x4: {  	s4 =	simm.s32 $0x0;
	s15 =	simm.s32 $0x80;
	s16 =	simm.s32 $0x2800  }
0x5: {  	s17 =	simm.s32 $0x6800;
	s18 =	simm.s32 $0x1;
	s19 =	simm.s32 $0x2  }
0x6: {  	s20 =	sand.u32 $0x1, s0;
	s0 =	rddreg [dreg:$0x3];
	s7 =	smul.u32 $0x14000, s1  }
0x7: {  	s21 =	simm.s32 $0x2780;
	[smem:$0x7FF] =	sst s4;
	s10 =	smul.u32 $0x50000, s1  }
0x8: {  	s5 =	sadd.s32 $0x19600, s8;
	s12 =	smul.u32 $0x28, s1;
	s31 =	sshll.u32 s1, $0x6  }
0x9: {  	s6 =	smul.u32 $0x140000, s20;
	_ =	strace $0x8000004D;
	s29 =	ssub.s32 $0x2, s20  }
0xa: {  	p0 =	seq.s32 s20, $0x0;
	s30 =	sshrl.u32 s29, $0x1;
	s10 =	sshrl.u32 s10, $0x2  }
0xb: {  	s7 =	sadd.s32 s7, s6;
	s6 =	sadd.s32 $0xF600, s8;
	s13 =	ssub.s32 s29, s30  }
0xc: {  	s14 =	sadd.s32 s10, s3;
	s10 =	smul.u32 $0x78, s1;
	s9 =	sshrl.u32 s7, $0x3  }
0xd: {  	s7 =	sadd.s32 $0x4600, s8;
	s11 =	sadd.s32 s9, s8;
	s8 =	sadd.s32 $0x780, s12  }
0xe: {  	s9 =	sor.u32 $0x1C03, s31;
	s12 =	sshrl.u32 s14, $0x3;
	s14 =	simm.s32 $0x1400  }
0xf: {  	s8 =	smov.u32 @p0 s10;
	s10 =	sadd.s32 $0x41600, s11;
	s11 =	smax.u32 s13, $0x1  }
0x10: {  	s13 =	simm.s32 $0x3;
	p0 =	sne.s32 s20, $0x0;
	s20 =	simm.s32 $0x2700  }
.LBB2_1:
0x11: {  	[spmem:s12], [sflag:s9] =	dma.local [hbm:s7], $0x2800  }
0x12: {  	_ =	swait.ge [sflag:s13], $0x2800  }
0x13: {  	[sflag:s13] =	ssyncset.done $0x0  }
0x14: {  	[sflag:s13] =	ssyncadd.s32 $0xFFFFD800  }
0x15: {  	s22 =	simm.s32 $0x0;
	[bflag:$0x0] =	sbarrier.arrive $0xFFFF  }
.LBB2_2:
0x16: {  	s23 =	smul.u32 $0x28, s22;
	_ =	sdelay $0x1  }
0x17: {  	s23 =	sadd.s32 s8, s23  }
0x18: {  	s23 =	sshll.u32 s23, $0x4  }
0x19: {  	s25 =	simm.s32 $0x0;
	s24 =	sadd.s32 s6, s23  }
0x1a: {  	[tilespmem:s25], [sflag:$0x3] =	stream.linear.gather [hbm4b:s24+s25], $0x1400, $0x38;
	[tilespmem:$0x1E800] =	vst v63  }
0x1b: {  	_ =	swait.ge [sflag:s13], $0x1400  }
0x1c: {  	[sflag:s13] =	ssyncset.done $0x0  }
0x1d: {  	s23 =	sadd.s32 s2, s23;
	[sflag:s13] =	ssyncadd.s32 $0xFFFFEC00  }
0x1e: {  	[tilespmem:s14], [sflag:$0x3] =	stream.linear.gather [hbm4b:s23+s25], $0x1400, $0x38;
	[tilespmem:$0x1E800] =	vst v63  }
0x1f: {  	_ =	swait.ge [sflag:s13], $0x1400  }
0x20: {  	[sflag:s13] =	ssyncset.done $0x0  }
0x21: {  	[sflag:s13] =	ssyncadd.s32 $0xFFFFEC00  }
0x22: {  	[tilespmem:s16], [sflag:$0x1] =	stream.indirect.gather [hbm4b:s5+s15], $0x80, s25, s15, $0xb8;
	[tilespmem:$0x1E800] =	vst v63  }
0x23: {  	_ = 	snop  }
0x24: {  	[tilespmem:s17], [sflag:$0x2] =	stream.indirect.gather [hbm4b:s5+s15], $0x80, s15, s15, $0xb8;
	[tilespmem:$0x1E800] =	vst v63  }
0x25: {  	_ =	swait.ge [sflag:s18], $0x4000  }
0x26: {  	[sflag:s18] =	ssyncset.done $0x0  }
0x27: {  	s29 =	simm.s32 $0x1400;
	[sflag:s18] =	ssyncadd.s32 $0xFFFFC000  }
0x28: {  	[spmem:s3] =	stream.indirect.scatter.add.f32 [tilespmem:s16], [sflag:$0x3], $0x80, s29, s15, $0xb8;
	[tilespmem:$0x1E800] =	vst v63  }
0x29: {  	_ =	swait.ge [sflag:s13], $0x4000  }
0x2a: {  	[sflag:s13] =	ssyncset.done $0x0  }
0x2b: {  	s30 =	simm.s32 $0x100;
	[sflag:s13] =	ssyncadd.s32 $0xFFFFC000  }
0x2c: {  	[tilespmem:s16], [sflag:$0x1] =	stream.indirect.gather [hbm4b:s5+s15], $0x80, s30, s15, $0xb8;
	[tilespmem:$0x1E800] =	vst v63  }
0x2d: {  	_ =	swait.ge [sflag:s19], $0x4000  }
0x2e: {  	[sflag:s19] =	ssyncset.done $0x0  }
0x2f: {  	s31 =	simm.s32 $0x1480;
	[sflag:s19] =	ssyncadd.s32 $0xFFFFC000  }
0x30: {  	[spmem:s3] =	stream.indirect.scatter.add.f32 [tilespmem:s17], [sflag:$0x3], $0x80, s31, s15, $0xb8;
	[tilespmem:$0x1E800] =	vst v63  }
0x31: {  	_ =	swait.ge [sflag:s13], $0x4000  }
0x32: {  	[sflag:s13] =	ssyncset.done $0x0  }
0x33: {  	s24 =	simm.s32 $0x180;
	s23 =	simm.s32 $0x400;
	[sflag:s13] =	ssyncadd.s32 $0xFFFFC000  }
.LBB2_3:
0x34: {  	[tilespmem:s17], [sflag:$0x2] =	stream.indirect.gather [hbm4b:s5+s15], $0x80, s24, s15, $0xb8;
	[tilespmem:$0x1E800] =	vst v63  }
0x35: {  	s24 =	smov.u32 s23  }
0x36: {  	p1 =	sne.s32 s23, $0x4800;
	s23 =	sadd.s32 $0x400, s23;
	_ =	swait.ge [sflag:s18], $0x4000  }
0x37: {  	s24 =	sshra.s32 s24, $0x2;
	[sflag:s18] =	ssyncset.done $0x0  }
0x38: {  	s25 =	sadd.s32 $0x1400, s24;
	[sflag:s18] =	ssyncadd.s32 $0xFFFFC000  }
0x39: {  	[spmem:s3] =	stream.indirect.scatter.add.f32 [tilespmem:s16], [sflag:$0x3], $0x80, s25, s15, $0xb8;
	[tilespmem:$0x1E800] =	vst v63  }
0x3a: {  	_ =	swait.ge [sflag:s13], $0x4000  }
0x3b: {  	[sflag:s13] =	ssyncset.done $0x0  }
0x3c: {  	s25 =	sadd.s32 $0x100, s24;
	[sflag:s13] =	ssyncadd.s32 $0xFFFFC000  }
0x3d: {  	[tilespmem:s16], [sflag:$0x1] =	stream.indirect.gather [hbm4b:s5+s15], $0x80, s25, s15, $0xb8;
	[tilespmem:$0x1E800] =	vst v63  }
0x3e: {  	_ =	swait.ge [sflag:s19], $0x4000  }
0x3f: {  	[sflag:s19] =	ssyncset.done $0x0  }
.Ltmp0:
0x40: {  	s25 =	sadd.s32 $0x1480, s24;
	[sflag:s19] =	ssyncadd.s32 $0xFFFFC000;
	(pc) =	sbr.rel @p1 .LBB2_3-.Ltmp0, $4  }
0x41: {  	[spmem:s3] =	stream.indirect.scatter.add.f32 [tilespmem:s17], [sflag:$0x3], $0x80, s25, s15, $0xb8;
	[tilespmem:$0x1E800] =	vst v63  }
0x42: {  	_ =	swait.ge [sflag:s13], $0x4000  }
0x43: {  	[sflag:s13] =	ssyncset.done $0x0  }
0x44: {  	s24 =	sadd.s32 $0x180, s24;
	[sflag:s13] =	ssyncadd.s32 $0xFFFFC000  }
0x45: {  	[tilespmem:s17], [sflag:$0x2] =	stream.indirect.gather [hbm4b:s5+s15], $0x80, s24, s15, $0xb8;
	[tilespmem:$0x1E800] =	vst v63  }
0x46: {  	_ =	swait.ge [sflag:s18], $0x4000  }
0x47: {  	[sflag:s18] =	ssyncset.done $0x0  }
0x48: {  	[sflag:s18] =	ssyncadd.s32 $0xFFFFC000  }
0x49: {  	[spmem:s3] =	stream.indirect.scatter.add.f32 [tilespmem:s16], [sflag:$0x3], $0x80, s20, s15, $0xb8;
	[tilespmem:$0x1E800] =	vst v63  }
0x4a: {  	_ =	swait.ge [sflag:s13], $0x4000  }
0x4b: {  	[sflag:s13] =	ssyncset.done $0x0  }
0x4c: {  	[sflag:s13] =	ssyncadd.s32 $0xFFFFC000  }
0x4d: {  	p1 =	slt.u32 @!p0 s22, $0x2;
	_ =	swait.ge [sflag:s19], $0x4000  }
0x4e: {  	p1 =	por p0, !p1;
	[sflag:s19] =	ssyncset.done $0x0  }
.Ltmp1:
0x4f: {  	[sflag:s19] =	ssyncadd.s32 $0xFFFFC000;
	(pc) =	sbr.rel @!p1 .LBB2_2-.Ltmp1, $4  }
0x50: {  	[spmem:s3] =	stream.indirect.scatter.add.f32 [tilespmem:s17], [sflag:$0x3], $0x80, s21, s15, $0xb8;
	[tilespmem:$0x1E800] =	vst v63  }
0x51: {  	_ =	swait.ge [sflag:s13], $0x4000  }
0x52: {  	[sflag:s13] =	ssyncset.done $0x0  }
0x53: {  	s22 =	sadd.s32 $0x1, s22;
	[sflag:s13] =	ssyncadd.s32 $0xFFFFC000  }
0x54: {  	s4 =	sadd.s32 $0x1, s4  }
0x55: {  	p1 =	sne.s32 s4, s11  }
.Ltmp2:
0x56: {  	[bflag:$0x0] =	sbarrier.arrive $0xFFFF;
	(pc) =	sbr.rel @p1 .LBB2_1-.Ltmp2, $4  }
0x57: {  	[hbm:s10], [sflag:s9] =	dma.local [spmem:s12], $0x2800  }
0x58: {  	_ =	swait.ge [sflag:s13], $0x2800  }
0x59: {  	[sflag:s13] =	ssyncset.done $0x0  }
0x5a: {  	[sflag:s13] =	ssyncadd.s32 $0xFFFFD800  }
0x5b: {  	_ =	sfence.sel $0x180000  }
0x5c: {  	[bflag:$0x0] =	sbarrier.arrive $0xFFFF  }
0x5d: {  	p0 =	sne.s32 s1, $0x0;
	_ =	strace $0x9000004D  }
0x5e: {  	s0 =	sadd.s32 @!p0 $0x100000, s0;
	[bflag:$0x2] =	sbarrier.arrive $0xFFFF  }
0x5f: {  	[sflag:s0] =	ssyncadd.tile.s32 @!p0 $0x1;
	_ =	shalt  }
.Lfunc_end2:
_tile_overlayer_lowered:
.L_overlay_start_2:
0x60: {  	(tag) =	ssettag $0x2  }
0x61: {  	s0 =	rddreg [dreg:$0x0];
	s2 =	stileid.u32  }
0x62: {  	s1 =	rddreg [dreg:$0x1];
	p0 =	sne.s32 s2, $0x0  }
0x63: {  	s3 =	rddreg [dreg:$0x2];
	[bflag:$0x3] =	sbarrier.arrive $0xFFFF;
	s2 =	simm.s32 @!p0 $0x1C03  }
0x64: {  	[timem:s3], [sflag:s2] =	dma.local @!p0 [hbm:s0], s1  }
0x65: {  	s0 =	simm.s32 @!p0 $0x3  }
0x66: {  	_ =	swait.ge @!p0 [sflag:s0], s1  }
0x67: {  	s1 =	ssub.s32 @!p0 $0x0, s1;
	[sflag:s0] =	ssyncset.done @!p0 $0x0  }
0x68: {  	[sflag:s0] =	ssyncadd.s32 @!p0 s1  }
0x69: {  	[bflag:$0x3] =	sbarrier.arrive $0xFFFF  }
0x6a: {  	_ =	shalt  }

</sc_bundles>
